<compile_context>
chip_gen: v7x
topology: tpu7x:2x2x1
jax: 0.10.2.dev20260603
libtpu: 0.0.44.dev20260713+nightly
codegen_flags: <defaults>
</compile_context>

<pallas_src>
import functools

import jax
import jax.numpy as jnp
from jax import lax
from jax.experimental import pallas as pl
from jax.experimental.pallas import tpu as pltpu
from jax.experimental.pallas import tpu_sc as plsc

_BS = 4
_P = 4096
_K = 32
_R2 = 0.2 * 0.2
_L = 16
_NW = 32
_CPW = _BS * _P // _NW
_WPB = _P // _CPW
_NV = _P // _L
_CHUNK = 16
_SUB = 16
_NCH = _NV // _CHUNK
_SCRATCH = 3 * _CHUNK * _L + _L


def _radius_body(xyz_hbm, nbr_hbm, fil_hbm, x_ref, y_ref, z_ref,
                 sc_ref, nbr_v, fil_v, cnt_ref):
    wid = lax.axis_index("s") * 2 + lax.axis_index("c")
    b = wid // _WPB
    c0 = (wid % _WPB) * _CPW

    pltpu.sync_copy(xyz_hbm.at[pl.ds((b * 3 + 0) * _P, _P)],
                    x_ref.at[pl.ds(0, _P)])
    pltpu.sync_copy(xyz_hbm.at[pl.ds((b * 3 + 1) * _P, _P)],
                    y_ref.at[pl.ds(0, _P)])
    pltpu.sync_copy(xyz_hbm.at[pl.ds((b * 3 + 2) * _P, _P)],
                    z_ref.at[pl.ds(0, _P)])

    lanes = lax.iota(jnp.int32, 16)

    def per_center(i, _):
        c = c0 + i
        cxv = jnp.full((16,), x_ref[pl.ds(c, _L)][0], jnp.float32)
        cyv = jnp.full((16,), y_ref[pl.ds(c, _L)][0], jnp.float32)
        czv = jnp.full((16,), z_ref[pl.ds(c, _L)][0], jnp.float32)

        def scan_chunk(base, cnt):
            ms = []
            for u in range(_CHUNK):
                off = base + u * _L
                px = x_ref[pl.ds(off, _L)]
                py = y_ref[pl.ds(off, _L)]
                pz = z_ref[pl.ds(off, _L)]
                dx = px - cxv
                dy = py - cyv
                dz = pz - czv
                ms.append(dx * dx + dy * dy + dz * dz < _R2)
            for u in range(_CHUNK):
                off = base + u * _L
                plsc.store_compressed(sc_ref.at[pl.ds(cnt, _L)],
                                      off + lanes, mask=ms[u])
                cnt = cnt + plsc.all_reduce_population_count(ms[u])[0]
            return cnt

        cnt = scan_chunk(0, 0)
        cnt = scan_chunk(_CHUNK * _L, cnt)
        cnt = scan_chunk(2 * _CHUNK * _L, cnt)
        cnt_ref[0] = cnt

        def chunk_step(ch, _c):
            @pl.when(cnt_ref[0] < _K)
            def _do_chunk():
                cnt_ref[0] = scan_chunk(ch * (_CHUNK * _L), cnt_ref[0])

            return 0

        lax.fori_loop(3, 6, chunk_step, 0)

        @pl.when(cnt_ref[0] < _K)
        def _tail():
            lax.fori_loop(6, _NCH, chunk_step, 0)
        cnt = jnp.full((16,), cnt_ref[0], jnp.int32)

        v0 = sc_ref[pl.ds(0, _L)]
        v1 = sc_ref[pl.ds(_L, _L)]
        first = jnp.full((16,), v0[0], jnp.int32)
        f0 = lax.shift_right_logical(lanes - cnt, 31)
        f1 = lax.shift_right_logical((lanes + _L) - cnt, 31)
        o = i * _K
        nbr_v[pl.ds(o, _L)] = v0 * f0 + first * (1 - f0)
        nbr_v[pl.ds(o + _L, _L)] = v1 * f1 + first * (1 - f1)
        fil_v[pl.ds(o, _L)] = f0
        fil_v[pl.ds(o + _L, _L)] = f1
        return 0

    lax.fori_loop(0, _CPW, per_center, 0)

    pltpu.sync_copy(nbr_v, nbr_hbm.at[pl.ds(wid * _CPW * _K, _CPW * _K)])
    pltpu.sync_copy(fil_v, fil_hbm.at[pl.ds(wid * _CPW * _K, _CPW * _K)])


_radius_sc = functools.partial(
    pl.kernel,
    mesh=plsc.VectorSubcoreMesh(core_axis_name="c", subcore_axis_name="s"),
    out_type=[
        jax.ShapeDtypeStruct((_BS * _P * _K,), jnp.int32),
        jax.ShapeDtypeStruct((_BS * _P * _K,), jnp.int32),
    ],
    scratch_types=[
        pltpu.VMEM((_P + _L,), jnp.float32),
        pltpu.VMEM((_P + _L,), jnp.float32),
        pltpu.VMEM((_P + _L,), jnp.float32),
        pltpu.VMEM((_SCRATCH,), jnp.int32),
        pltpu.VMEM((_CPW * _K,), jnp.int32),
        pltpu.VMEM((_CPW * _K,), jnp.int32),
        pltpu.SMEM((1,), jnp.int32),
    ],
    compiler_params=pltpu.CompilerParams(needs_layout_passes=False),
)(_radius_body)


def kernel(xyz):
    bs, p = xyz.shape[:2]
    xyz_t = jnp.transpose(xyz, (0, 2, 1)).reshape(-1)
    nbr_f, fil_f = _radius_sc(xyz_t)
    nbr = nbr_f.reshape(bs, p, _K)
    filled = fil_f.reshape(bs, p, _K) != 0
    ctr = jnp.broadcast_to(
        jnp.arange(p, dtype=jnp.int32)[None, :, None], (bs, p, _K))
    edges = jnp.stack([nbr, ctr], axis=-1)
    return edges, filled, xyz

# --- scband reference (transcript-rebuilt; emitter-appended) ---
"""Pipeline reference for scband-radius-graph-47416438948014 (READ-ONLY COPY).

The authoritative reference and input builder live on the scoring server;
editing this copy changes nothing except your own understanding.
"""

import jax, jax.numpy as jnp
import numpy as np

K = 32
RADIUS = 0.2
SCALE_FACTOR = 1


def setup_inputs(seed: int = 0) -> dict:
    key = jax.random.key(seed)
    # point coordinates uniform in [0,1)^3 so that a 0.2-radius ball contains
    # ~137 of 4096 points on average (> K, so most slots fill)
    xyz = jax.random.uniform(key, (4, 4096, 3), dtype=jnp.float32)
    return {"xyz": xyz}


def _ball_query(xyz, centers, radius, k):
    # xyz: (bs, p0, 3), centers: (bs, p1, 3)
    # pairwise squared distances (bs, p1, p0) -- the compute-heavy O(p1*p0*3) step
    d2 = jnp.sum((centers[:, :, None, :] - xyz[:, None, :, :]) ** 2, axis=-1)
    p0 = xyz.shape[1]
    in_ball = d2 < (radius * radius)
    idx_arr = jnp.arange(p0, dtype=jnp.int32)
    # candidates: own index if inside ball, sentinel p0 otherwise
    cand = jnp.where(in_ball, idx_arr[None, None, :], jnp.int32(p0))
    # k smallest indices (i.e. first k points within the ball, in index order),
    # matching the deterministic fill order of the CUDA ball_query kernel
    neg_vals, _ = jax.lax.top_k(-cand, k)
    idx = -neg_vals  # (bs, p1, k), ascending
    is_filled = idx < p0
    # unfilled slots are replicated with the first valid neighbor
    first = idx[..., :1]
    nbr_idx = jnp.where(is_filled, idx, first).astype(jnp.int32)
    return nbr_idx, is_filled


def reference(xyz):
    bs, p = xyz.shape[:2]
    if SCALE_FACTOR > 1:
        raise NotImplementedError("scale_factor > 1 (FPS) not exercised in this config")
    ctr_idx = jnp.broadcast_to(jnp.arange(p, dtype=jnp.int32)[None, :], (bs, p))
    child_xyz = xyz
    nbr_idx, is_filled = _ball_query(xyz, child_xyz, RADIUS, K)
    ctr = jnp.broadcast_to(ctr_idx[..., None], nbr_idx.shape).astype(jnp.int32)
    edges = jnp.stack([nbr_idx, ctr], axis=-1)  # (bs, p1, k, 2)
    return edges, is_filled, child_xyz

if __name__ == "__main__":
    import jax
    _d = setup_inputs()
    print(jax.jit(kernel)(*tuple(_d.values())))

</pallas_src>

<mosaic_0001>
#map = affine_map<(d0, d1) -> (0)>
module attributes {stable_mosaic.version = 14 : i64} {
  func.func @_radius_body(%arg0: i32, %arg1: i32, %arg2: memref<49152xf32, #tpu.memory_space<hbm>>, %arg3: memref<524288xi32, #tpu.memory_space<hbm>>, %arg4: memref<524288xi32, #tpu.memory_space<hbm>>, %arg5: memref<4112xf32, #tpu.memory_space<vmem>>, %arg6: memref<4112xf32, #tpu.memory_space<vmem>>, %arg7: memref<4112xf32, #tpu.memory_space<vmem>>, %arg8: memref<784xi32, #tpu.memory_space<vmem>>, %arg9: memref<16384xi32, #tpu.memory_space<vmem>>, %arg10: memref<16384xi32, #tpu.memory_space<vmem>>, %arg11: memref<1xi32, #tpu.memory_space<smem>>) attributes {dimension_semantics = [#tpu.dimension_semantics<core_parallel>, #tpu.dimension_semantics<subcore_parallel>], iteration_bounds = array<i64: 2, 16>, scalar_prefetch = 0 : i64, scratch_operands = 7 : i64, tpu.core_type = #tpu.core_type<sc_vector_subcore>, window_params = [{transform_indices = #map}, {transform_indices = #map}, {transform_indices = #map}]} {
    %mul3A = arith.constant 2 : i32
    %mul3A_0 = arith.muli %arg1, %mul3A : i32
    %add3A = arith.addi %mul3A_0, %arg0 : i32
    %jit3A = arith.constant 8 : i32
    %div3A = arith.divsi %add3A, %jit3A : i32
    %sign3A = arith.constant 0 : i32
    %sign3A_1 = arith.cmpi sgt, %add3A, %sign3A : i32
    %sign3A_2 = arith.extui %sign3A_1 : i1 to i32
    %sign3A_3 = arith.constant 0 : i32
    %sign3A_4 = arith.cmpi slt, %add3A, %sign3A_3 : i32
    %sign3A_5 = arith.extui %sign3A_4 : i1 to i32
    %sign3A_6 = arith.subi %sign3A_2, %sign3A_5 : i32
    %sign3A_7 = arith.constant 0 : i32
    %sign3A_8 = arith.cmpi sgt, %jit3A, %sign3A_7 : i32
    %sign3A_9 = arith.extui %sign3A_8 : i1 to i32
    %sign3A_10 = arith.constant 0 : i32
    %sign3A_11 = arith.cmpi slt, %jit3A, %sign3A_10 : i32
    %sign3A_12 = arith.extui %sign3A_11 : i1 to i32
    %sign3A_13 = arith.subi %sign3A_9, %sign3A_12 : i32
    %ne3A = arith.cmpi ne, %sign3A_6, %sign3A_13 : i32
    %rem3A = arith.remsi %add3A, %jit3A : i32
    %ne3A_14 = arith.constant 0 : i32
    %ne3A_15 = arith.cmpi ne, %rem3A, %ne3A_14 : i32
    %and3A = arith.andi %ne3A, %ne3A_15 : i1
    %sub3A = arith.constant 1 : i32
    %sub3A_16 = arith.subi %div3A, %sub3A : i32
    %select_n3A = arith.select %and3A, %sub3A_16, %div3A : i32
    %jit3A_17 = arith.constant 8 : i32
    %eq3A = arith.constant 0 : i32
    %eq3A_18 = arith.cmpi eq, %jit3A_17, %eq3A : i32
    %jit3A_19 = arith.constant 1 : i32
    %select_n3A_20 = arith.select %eq3A_18, %jit3A_19, %jit3A_17 : i32
    %rem3A_21 = arith.remsi %add3A, %select_n3A_20 : i32
    %ne3A_22 = arith.constant 0 : i32
    %ne3A_23 = arith.cmpi ne, %rem3A_21, %ne3A_22 : i32
    %lt3A = arith.constant 0 : i32
    %lt3A_24 = arith.cmpi slt, %rem3A_21, %lt3A : i32
    %lt3A_25 = arith.constant 0 : i32
    %lt3A_26 = arith.cmpi slt, %select_n3A_20, %lt3A_25 : i32
    %ne3A_27 = arith.xori %lt3A_24, %lt3A_26 : i1
    %and3A_28 = arith.andi %ne3A_27, %ne3A_23 : i1
    %add3A_29 = arith.addi %rem3A_21, %select_n3A_20 : i32
    %select_n3A_30 = arith.select %and3A_28, %add3A_29, %rem3A_21 : i32
    %mul3A_31 = arith.constant 512 : i32
    %mul3A_32 = arith.muli %select_n3A_30, %mul3A_31 : i32
    %mul3A_33 = arith.constant 3 : i32
    %mul3A_34 = arith.muli %select_n3A, %mul3A_33 : i32
    %add3A_35 = arith.constant 0 : i32
    %add3A_36 = arith.addi %mul3A_34, %add3A_35 : i32
    %mul3A_37 = arith.constant 4096 : i32
    %mul3A_38 = arith.muli %add3A_36, %mul3A_37 : i32
    "tpu.region"() ({
      %run_scoped3A = tpu.sem_alloc : memref<!tpu.dma_semaphore, #tpu.memory_space<semaphore_mem>>
      %dma_start3A = arith.constant 0 : i32
      %dma_start3A_65 = tpu.memref_slice %arg5[%dma_start3A] : memref<4112xf32, #tpu.memory_space<vmem>> -> memref<4096xf32, #tpu.memory_space<vmem>>
      %dma_start3A_66 = tpu.memref_slice %arg2[%mul3A_38] : memref<49152xf32, #tpu.memory_space<hbm>> -> memref<4096xf32, #tpu.memory_space<hbm>>
      %dma_start3A_67 = arith.constant 0 : i32
      %dma_start3A_68 = tpu.memref_slice %arg5[%dma_start3A_67] : memref<4112xf32, #tpu.memory_space<vmem>> -> memref<4096xf32, #tpu.memory_space<vmem>>
      %dma_start3A_69 = tpu.memref_slice %arg2[%mul3A_38] : memref<49152xf32, #tpu.memory_space<hbm>> -> memref<4096xf32, #tpu.memory_space<hbm>>
      tpu.enqueue_dma source(%dma_start3A_69 : memref<4096xf32, #tpu.memory_space<hbm>>) target(%dma_start3A_68 : memref<4096xf32, #tpu.memory_space<vmem>>) target_semaphore(%run_scoped3A : memref<!tpu.dma_semaphore, #tpu.memory_space<semaphore_mem>>)
      %dma_wait3A = arith.constant 0 : i32
      %dma_wait3A_70 = tpu.memref_slice %arg5[%dma_wait3A] : memref<4112xf32, #tpu.memory_space<vmem>> -> memref<4096xf32, #tpu.memory_space<vmem>>
      %dma_wait3A_71 = tpu.memref_slice %arg2[%mul3A_38] : memref<49152xf32, #tpu.memory_space<hbm>> -> memref<4096xf32, #tpu.memory_space<hbm>>
      %dma_wait3A_72 = arith.constant 0 : i32
      %dma_wait3A_73 = tpu.memref_slice %arg5[%dma_wait3A_72] : memref<4112xf32, #tpu.memory_space<vmem>> -> memref<4096xf32, #tpu.memory_space<vmem>>
      %dma_wait3A_74 = tpu.memref_slice %arg2[%mul3A_38] : memref<49152xf32, #tpu.memory_space<hbm>> -> memref<4096xf32, #tpu.memory_space<hbm>>
      tpu.wait_dma2 semaphore(%run_scoped3A : memref<!tpu.dma_semaphore, #tpu.memory_space<semaphore_mem>>) src(%dma_wait3A_74 : memref<4096xf32, #tpu.memory_space<hbm>>) dst(%dma_wait3A_73 : memref<4096xf32, #tpu.memory_space<vmem>>)
      tpu.yield
    }) : () -> ()
    %mul3A_39 = arith.constant 3 : i32
    %mul3A_40 = arith.muli %select_n3A, %mul3A_39 : i32
    %add3A_41 = arith.constant 1 : i32
    %add3A_42 = arith.addi %mul3A_40, %add3A_41 : i32
    %mul3A_43 = arith.constant 4096 : i32
    %mul3A_44 = arith.muli %add3A_42, %mul3A_43 : i32
    "tpu.region"() ({
      %run_scoped3A = tpu.sem_alloc : memref<!tpu.dma_semaphore, #tpu.memory_space<semaphore_mem>>
      %dma_start3A = arith.constant 0 : i32
      %dma_start3A_65 = tpu.memref_slice %arg6[%dma_start3A] : memref<4112xf32, #tpu.memory_space<vmem>> -> memref<4096xf32, #tpu.memory_space<vmem>>
      %dma_start3A_66 = tpu.memref_slice %arg2[%mul3A_44] : memref<49152xf32, #tpu.memory_space<hbm>> -> memref<4096xf32, #tpu.memory_space<hbm>>
      %dma_start3A_67 = arith.constant 0 : i32
      %dma_start3A_68 = tpu.memref_slice %arg6[%dma_start3A_67] : memref<4112xf32, #tpu.memory_space<vmem>> -> memref<4096xf32, #tpu.memory_space<vmem>>
      %dma_start3A_69 = tpu.memref_slice %arg2[%mul3A_44] : memref<49152xf32, #tpu.memory_space<hbm>> -> memref<4096xf32, #tpu.memory_space<hbm>>
      tpu.enqueue_dma source(%dma_start3A_69 : memref<4096xf32, #tpu.memory_space<hbm>>) target(%dma_start3A_68 : memref<4096xf32, #tpu.memory_space<vmem>>) target_semaphore(%run_scoped3A : memref<!tpu.dma_semaphore, #tpu.memory_space<semaphore_mem>>)
      %dma_wait3A = arith.constant 0 : i32
      %dma_wait3A_70 = tpu.memref_slice %arg6[%dma_wait3A] : memref<4112xf32, #tpu.memory_space<vmem>> -> memref<4096xf32, #tpu.memory_space<vmem>>
      %dma_wait3A_71 = tpu.memref_slice %arg2[%mul3A_44] : memref<49152xf32, #tpu.memory_space<hbm>> -> memref<4096xf32, #tpu.memory_space<hbm>>
      %dma_wait3A_72 = arith.constant 0 : i32
      %dma_wait3A_73 = tpu.memref_slice %arg6[%dma_wait3A_72] : memref<4112xf32, #tpu.memory_space<vmem>> -> memref<4096xf32, #tpu.memory_space<vmem>>
      %dma_wait3A_74 = tpu.memref_slice %arg2[%mul3A_44] : memref<49152xf32, #tpu.memory_space<hbm>> -> memref<4096xf32, #tpu.memory_space<hbm>>
      tpu.wait_dma2 semaphore(%run_scoped3A : memref<!tpu.dma_semaphore, #tpu.memory_space<semaphore_mem>>) src(%dma_wait3A_74 : memref<4096xf32, #tpu.memory_space<hbm>>) dst(%dma_wait3A_73 : memref<4096xf32, #tpu.memory_space<vmem>>)
      tpu.yield
    }) : () -> ()
    %mul3A_45 = arith.constant 3 : i32
    %mul3A_46 = arith.muli %select_n3A, %mul3A_45 : i32
    %add3A_47 = arith.constant 2 : i32
    %add3A_48 = arith.addi %mul3A_46, %add3A_47 : i32
    %mul3A_49 = arith.constant 4096 : i32
    %mul3A_50 = arith.muli %add3A_48, %mul3A_49 : i32
    "tpu.region"() ({
      %run_scoped3A = tpu.sem_alloc : memref<!tpu.dma_semaphore, #tpu.memory_space<semaphore_mem>>
      %dma_start3A = arith.constant 0 : i32
      %dma_start3A_65 = tpu.memref_slice %arg7[%dma_start3A] : memref<4112xf32, #tpu.memory_space<vmem>> -> memref<4096xf32, #tpu.memory_space<vmem>>
      %dma_start3A_66 = tpu.memref_slice %arg2[%mul3A_50] : memref<49152xf32, #tpu.memory_space<hbm>> -> memref<4096xf32, #tpu.memory_space<hbm>>
      %dma_start3A_67 = arith.constant 0 : i32
      %dma_start3A_68 = tpu.memref_slice %arg7[%dma_start3A_67] : memref<4112xf32, #tpu.memory_space<vmem>> -> memref<4096xf32, #tpu.memory_space<vmem>>
      %dma_start3A_69 = tpu.memref_slice %arg2[%mul3A_50] : memref<49152xf32, #tpu.memory_space<hbm>> -> memref<4096xf32, #tpu.memory_space<hbm>>
      tpu.enqueue_dma source(%dma_start3A_69 : memref<4096xf32, #tpu.memory_space<hbm>>) target(%dma_start3A_68 : memref<4096xf32, #tpu.memory_space<vmem>>) target_semaphore(%run_scoped3A : memref<!tpu.dma_semaphore, #tpu.memory_space<semaphore_mem>>)
      %dma_wait3A = arith.constant 0 : i32
      %dma_wait3A_70 = tpu.memref_slice %arg7[%dma_wait3A] : memref<4112xf32, #tpu.memory_space<vmem>> -> memref<4096xf32, #tpu.memory_space<vmem>>
      %dma_wait3A_71 = tpu.memref_slice %arg2[%mul3A_50] : memref<49152xf32, #tpu.memory_space<hbm>> -> memref<4096xf32, #tpu.memory_space<hbm>>
      %dma_wait3A_72 = arith.constant 0 : i32
      %dma_wait3A_73 = tpu.memref_slice %arg7[%dma_wait3A_72] : memref<4112xf32, #tpu.memory_space<vmem>> -> memref<4096xf32, #tpu.memory_space<vmem>>
      %dma_wait3A_74 = tpu.memref_slice %arg2[%mul3A_50] : memref<49152xf32, #tpu.memory_space<hbm>> -> memref<4096xf32, #tpu.memory_space<hbm>>
      tpu.wait_dma2 semaphore(%run_scoped3A : memref<!tpu.dma_semaphore, #tpu.memory_space<semaphore_mem>>) src(%dma_wait3A_74 : memref<4096xf32, #tpu.memory_space<hbm>>) dst(%dma_wait3A_73 : memref<4096xf32, #tpu.memory_space<vmem>>)
      tpu.yield
    }) : () -> ()
    %iota3A = tpu.iota {dimensions = array<i32: 0>} : vector<16xi32>
    %scan3A = arith.constant 0 : i32
    %scan3A_51 = arith.constant 0 : i32
    %scan3A_52 = arith.constant 512 : i32
    %scan3A_53 = arith.addi %scan3A_51, %scan3A_52 : i32
    %scan3A_54 = arith.constant 1 : i32
    %scan3A_55 = scf.for %scan3A_65 = %scan3A_51 to %scan3A_53 step %scan3A_54 iter_args(%scan3A_66 = %scan3A) -> (i32)  : i32 {
      %add3A_67 = arith.addi %mul3A_32, %scan3A_65 : i32
      %get3A = arith.index_cast %add3A_67 : i32 to index
      %get3A_68 = tpu.vector_load %arg5[%get3A] {strides = array<i32>} : memref<4112xf32, #tpu.memory_space<vmem>>, vector<16xf32>,
      %slice3A = vector.extract_strided_slice %get3A_68 {offsets = [0], sizes = [1], strides = [1]} : vector<16xf32> to vector<1xf32>
      %squeeze3A = vector.extract %slice3A[0] : f32 from vector<1xf32>
      %broadcast_in_dim3A = vector.broadcast %squeeze3A : f32 to vector<16xf32>
      %get3A_69 = arith.index_cast %add3A_67 : i32 to index
      %get3A_70 = tpu.vector_load %arg6[%get3A_69] {strides = array<i32>} : memref<4112xf32, #tpu.memory_space<vmem>>, vector<16xf32>,
      %slice3A_71 = vector.extract_strided_slice %get3A_70 {offsets = [0], sizes = [1], strides = [1]} : vector<16xf32> to vector<1xf32>
      %squeeze3A_72 = vector.extract %slice3A_71[0] : f32 from vector<1xf32>
      %broadcast_in_dim3A_73 = vector.broadcast %squeeze3A_72 : f32 to vector<16xf32>
      %get3A_74 = arith.index_cast %add3A_67 : i32 to index
      %get3A_75 = tpu.vector_load %arg7[%get3A_74] {strides = array<i32>} : memref<4112xf32, #tpu.memory_space<vmem>>, vector<16xf32>,
      %slice3A_76 = vector.extract_strided_slice %get3A_75 {offsets = [0], sizes = [1], strides = [1]} : vector<16xf32> to vector<1xf32>
      %squeeze3A_77 = vector.extract %slice3A_76[0] : f32 from vector<1xf32>
      %broadcast_in_dim3A_78 = vector.broadcast %squeeze3A_77 : f32 to vector<16xf32>
      %get3A_79 = arith.constant 0 : index
      %get3A_80 = tpu.vector_load %arg5[%get3A_79] {strides = array<i32>} : memref<4112xf32, #tpu.memory_space<vmem>>, vector<16xf32>,
      %get3A_81 = arith.constant 0 : index
      %get3A_82 = tpu.vector_load %arg6[%get3A_81] {strides = array<i32>} : memref<4112xf32, #tpu.memory_space<vmem>>, vector<16xf32>,
      %get3A_83 = arith.constant 0 : index
      %get3A_84 = tpu.vector_load %arg7[%get3A_83] {strides = array<i32>} : memref<4112xf32, #tpu.memory_space<vmem>>, vector<16xf32>,
      %sub3A_85 = arith.subf %get3A_80, %broadcast_in_dim3A : vector<16xf32>
      %sub3A_86 = arith.subf %get3A_82, %broadcast_in_dim3A_73 : vector<16xf32>
      %sub3A_87 = arith.subf %get3A_84, %broadcast_in_dim3A_78 : vector<16xf32>
      %mul3A_88 = arith.mulf %sub3A_85, %sub3A_85 : vector<16xf32>
      %mul3A_89 = arith.mulf %sub3A_86, %sub3A_86 : vector<16xf32>
      %add3A_90 = arith.addf %mul3A_88, %mul3A_89 : vector<16xf32>
      %mul3A_91 = arith.mulf %sub3A_87, %sub3A_87 : vector<16xf32>
      %add3A_92 = arith.addf %add3A_90, %mul3A_91 : vector<16xf32>
      %lt3A_93 = arith.constant 4.000000e-02 : f32
      %lt3A_94 = vector.broadcast %lt3A_93 : f32 to vector<16xf32>
      %lt3A_95 = arith.cmpf olt, %add3A_92, %lt3A_94 : vector<16xf32>
      %get3A_96 = arith.constant 16 : index
      %get3A_97 = tpu.vector_load %arg5[%get3A_96] {strides = array<i32>} : memref<4112xf32, #tpu.memory_space<vmem>>, vector<16xf32>,
      %get3A_98 = arith.constant 16 : index
      %get3A_99 = tpu.vector_load %arg6[%get3A_98] {strides = array<i32>} : memref<4112xf32, #tpu.memory_space<vmem>>, vector<16xf32>,
      %get3A_100 = arith.constant 16 : index
      %get3A_101 = tpu.vector_load %arg7[%get3A_100] {strides = array<i32>} : memref<4112xf32, #tpu.memory_space<vmem>>, vector<16xf32>,
      %sub3A_102 = arith.subf %get3A_97, %broadcast_in_dim3A : vector<16xf32>
      %sub3A_103 = arith.subf %get3A_99, %broadcast_in_dim3A_73 : vector<16xf32>
      %sub3A_104 = arith.subf %get3A_101, %broadcast_in_dim3A_78 : vector<16xf32>
      %mul3A_105 = arith.mulf %sub3A_102, %sub3A_102 : vector<16xf32>
      %mul3A_106 = arith.mulf %sub3A_103, %sub3A_103 : vector<16xf32>
      %add3A_107 = arith.addf %mul3A_105, %mul3A_106 : vector<16xf32>
      %mul3A_108 = arith.mulf %sub3A_104, %sub3A_104 : vector<16xf32>
      %add3A_109 = arith.addf %add3A_107, %mul3A_108 : vector<16xf32>
      %lt3A_110 = arith.constant 4.000000e-02 : f32
      %lt3A_111 = vector.broadcast %lt3A_110 : f32 to vector<16xf32>
      %lt3A_112 = arith.cmpf olt, %add3A_109, %lt3A_111 : vector<16xf32>
      %get3A_113 = arith.constant 32 : index
      %get3A_114 = tpu.vector_load %arg5[%get3A_113] {strides = array<i32>} : memref<4112xf32, #tpu.memory_space<vmem>>, vector<16xf32>,
      %get3A_115 = arith.constant 32 : index
      %get3A_116 = tpu.vector_load %arg6[%get3A_115] {strides = array<i32>} : memref<4112xf32, #tpu.memory_space<vmem>>, vector<16xf32>,
      %get3A_117 = arith.constant 32 : index
      %get3A_118 = tpu.vector_load %arg7[%get3A_117] {strides = array<i32>} : memref<4112xf32, #tpu.memory_space<vmem>>, vector<16xf32>,
      %sub3A_119 = arith.subf %get3A_114, %broadcast_in_dim3A : vector<16xf32>
      %sub3A_120 = arith.subf %get3A_116, %broadcast_in_dim3A_73 : vector<16xf32>
      %sub3A_121 = arith.subf %get3A_118, %broadcast_in_dim3A_78 : vector<16xf32>
      %mul3A_122 = arith.mulf %sub3A_119, %sub3A_119 : vector<16xf32>
      %mul3A_123 = arith.mulf %sub3A_120, %sub3A_120 : vector<16xf32>
      %add3A_124 = arith.addf %mul3A_122, %mul3A_123 : vector<16xf32>
      %mul3A_125 = arith.mulf %sub3A_121, %sub3A_121 : vector<16xf32>
      %add3A_126 = arith.addf %add3A_124, %mul3A_125 : vector<16xf32>
      %lt3A_127 = arith.constant 4.000000e-02 : f32
      %lt3A_128 = vector.broadcast %lt3A_127 : f32 to vector<16xf32>
      %lt3A_129 = arith.cmpf olt, %add3A_126, %lt3A_128 : vector<16xf32>
      %get3A_130 = arith.constant 48 : index
      %get3A_131 = tpu.vector_load %arg5[%get3A_130] {strides = array<i32>} : memref<4112xf32, #tpu.memory_space<vmem>>, vector<16xf32>,
      %get3A_132 = arith.constant 48 : index
      %get3A_133 = tpu.vector_load %arg6[%get3A_132] {strides = array<i32>} : memref<4112xf32, #tpu.memory_space<vmem>>, vector<16xf32>,
      %get3A_134 = arith.constant 48 : index
      %get3A_135 = tpu.vector_load %arg7[%get3A_134] {strides = array<i32>} : memref<4112xf32, #tpu.memory_space<vmem>>, vector<16xf32>,
      %sub3A_136 = arith.subf %get3A_131, %broadcast_in_dim3A : vector<16xf32>
      %sub3A_137 = arith.subf %get3A_133, %broadcast_in_dim3A_73 : vector<16xf32>
      %sub3A_138 = arith.subf %get3A_135, %broadcast_in_dim3A_78 : vector<16xf32>
      %mul3A_139 = arith.mulf %sub3A_136, %sub3A_136 : vector<16xf32>
      %mul3A_140 = arith.mulf %sub3A_137, %sub3A_137 : vector<16xf32>
      %add3A_141 = arith.addf %mul3A_139, %mul3A_140 : vector<16xf32>
      %mul3A_142 = arith.mulf %sub3A_138, %sub3A_138 : vector<16xf32>
      %add3A_143 = arith.addf %add3A_141, %mul3A_142 : vector<16xf32>
      %lt3A_144 = arith.constant 4.000000e-02 : f32
      %lt3A_145 = vector.broadcast %lt3A_144 : f32 to vector<16xf32>
      %lt3A_146 = arith.cmpf olt, %add3A_143, %lt3A_145 : vector<16xf32>
      %get3A_147 = arith.constant 64 : index
      %get3A_148 = tpu.vector_load %arg5[%get3A_147] {strides = array<i32>} : memref<4112xf32, #tpu.memory_space<vmem>>, vector<16xf32>,
      %get3A_149 = arith.constant 64 : index
      %get3A_150 = tpu.vector_load %arg6[%get3A_149] {strides = array<i32>} : memref<4112xf32, #tpu.memory_space<vmem>>, vector<16xf32>,
      %get3A_151 = arith.constant 64 : index
      %get3A_152 = tpu.vector_load %arg7[%get3A_151] {strides = array<i32>} : memref<4112xf32, #tpu.memory_space<vmem>>, vector<16xf32>,
      %sub3A_153 = arith.subf %get3A_148, %broadcast_in_dim3A : vector<16xf32>
      %sub3A_154 = arith.subf %get3A_150, %broadcast_in_dim3A_73 : vector<16xf32>
      %sub3A_155 = arith.subf %get3A_152, %broadcast_in_dim3A_78 : vector<16xf32>
      %mul3A_156 = arith.mulf %sub3A_153, %sub3A_153 : vector<16xf32>
      %mul3A_157 = arith.mulf %sub3A_154, %sub3A_154 : vector<16xf32>
      %add3A_158 = arith.addf %mul3A_156, %mul3A_157 : vector<16xf32>
      %mul3A_159 = arith.mulf %sub3A_155, %sub3A_155 : vector<16xf32>
      %add3A_160 = arith.addf %add3A_158, %mul3A_159 : vector<16xf32>
      %lt3A_161 = arith.constant 4.000000e-02 : f32
      %lt3A_162 = vector.broadcast %lt3A_161 : f32 to vector<16xf32>
      %lt3A_163 = arith.cmpf olt, %add3A_160, %lt3A_162 : vector<16xf32>
      %get3A_164 = arith.constant 80 : index
      %get3A_165 = tpu.vector_load %arg5[%get3A_164] {strides = array<i32>} : memref<4112xf32, #tpu.memory_space<vmem>>, vector<16xf32>,
      %get3A_166 = arith.constant 80 : index
      %get3A_167 = tpu.vector_load %arg6[%get3A_166] {strides = array<i32>} : memref<4112xf32, #tpu.memory_space<vmem>>, vector<16xf32>,
      %get3A_168 = arith.constant 80 : index
      %get3A_169 = tpu.vector_load %arg7[%get3A_168] {strides = array<i32>} : memref<4112xf32, #tpu.memory_space<vmem>>, vector<16xf32>,
      %sub3A_170 = arith.subf %get3A_165, %broadcast_in_dim3A : vector<16xf32>
      %sub3A_171 = arith.subf %get3A_167, %broadcast_in_dim3A_73 : vector<16xf32>
      %sub3A_172 = arith.subf %get3A_169, %broadcast_in_dim3A_78 : vector<16xf32>
      %mul3A_173 = arith.mulf %sub3A_170, %sub3A_170 : vector<16xf32>
      %mul3A_174 = arith.mulf %sub3A_171, %sub3A_171 : vector<16xf32>
      %add3A_175 = arith.addf %mul3A_173, %mul3A_174 : vector<16xf32>
      %mul3A_176 = arith.mulf %sub3A_172, %sub3A_172 : vector<16xf32>
      %add3A_177 = arith.addf %add3A_175, %mul3A_176 : vector<16xf32>
      %lt3A_178 = arith.constant 4.000000e-02 : f32
      %lt3A_179 = vector.broadcast %lt3A_178 : f32 to vector<16xf32>
      %lt3A_180 = arith.cmpf olt, %add3A_177, %lt3A_179 : vector<16xf32>
      %get3A_181 = arith.constant 96 : index
      %get3A_182 = tpu.vector_load %arg5[%get3A_181] {strides = array<i32>} : memref<4112xf32, #tpu.memory_space<vmem>>, vector<16xf32>,
      %get3A_183 = arith.constant 96 : index
      %get3A_184 = tpu.vector_load %arg6[%get3A_183] {strides = array<i32>} : memref<4112xf32, #tpu.memory_space<vmem>>, vector<16xf32>,
      %get3A_185 = arith.constant 96 : index
      %get3A_186 = tpu.vector_load %arg7[%get3A_185] {strides = array<i32>} : memref<4112xf32, #tpu.memory_space<vmem>>, vector<16xf32>,
      %sub3A_187 = arith.subf %get3A_182, %broadcast_in_dim3A : vector<16xf32>
      %sub3A_188 = arith.subf %get3A_184, %broadcast_in_dim3A_73 : vector<16xf32>
      %sub3A_189 = arith.subf %get3A_186, %broadcast_in_dim3A_78 : vector<16xf32>
      %mul3A_190 = arith.mulf %sub3A_187, %sub3A_187 : vector<16xf32>
      %mul3A_191 = arith.mulf %sub3A_188, %sub3A_188 : vector<16xf32>
      %add3A_192 = arith.addf %mul3A_190, %mul3A_191 : vector<16xf32>
      %mul3A_193 = arith.mulf %sub3A_189, %sub3A_189 : vector<16xf32>
      %add3A_194 = arith.addf %add3A_192, %mul3A_193 : vector<16xf32>
      %lt3A_195 = arith.constant 4.000000e-02 : f32
      %lt3A_196 = vector.broadcast %lt3A_195 : f32 to vector<16xf32>
      %lt3A_197 = arith.cmpf olt, %add3A_194, %lt3A_196 : vector<16xf32>
      %get3A_198 = arith.constant 112 : index
      %get3A_199 = tpu.vector_load %arg5[%get3A_198] {strides = array<i32>} : memref<4112xf32, #tpu.memory_space<vmem>>, vector<16xf32>,
      %get3A_200 = arith.constant 112 : index
      %get3A_201 = tpu.vector_load %arg6[%get3A_200] {strides = array<i32>} : memref<4112xf32, #tpu.memory_space<vmem>>, vector<16xf32>,
      %get3A_202 = arith.constant 112 : index
      %get3A_203 = tpu.vector_load %arg7[%get3A_202] {strides = array<i32>} : memref<4112xf32, #tpu.memory_space<vmem>>, vector<16xf32>,
      %sub3A_204 = arith.subf %get3A_199, %broadcast_in_dim3A : vector<16xf32>
      %sub3A_205 = arith.subf %get3A_201, %broadcast_in_dim3A_73 : vector<16xf32>
      %sub3A_206 = arith.subf %get3A_203, %broadcast_in_dim3A_78 : vector<16xf32>
      %mul3A_207 = arith.mulf %sub3A_204, %sub3A_204 : vector<16xf32>
      %mul3A_208 = arith.mulf %sub3A_205, %sub3A_205 : vector<16xf32>
      %add3A_209 = arith.addf %mul3A_207, %mul3A_208 : vector<16xf32>
      %mul3A_210 = arith.mulf %sub3A_206, %sub3A_206 : vector<16xf32>
      %add3A_211 = arith.addf %add3A_209, %mul3A_210 : vector<16xf32>
      %lt3A_212 = arith.constant 4.000000e-02 : f32
      %lt3A_213 = vector.broadcast %lt3A_212 : f32 to vector<16xf32>
      %lt3A_214 = arith.cmpf olt, %add3A_211, %lt3A_213 : vector<16xf32>
      %get3A_215 = arith.constant 128 : index
      %get3A_216 = tpu.vector_load %arg5[%get3A_215] {strides = array<i32>} : memref<4112xf32, #tpu.memory_space<vmem>>, vector<16xf32>,
      %get3A_217 = arith.constant 128 : index
      %get3A_218 = tpu.vector_load %arg6[%get3A_217] {strides = array<i32>} : memref<4112xf32, #tpu.memory_space<vmem>>, vector<16xf32>,
      %get3A_219 = arith.constant 128 : index
      %get3A_220 = tpu.vector_load %arg7[%get3A_219] {strides = array<i32>} : memref<4112xf32, #tpu.memory_space<vmem>>, vector<16xf32>,
      %sub3A_221 = arith.subf %get3A_216, %broadcast_in_dim3A : vector<16xf32>
      %sub3A_222 = arith.subf %get3A_218, %broadcast_in_dim3A_73 : vector<16xf32>
      %sub3A_223 = arith.subf %get3A_220, %broadcast_in_dim3A_78 : vector<16xf32>
      %mul3A_224 = arith.mulf %sub3A_221, %sub3A_221 : vector<16xf32>
      %mul3A_225 = arith.mulf %sub3A_222, %sub3A_222 : vector<16xf32>
      %add3A_226 = arith.addf %mul3A_224, %mul3A_225 : vector<16xf32>
      %mul3A_227 = arith.mulf %sub3A_223, %sub3A_223 : vector<16xf32>
      %add3A_228 = arith.addf %add3A_226, %mul3A_227 : vector<16xf32>
      %lt3A_229 = arith.constant 4.000000e-02 : f32
      %lt3A_230 = vector.broadcast %lt3A_229 : f32 to vector<16xf32>
      %lt3A_231 = arith.cmpf olt, %add3A_228, %lt3A_230 : vector<16xf32>
      %get3A_232 = arith.constant 144 : index
      %get3A_233 = tpu.vector_load %arg5[%get3A_232] {strides = array<i32>} : memref<4112xf32, #tpu.memory_space<vmem>>, vector<16xf32>,
      %get3A_234 = arith.constant 144 : index
      %get3A_235 = tpu.vector_load %arg6[%get3A_234] {strides = array<i32>} : memref<4112xf32, #tpu.memory_space<vmem>>, vector<16xf32>,
      %get3A_236 = arith.constant 144 : index
      %get3A_237 = tpu.vector_load %arg7[%get3A_236] {strides = array<i32>} : memref<4112xf32, #tpu.memory_space<vmem>>, vector<16xf32>,
      %sub3A_238 = arith.subf %get3A_233, %broadcast_in_dim3A : vector<16xf32>
      %sub3A_239 = arith.subf %get3A_235, %broadcast_in_dim3A_73 : vector<16xf32>
      %sub3A_240 = arith.subf %get3A_237, %broadcast_in_dim3A_78 : vector<16xf32>
      %mul3A_241 = arith.mulf %sub3A_238, %sub3A_238 : vector<16xf32>
      %mul3A_242 = arith.mulf %sub3A_239, %sub3A_239 : vector<16xf32>
      %add3A_243 = arith.addf %mul3A_241, %mul3A_242 : vector<16xf32>
      %mul3A_244 = arith.mulf %sub3A_240, %sub3A_240 : vector<16xf32>
      %add3A_245 = arith.addf %add3A_243, %mul3A_244 : vector<16xf32>
      %lt3A_246 = arith.constant 4.000000e-02 : f32
      %lt3A_247 = vector.broadcast %lt3A_246 : f32 to vector<16xf32>
      %lt3A_248 = arith.cmpf olt, %add3A_245, %lt3A_247 : vector<16xf32>
      %get3A_249 = arith.constant 160 : index
      %get3A_250 = tpu.vector_load %arg5[%get3A_249] {strides = array<i32>} : memref<4112xf32, #tpu.memory_space<vmem>>, vector<16xf32>,
      %get3A_251 = arith.constant 160 : index
      %get3A_252 = tpu.vector_load %arg6[%get3A_251] {strides = array<i32>} : memref<4112xf32, #tpu.memory_space<vmem>>, vector<16xf32>,
      %get3A_253 = arith.constant 160 : index
      %get3A_254 = tpu.vector_load %arg7[%get3A_253] {strides = array<i32>} : memref<4112xf32, #tpu.memory_space<vmem>>, vector<16xf32>,
      %sub3A_255 = arith.subf %get3A_250, %broadcast_in_dim3A : vector<16xf32>
      %sub3A_256 = arith.subf %get3A_252, %broadcast_in_dim3A_73 : vector<16xf32>
      %sub3A_257 = arith.subf %get3A_254, %broadcast_in_dim3A_78 : vector<16xf32>
      %mul3A_258 = arith.mulf %sub3A_255, %sub3A_255 : vector<16xf32>
      %mul3A_259 = arith.mulf %sub3A_256, %sub3A_256 : vector<16xf32>
      %add3A_260 = arith.addf %mul3A_258, %mul3A_259 : vector<16xf32>
      %mul3A_261 = arith.mulf %sub3A_257, %sub3A_257 : vector<16xf32>
      %add3A_262 = arith.addf %add3A_260, %mul3A_261 : vector<16xf32>
      %lt3A_263 = arith.constant 4.000000e-02 : f32
      %lt3A_264 = vector.broadcast %lt3A_263 : f32 to vector<16xf32>
      %lt3A_265 = arith.cmpf olt, %add3A_262, %lt3A_264 : vector<16xf32>
      %get3A_266 = arith.constant 176 : index
      %get3A_267 = tpu.vector_load %arg5[%get3A_266] {strides = array<i32>} : memref<4112xf32, #tpu.memory_space<vmem>>, vector<16xf32>,
      %get3A_268 = arith.constant 176 : index
      %get3A_269 = tpu.vector_load %arg6[%get3A_268] {strides = array<i32>} : memref<4112xf32, #tpu.memory_space<vmem>>, vector<16xf32>,
      %get3A_270 = arith.constant 176 : index
      %get3A_271 = tpu.vector_load %arg7[%get3A_270] {strides = array<i32>} : memref<4112xf32, #tpu.memory_space<vmem>>, vector<16xf32>,
      %sub3A_272 = arith.subf %get3A_267, %broadcast_in_dim3A : vector<16xf32>
      %sub3A_273 = arith.subf %get3A_269, %broadcast_in_dim3A_73 : vector<16xf32>
      %sub3A_274 = arith.subf %get3A_271, %broadcast_in_dim3A_78 : vector<16xf32>
      %mul3A_275 = arith.mulf %sub3A_272, %sub3A_272 : vector<16xf32>
      %mul3A_276 = arith.mulf %sub3A_273, %sub3A_273 : vector<16xf32>
      %add3A_277 = arith.addf %mul3A_275, %mul3A_276 : vector<16xf32>
      %mul3A_278 = arith.mulf %sub3A_274, %sub3A_274 : vector<16xf32>
      %add3A_279 = arith.addf %add3A_277, %mul3A_278 : vector<16xf32>
      %lt3A_280 = arith.constant 4.000000e-02 : f32
      %lt3A_281 = vector.broadcast %lt3A_280 : f32 to vector<16xf32>
      %lt3A_282 = arith.cmpf olt, %add3A_279, %lt3A_281 : vector<16xf32>
      %get3A_283 = arith.constant 192 : index
      %get3A_284 = tpu.vector_load %arg5[%get3A_283] {strides = array<i32>} : memref<4112xf32, #tpu.memory_space<vmem>>, vector<16xf32>,
      %get3A_285 = arith.constant 192 : index
      %get3A_286 = tpu.vector_load %arg6[%get3A_285] {strides = array<i32>} : memref<4112xf32, #tpu.memory_space<vmem>>, vector<16xf32>,
      %get3A_287 = arith.constant 192 : index
      %get3A_288 = tpu.vector_load %arg7[%get3A_287] {strides = array<i32>} : memref<4112xf32, #tpu.memory_space<vmem>>, vector<16xf32>,
      %sub3A_289 = arith.subf %get3A_284, %broadcast_in_dim3A : vector<16xf32>
      %sub3A_290 = arith.subf %get3A_286, %broadcast_in_dim3A_73 : vector<16xf32>
      %sub3A_291 = arith.subf %get3A_288, %broadcast_in_dim3A_78 : vector<16xf32>
      %mul3A_292 = arith.mulf %sub3A_289, %sub3A_289 : vector<16xf32>
      %mul3A_293 = arith.mulf %sub3A_290, %sub3A_290 : vector<16xf32>
      %add3A_294 = arith.addf %mul3A_292, %mul3A_293 : vector<16xf32>
      %mul3A_295 = arith.mulf %sub3A_291, %sub3A_291 : vector<16xf32>
      %add3A_296 = arith.addf %add3A_294, %mul3A_295 : vector<16xf32>
      %lt3A_297 = arith.constant 4.000000e-02 : f32
      %lt3A_298 = vector.broadcast %lt3A_297 : f32 to vector<16xf32>
      %lt3A_299 = arith.cmpf olt, %add3A_296, %lt3A_298 : vector<16xf32>
      %get3A_300 = arith.constant 208 : index
      %get3A_301 = tpu.vector_load %arg5[%get3A_300] {strides = array<i32>} : memref<4112xf32, #tpu.memory_space<vmem>>, vector<16xf32>,
      %get3A_302 = arith.constant 208 : index
      %get3A_303 = tpu.vector_load %arg6[%get3A_302] {strides = array<i32>} : memref<4112xf32, #tpu.memory_space<vmem>>, vector<16xf32>,
      %get3A_304 = arith.constant 208 : index
      %get3A_305 = tpu.vector_load %arg7[%get3A_304] {strides = array<i32>} : memref<4112xf32, #tpu.memory_space<vmem>>, vector<16xf32>,
      %sub3A_306 = arith.subf %get3A_301, %broadcast_in_dim3A : vector<16xf32>
      %sub3A_307 = arith.subf %get3A_303, %broadcast_in_dim3A_73 : vector<16xf32>
      %sub3A_308 = arith.subf %get3A_305, %broadcast_in_dim3A_78 : vector<16xf32>
      %mul3A_309 = arith.mulf %sub3A_306, %sub3A_306 : vector<16xf32>
      %mul3A_310 = arith.mulf %sub3A_307, %sub3A_307 : vector<16xf32>
      %add3A_311 = arith.addf %mul3A_309, %mul3A_310 : vector<16xf32>
      %mul3A_312 = arith.mulf %sub3A_308, %sub3A_308 : vector<16xf32>
      %add3A_313 = arith.addf %add3A_311, %mul3A_312 : vector<16xf32>
      %lt3A_314 = arith.constant 4.000000e-02 : f32
      %lt3A_315 = vector.broadcast %lt3A_314 : f32 to vector<16xf32>
      %lt3A_316 = arith.cmpf olt, %add3A_313, %lt3A_315 : vector<16xf32>
      %get3A_317 = arith.constant 224 : index
      %get3A_318 = tpu.vector_load %arg5[%get3A_317] {strides = array<i32>} : memref<4112xf32, #tpu.memory_space<vmem>>, vector<16xf32>,
      %get3A_319 = arith.constant 224 : index
      %get3A_320 = tpu.vector_load %arg6[%get3A_319] {strides = array<i32>} : memref<4112xf32, #tpu.memory_space<vmem>>, vector<16xf32>,
      %get3A_321 = arith.constant 224 : index
      %get3A_322 = tpu.vector_load %arg7[%get3A_321] {strides = array<i32>} : memref<4112xf32, #tpu.memory_space<vmem>>, vector<16xf32>,
      %sub3A_323 = arith.subf %get3A_318, %broadcast_in_dim3A : vector<16xf32>
      %sub3A_324 = arith.subf %get3A_320, %broadcast_in_dim3A_73 : vector<16xf32>
      %sub3A_325 = arith.subf %get3A_322, %broadcast_in_dim3A_78 : vector<16xf32>
      %mul3A_326 = arith.mulf %sub3A_323, %sub3A_323 : vector<16xf32>
      %mul3A_327 = arith.mulf %sub3A_324, %sub3A_324 : vector<16xf32>
      %add3A_328 = arith.addf %mul3A_326, %mul3A_327 : vector<16xf32>
      %mul3A_329 = arith.mulf %sub3A_325, %sub3A_325 : vector<16xf32>
      %add3A_330 = arith.addf %add3A_328, %mul3A_329 : vector<16xf32>
      %lt3A_331 = arith.constant 4.000000e-02 : f32
      %lt3A_332 = vector.broadcast %lt3A_331 : f32 to vector<16xf32>
      %lt3A_333 = arith.cmpf olt, %add3A_330, %lt3A_332 : vector<16xf32>
      %get3A_334 = arith.constant 240 : index
      %get3A_335 = tpu.vector_load %arg5[%get3A_334] {strides = array<i32>} : memref<4112xf32, #tpu.memory_space<vmem>>, vector<16xf32>,
      %get3A_336 = arith.constant 240 : index
      %get3A_337 = tpu.vector_load %arg6[%get3A_336] {strides = array<i32>} : memref<4112xf32, #tpu.memory_space<vmem>>, vector<16xf32>,
      %get3A_338 = arith.constant 240 : index
      %get3A_339 = tpu.vector_load %arg7[%get3A_338] {strides = array<i32>} : memref<4112xf32, #tpu.memory_space<vmem>>, vector<16xf32>,
      %sub3A_340 = arith.subf %get3A_335, %broadcast_in_dim3A : vector<16xf32>
      %sub3A_341 = arith.subf %get3A_337, %broadcast_in_dim3A_73 : vector<16xf32>
      %sub3A_342 = arith.subf %get3A_339, %broadcast_in_dim3A_78 : vector<16xf32>
      %mul3A_343 = arith.mulf %sub3A_340, %sub3A_340 : vector<16xf32>
      %mul3A_344 = arith.mulf %sub3A_341, %sub3A_341 : vector<16xf32>
      %add3A_345 = arith.addf %mul3A_343, %mul3A_344 : vector<16xf32>
      %mul3A_346 = arith.mulf %sub3A_342, %sub3A_342 : vector<16xf32>
      %add3A_347 = arith.addf %add3A_345, %mul3A_346 : vector<16xf32>
      %lt3A_348 = arith.constant 4.000000e-02 : f32
      %lt3A_349 = vector.broadcast %lt3A_348 : f32 to vector<16xf32>
      %lt3A_350 = arith.cmpf olt, %add3A_347, %lt3A_349 : vector<16xf32>
      %add3A_351 = arith.constant 0 : i32
      %add3A_352 = vector.broadcast %add3A_351 : i32 to vector<16xi32>
      %add3A_353 = arith.addi %add3A_352, %iota3A : vector<16xi32>
      %swap3A = arith.constant 0 : index
      %swap3A_354 = tpu.vector_load %arg8[%swap3A] masked %lt3A_95 {strides = array<i32>} : memref<784xi32, #tpu.memory_space<vmem>>, vector<16xi32>, vector<16xi1>
      tpu.vector_store %arg8[%swap3A], %add3A_353 masked %lt3A_95 {strides = array<i32>} : memref<784xi32, #tpu.memory_space<vmem>>, vector<16xi32>, vector<16xi1>
      %all_reduce_population_count3A = tpu.all_reduce %lt3A_95 {dim = 0 : i64, kind = #tpu.reduction_kind<sum>} : vector<16xi1> -> vector<16xi32>
      %slice3A_355 = vector.extract_strided_slice %all_reduce_population_count3A {offsets = [0], sizes = [1], strides = [1]} : vector<16xi32> to vector<1xi32>
      %squeeze3A_356 = vector.extract %slice3A_355[0] : i32 from vector<1xi32>
      %add3A_357 = arith.constant 0 : i32
      %add3A_358 = arith.addi %add3A_357, %squeeze3A_356 : i32
      %add3A_359 = arith.constant 16 : i32
      %add3A_360 = vector.broadcast %add3A_359 : i32 to vector<16xi32>
      %add3A_361 = arith.addi %add3A_360, %iota3A : vector<16xi32>
      %swap3A_362 = arith.index_cast %add3A_358 : i32 to index
      %swap3A_363 = tpu.vector_load %arg8[%swap3A_362] masked %lt3A_112 {strides = array<i32>} : memref<784xi32, #tpu.memory_space<vmem>>, vector<16xi32>, vector<16xi1>
      tpu.vector_store %arg8[%swap3A_362], %add3A_361 masked %lt3A_112 {strides = array<i32>} : memref<784xi32, #tpu.memory_space<vmem>>, vector<16xi32>, vector<16xi1>
      %all_reduce_population_count3A_364 = tpu.all_reduce %lt3A_112 {dim = 0 : i64, kind = #tpu.reduction_kind<sum>} : vector<16xi1> -> vector<16xi32>
      %slice3A_365 = vector.extract_strided_slice %all_reduce_population_count3A_364 {offsets = [0], sizes = [1], strides = [1]} : vector<16xi32> to vector<1xi32>
      %squeeze3A_366 = vector.extract %slice3A_365[0] : i32 from vector<1xi32>
      %add3A_367 = arith.addi %add3A_358, %squeeze3A_366 : i32
      %add3A_368 = arith.constant 32 : i32
      %add3A_369 = vector.broadcast %add3A_368 : i32 to vector<16xi32>
      %add3A_370 = arith.addi %add3A_369, %iota3A : vector<16xi32>
      %swap3A_371 = arith.index_cast %add3A_367 : i32 to index
      %swap3A_372 = tpu.vector_load %arg8[%swap3A_371] masked %lt3A_129 {strides = array<i32>} : memref<784xi32, #tpu.memory_space<vmem>>, vector<16xi32>, vector<16xi1>
      tpu.vector_store %arg8[%swap3A_371], %add3A_370 masked %lt3A_129 {strides = array<i32>} : memref<784xi32, #tpu.memory_space<vmem>>, vector<16xi32>, vector<16xi1>
      %all_reduce_population_count3A_373 = tpu.all_reduce %lt3A_129 {dim = 0 : i64, kind = #tpu.reduction_kind<sum>} : vector<16xi1> -> vector<16xi32>
      %slice3A_374 = vector.extract_strided_slice %all_reduce_population_count3A_373 {offsets = [0], sizes = [1], strides = [1]} : vector<16xi32> to vector<1xi32>
      %squeeze3A_375 = vector.extract %slice3A_374[0] : i32 from vector<1xi32>
      %add3A_376 = arith.addi %add3A_367, %squeeze3A_375 : i32
      %add3A_377 = arith.constant 48 : i32
      %add3A_378 = vector.broadcast %add3A_377 : i32 to vector<16xi32>
      %add3A_379 = arith.addi %add3A_378, %iota3A : vector<16xi32>
      %swap3A_380 = arith.index_cast %add3A_376 : i32 to index
      %swap3A_381 = tpu.vector_load %arg8[%swap3A_380] masked %lt3A_146 {strides = array<i32>} : memref<784xi32, #tpu.memory_space<vmem>>, vector<16xi32>, vector<16xi1>
      tpu.vector_store %arg8[%swap3A_380], %add3A_379 masked %lt3A_146 {strides = array<i32>} : memref<784xi32, #tpu.memory_space<vmem>>, vector<16xi32>, vector<16xi1>
      %all_reduce_population_count3A_382 = tpu.all_reduce %lt3A_146 {dim = 0 : i64, kind = #tpu.reduction_kind<sum>} : vector<16xi1> -> vector<16xi32>
      %slice3A_383 = vector.extract_strided_slice %all_reduce_population_count3A_382 {offsets = [0], sizes = [1], strides = [1]} : vector<16xi32> to vector<1xi32>
      %squeeze3A_384 = vector.extract %slice3A_383[0] : i32 from vector<1xi32>
      %add3A_385 = arith.addi %add3A_376, %squeeze3A_384 : i32
      %add3A_386 = arith.constant 64 : i32
      %add3A_387 = vector.broadcast %add3A_386 : i32 to vector<16xi32>
      %add3A_388 = arith.addi %add3A_387, %iota3A : vector<16xi32>
      %swap3A_389 = arith.index_cast %add3A_385 : i32 to index
      %swap3A_390 = tpu.vector_load %arg8[%swap3A_389] masked %lt3A_163 {strides = array<i32>} : memref<784xi32, #tpu.memory_space<vmem>>, vector<16xi32>, vector<16xi1>
      tpu.vector_store %arg8[%swap3A_389], %add3A_388 masked %lt3A_163 {strides = array<i32>} : memref<784xi32, #tpu.memory_space<vmem>>, vector<16xi32>, vector<16xi1>
      %all_reduce_population_count3A_391 = tpu.all_reduce %lt3A_163 {dim = 0 : i64, kind = #tpu.reduction_kind<sum>} : vector<16xi1> -> vector<16xi32>
      %slice3A_392 = vector.extract_strided_slice %all_reduce_population_count3A_391 {offsets = [0], sizes = [1], strides = [1]} : vector<16xi32> to vector<1xi32>
      %squeeze3A_393 = vector.extract %slice3A_392[0] : i32 from vector<1xi32>
      %add3A_394 = arith.addi %add3A_385, %squeeze3A_393 : i32
      %add3A_395 = arith.constant 80 : i32
      %add3A_396 = vector.broadcast %add3A_395 : i32 to vector<16xi32>
      %add3A_397 = arith.addi %add3A_396, %iota3A : vector<16xi32>
      %swap3A_398 = arith.index_cast %add3A_394 : i32 to index
      %swap3A_399 = tpu.vector_load %arg8[%swap3A_398] masked %lt3A_180 {strides = array<i32>} : memref<784xi32, #tpu.memory_space<vmem>>, vector<16xi32>, vector<16xi1>
      tpu.vector_store %arg8[%swap3A_398], %add3A_397 masked %lt3A_180 {strides = array<i32>} : memref<784xi32, #tpu.memory_space<vmem>>, vector<16xi32>, vector<16xi1>
      %all_reduce_population_count3A_400 = tpu.all_reduce %lt3A_180 {dim = 0 : i64, kind = #tpu.reduction_kind<sum>} : vector<16xi1> -> vector<16xi32>
      %slice3A_401 = vector.extract_strided_slice %all_reduce_population_count3A_400 {offsets = [0], sizes = [1], strides = [1]} : vector<16xi32> to vector<1xi32>
      %squeeze3A_402 = vector.extract %slice3A_401[0] : i32 from vector<1xi32>
      %add3A_403 = arith.addi %add3A_394, %squeeze3A_402 : i32
      %add3A_404 = arith.constant 96 : i32
      %add3A_405 = vector.broadcast %add3A_404 : i32 to vector<16xi32>
      %add3A_406 = arith.addi %add3A_405, %iota3A : vector<16xi32>
      %swap3A_407 = arith.index_cast %add3A_403 : i32 to index
      %swap3A_408 = tpu.vector_load %arg8[%swap3A_407] masked %lt3A_197 {strides = array<i32>} : memref<784xi32, #tpu.memory_space<vmem>>, vector<16xi32>, vector<16xi1>
      tpu.vector_store %arg8[%swap3A_407], %add3A_406 masked %lt3A_197 {strides = array<i32>} : memref<784xi32, #tpu.memory_space<vmem>>, vector<16xi32>, vector<16xi1>
      %all_reduce_population_count3A_409 = tpu.all_reduce %lt3A_197 {dim = 0 : i64, kind = #tpu.reduction_kind<sum>} : vector<16xi1> -> vector<16xi32>
      %slice3A_410 = vector.extract_strided_slice %all_reduce_population_count3A_409 {offsets = [0], sizes = [1], strides = [1]} : vector<16xi32> to vector<1xi32>
      %squeeze3A_411 = vector.extract %slice3A_410[0] : i32 from vector<1xi32>
      %add3A_412 = arith.addi %add3A_403, %squeeze3A_411 : i32
      %add3A_413 = arith.constant 112 : i32
      %add3A_414 = vector.broadcast %add3A_413 : i32 to vector<16xi32>
      %add3A_415 = arith.addi %add3A_414, %iota3A : vector<16xi32>
      %swap3A_416 = arith.index_cast %add3A_412 : i32 to index
      %swap3A_417 = tpu.vector_load %arg8[%swap3A_416] masked %lt3A_214 {strides = array<i32>} : memref<784xi32, #tpu.memory_space<vmem>>, vector<16xi32>, vector<16xi1>
      tpu.vector_store %arg8[%swap3A_416], %add3A_415 masked %lt3A_214 {strides = array<i32>} : memref<784xi32, #tpu.memory_space<vmem>>, vector<16xi32>, vector<16xi1>
      %all_reduce_population_count3A_418 = tpu.all_reduce %lt3A_214 {dim = 0 : i64, kind = #tpu.reduction_kind<sum>} : vector<16xi1> -> vector<16xi32>
      %slice3A_419 = vector.extract_strided_slice %all_reduce_population_count3A_418 {offsets = [0], sizes = [1], strides = [1]} : vector<16xi32> to vector<1xi32>
      %squeeze3A_420 = vector.extract %slice3A_419[0] : i32 from vector<1xi32>
      %add3A_421 = arith.addi %add3A_412, %squeeze3A_420 : i32
      %add3A_422 = arith.constant 128 : i32
      %add3A_423 = vector.broadcast %add3A_422 : i32 to vector<16xi32>
      %add3A_424 = arith.addi %add3A_423, %iota3A : vector<16xi32>
      %swap3A_425 = arith.index_cast %add3A_421 : i32 to index
      %swap3A_426 = tpu.vector_load %arg8[%swap3A_425] masked %lt3A_231 {strides = array<i32>} : memref<784xi32, #tpu.memory_space<vmem>>, vector<16xi32>, vector<16xi1>
      tpu.vector_store %arg8[%swap3A_425], %add3A_424 masked %lt3A_231 {strides = array<i32>} : memref<784xi32, #tpu.memory_space<vmem>>, vector<16xi32>, vector<16xi1>
      %all_reduce_population_count3A_427 = tpu.all_reduce %lt3A_231 {dim = 0 : i64, kind = #tpu.reduction_kind<sum>} : vector<16xi1> -> vector<16xi32>
      %slice3A_428 = vector.extract_strided_slice %all_reduce_population_count3A_427 {offsets = [0], sizes = [1], strides = [1]} : vector<16xi32> to vector<1xi32>
      %squeeze3A_429 = vector.extract %slice3A_428[0] : i32 from vector<1xi32>
      %add3A_430 = arith.addi %add3A_421, %squeeze3A_429 : i32
      %add3A_431 = arith.constant 144 : i32
      %add3A_432 = vector.broadcast %add3A_431 : i32 to vector<16xi32>
      %add3A_433 = arith.addi %add3A_432, %iota3A : vector<16xi32>
      %swap3A_434 = arith.index_cast %add3A_430 : i32 to index
      %swap3A_435 = tpu.vector_load %arg8[%swap3A_434] masked %lt3A_248 {strides = array<i32>} : memref<784xi32, #tpu.memory_space<vmem>>, vector<16xi32>, vector<16xi1>
      tpu.vector_store %arg8[%swap3A_434], %add3A_433 masked %lt3A_248 {strides = array<i32>} : memref<784xi32, #tpu.memory_space<vmem>>, vector<16xi32>, vector<16xi1>
      %all_reduce_population_count3A_436 = tpu.all_reduce %lt3A_248 {dim = 0 : i64, kind = #tpu.reduction_kind<sum>} : vector<16xi1> -> vector<16xi32>
      %slice3A_437 = vector.extract_strided_slice %all_reduce_population_count3A_436 {offsets = [0], sizes = [1], strides = [1]} : vector<16xi32> to vector<1xi32>
      %squeeze3A_438 = vector.extract %slice3A_437[0] : i32 from vector<1xi32>
      %add3A_439 = arith.addi %add3A_430, %squeeze3A_438 : i32
      %add3A_440 = arith.constant 160 : i32
      %add3A_441 = vector.broadcast %add3A_440 : i32 to vector<16xi32>
      %add3A_442 = arith.addi %add3A_441, %iota3A : vector<16xi32>
      %swap3A_443 = arith.index_cast %add3A_439 : i32 to index
      %swap3A_444 = tpu.vector_load %arg8[%swap3A_443] masked %lt3A_265 {strides = array<i32>} : memref<784xi32, #tpu.memory_space<vmem>>, vector<16xi32>, vector<16xi1>
      tpu.vector_store %arg8[%swap3A_443], %add3A_442 masked %lt3A_265 {strides = array<i32>} : memref<784xi32, #tpu.memory_space<vmem>>, vector<16xi32>, vector<16xi1>
      %all_reduce_population_count3A_445 = tpu.all_reduce %lt3A_265 {dim = 0 : i64, kind = #tpu.reduction_kind<sum>} : vector<16xi1> -> vector<16xi32>
      %slice3A_446 = vector.extract_strided_slice %all_reduce_population_count3A_445 {offsets = [0], sizes = [1], strides = [1]} : vector<16xi32> to vector<1xi32>
      %squeeze3A_447 = vector.extract %slice3A_446[0] : i32 from vector<1xi32>
      %add3A_448 = arith.addi %add3A_439, %squeeze3A_447 : i32
      %add3A_449 = arith.constant 176 : i32
      %add3A_450 = vector.broadcast %add3A_449 : i32 to vector<16xi32>
      %add3A_451 = arith.addi %add3A_450, %iota3A : vector<16xi32>
      %swap3A_452 = arith.index_cast %add3A_448 : i32 to index
      %swap3A_453 = tpu.vector_load %arg8[%swap3A_452] masked %lt3A_282 {strides = array<i32>} : memref<784xi32, #tpu.memory_space<vmem>>, vector<16xi32>, vector<16xi1>
      tpu.vector_store %arg8[%swap3A_452], %add3A_451 masked %lt3A_282 {strides = array<i32>} : memref<784xi32, #tpu.memory_space<vmem>>, vector<16xi32>, vector<16xi1>
      %all_reduce_population_count3A_454 = tpu.all_reduce %lt3A_282 {dim = 0 : i64, kind = #tpu.reduction_kind<sum>} : vector<16xi1> -> vector<16xi32>
      %slice3A_455 = vector.extract_strided_slice %all_reduce_population_count3A_454 {offsets = [0], sizes = [1], strides = [1]} : vector<16xi32> to vector<1xi32>
      %squeeze3A_456 = vector.extract %slice3A_455[0] : i32 from vector<1xi32>
      %add3A_457 = arith.addi %add3A_448, %squeeze3A_456 : i32
      %add3A_458 = arith.constant 192 : i32
      %add3A_459 = vector.broadcast %add3A_458 : i32 to vector<16xi32>
      %add3A_460 = arith.addi %add3A_459, %iota3A : vector<16xi32>
      %swap3A_461 = arith.index_cast %add3A_457 : i32 to index
      %swap3A_462 = tpu.vector_load %arg8[%swap3A_461] masked %lt3A_299 {strides = array<i32>} : memref<784xi32, #tpu.memory_space<vmem>>, vector<16xi32>, vector<16xi1>
      tpu.vector_store %arg8[%swap3A_461], %add3A_460 masked %lt3A_299 {strides = array<i32>} : memref<784xi32, #tpu.memory_space<vmem>>, vector<16xi32>, vector<16xi1>
      %all_reduce_population_count3A_463 = tpu.all_reduce %lt3A_299 {dim = 0 : i64, kind = #tpu.reduction_kind<sum>} : vector<16xi1> -> vector<16xi32>
      %slice3A_464 = vector.extract_strided_slice %all_reduce_population_count3A_463 {offsets = [0], sizes = [1], strides = [1]} : vector<16xi32> to vector<1xi32>
      %squeeze3A_465 = vector.extract %slice3A_464[0] : i32 from vector<1xi32>
      %add3A_466 = arith.addi %add3A_457, %squeeze3A_465 : i32
      %add3A_467 = arith.constant 208 : i32
      %add3A_468 = vector.broadcast %add3A_467 : i32 to vector<16xi32>
      %add3A_469 = arith.addi %add3A_468, %iota3A : vector<16xi32>
      %swap3A_470 = arith.index_cast %add3A_466 : i32 to index
      %swap3A_471 = tpu.vector_load %arg8[%swap3A_470] masked %lt3A_316 {strides = array<i32>} : memref<784xi32, #tpu.memory_space<vmem>>, vector<16xi32>, vector<16xi1>
      tpu.vector_store %arg8[%swap3A_470], %add3A_469 masked %lt3A_316 {strides = array<i32>} : memref<784xi32, #tpu.memory_space<vmem>>, vector<16xi32>, vector<16xi1>
      %all_reduce_population_count3A_472 = tpu.all_reduce %lt3A_316 {dim = 0 : i64, kind = #tpu.reduction_kind<sum>} : vector<16xi1> -> vector<16xi32>
      %slice3A_473 = vector.extract_strided_slice %all_reduce_population_count3A_472 {offsets = [0], sizes = [1], strides = [1]} : vector<16xi32> to vector<1xi32>
      %squeeze3A_474 = vector.extract %slice3A_473[0] : i32 from vector<1xi32>
      %add3A_475 = arith.addi %add3A_466, %squeeze3A_474 : i32
      %add3A_476 = arith.constant 224 : i32
      %add3A_477 = vector.broadcast %add3A_476 : i32 to vector<16xi32>
      %add3A_478 = arith.addi %add3A_477, %iota3A : vector<16xi32>
      %swap3A_479 = arith.index_cast %add3A_475 : i32 to index
      %swap3A_480 = tpu.vector_load %arg8[%swap3A_479] masked %lt3A_333 {strides = array<i32>} : memref<784xi32, #tpu.memory_space<vmem>>, vector<16xi32>, vector<16xi1>
      tpu.vector_store %arg8[%swap3A_479], %add3A_478 masked %lt3A_333 {strides = array<i32>} : memref<784xi32, #tpu.memory_space<vmem>>, vector<16xi32>, vector<16xi1>
      %all_reduce_population_count3A_481 = tpu.all_reduce %lt3A_333 {dim = 0 : i64, kind = #tpu.reduction_kind<sum>} : vector<16xi1> -> vector<16xi32>
      %slice3A_482 = vector.extract_strided_slice %all_reduce_population_count3A_481 {offsets = [0], sizes = [1], strides = [1]} : vector<16xi32> to vector<1xi32>
      %squeeze3A_483 = vector.extract %slice3A_482[0] : i32 from vector<1xi32>
      %add3A_484 = arith.addi %add3A_475, %squeeze3A_483 : i32
      %add3A_485 = arith.constant 240 : i32
      %add3A_486 = vector.broadcast %add3A_485 : i32 to vector<16xi32>
      %add3A_487 = arith.addi %add3A_486, %iota3A : vector<16xi32>
      %swap3A_488 = arith.index_cast %add3A_484 : i32 to index
      %swap3A_489 = tpu.vector_load %arg8[%swap3A_488] masked %lt3A_350 {strides = array<i32>} : memref<784xi32, #tpu.memory_space<vmem>>, vector<16xi32>, vector<16xi1>
      tpu.vector_store %arg8[%swap3A_488], %add3A_487 masked %lt3A_350 {strides = array<i32>} : memref<784xi32, #tpu.memory_space<vmem>>, vector<16xi32>, vector<16xi1>
      %all_reduce_population_count3A_490 = tpu.all_reduce %lt3A_350 {dim = 0 : i64, kind = #tpu.reduction_kind<sum>} : vector<16xi1> -> vector<16xi32>
      %slice3A_491 = vector.extract_strided_slice %all_reduce_population_count3A_490 {offsets = [0], sizes = [1], strides = [1]} : vector<16xi32> to vector<1xi32>
      %squeeze3A_492 = vector.extract %slice3A_491[0] : i32 from vector<1xi32>
      %add3A_493 = arith.addi %add3A_484, %squeeze3A_492 : i32
      %get3A_494 = arith.constant 256 : index
      %get3A_495 = tpu.vector_load %arg5[%get3A_494] {strides = array<i32>} : memref<4112xf32, #tpu.memory_space<vmem>>, vector<16xf32>,
      %get3A_496 = arith.constant 256 : index
      %get3A_497 = tpu.vector_load %arg6[%get3A_496] {strides = array<i32>} : memref<4112xf32, #tpu.memory_space<vmem>>, vector<16xf32>,
      %get3A_498 = arith.constant 256 : index
      %get3A_499 = tpu.vector_load %arg7[%get3A_498] {strides = array<i32>} : memref<4112xf32, #tpu.memory_space<vmem>>, vector<16xf32>,
      %sub3A_500 = arith.subf %get3A_495, %broadcast_in_dim3A : vector<16xf32>
      %sub3A_501 = arith.subf %get3A_497, %broadcast_in_dim3A_73 : vector<16xf32>
      %sub3A_502 = arith.subf %get3A_499, %broadcast_in_dim3A_78 : vector<16xf32>
      %mul3A_503 = arith.mulf %sub3A_500, %sub3A_500 : vector<16xf32>
      %mul3A_504 = arith.mulf %sub3A_501, %sub3A_501 : vector<16xf32>
      %add3A_505 = arith.addf %mul3A_503, %mul3A_504 : vector<16xf32>
      %mul3A_506 = arith.mulf %sub3A_502, %sub3A_502 : vector<16xf32>
      %add3A_507 = arith.addf %add3A_505, %mul3A_506 : vector<16xf32>
      %lt3A_508 = arith.constant 4.000000e-02 : f32
      %lt3A_509 = vector.broadcast %lt3A_508 : f32 to vector<16xf32>
      %lt3A_510 = arith.cmpf olt, %add3A_507, %lt3A_509 : vector<16xf32>
      %get3A_511 = arith.constant 272 : index
      %get3A_512 = tpu.vector_load %arg5[%get3A_511] {strides = array<i32>} : memref<4112xf32, #tpu.memory_space<vmem>>, vector<16xf32>,
      %get3A_513 = arith.constant 272 : index
      %get3A_514 = tpu.vector_load %arg6[%get3A_513] {strides = array<i32>} : memref<4112xf32, #tpu.memory_space<vmem>>, vector<16xf32>,
      %get3A_515 = arith.constant 272 : index
      %get3A_516 = tpu.vector_load %arg7[%get3A_515] {strides = array<i32>} : memref<4112xf32, #tpu.memory_space<vmem>>, vector<16xf32>,
      %sub3A_517 = arith.subf %get3A_512, %broadcast_in_dim3A : vector<16xf32>
      %sub3A_518 = arith.subf %get3A_514, %broadcast_in_dim3A_73 : vector<16xf32>
      %sub3A_519 = arith.subf %get3A_516, %broadcast_in_dim3A_78 : vector<16xf32>
      %mul3A_520 = arith.mulf %sub3A_517, %sub3A_517 : vector<16xf32>
      %mul3A_521 = arith.mulf %sub3A_518, %sub3A_518 : vector<16xf32>
      %add3A_522 = arith.addf %mul3A_520, %mul3A_521 : vector<16xf32>
      %mul3A_523 = arith.mulf %sub3A_519, %sub3A_519 : vector<16xf32>
      %add3A_524 = arith.addf %add3A_522, %mul3A_523 : vector<16xf32>
      %lt3A_525 = arith.constant 4.000000e-02 : f32
      %lt3A_526 = vector.broadcast %lt3A_525 : f32 to vector<16xf32>
      %lt3A_527 = arith.cmpf olt, %add3A_524, %lt3A_526 : vector<16xf32>
      %get3A_528 = arith.constant 288 : index
      %get3A_529 = tpu.vector_load %arg5[%get3A_528] {strides = array<i32>} : memref<4112xf32, #tpu.memory_space<vmem>>, vector<16xf32>,
      %get3A_530 = arith.constant 288 : index
      %get3A_531 = tpu.vector_load %arg6[%get3A_530] {strides = array<i32>} : memref<4112xf32, #tpu.memory_space<vmem>>, vector<16xf32>,
      %get3A_532 = arith.constant 288 : index
      %get3A_533 = tpu.vector_load %arg7[%get3A_532] {strides = array<i32>} : memref<4112xf32, #tpu.memory_space<vmem>>, vector<16xf32>,
      %sub3A_534 = arith.subf %get3A_529, %broadcast_in_dim3A : vector<16xf32>
      %sub3A_535 = arith.subf %get3A_531, %broadcast_in_dim3A_73 : vector<16xf32>
      %sub3A_536 = arith.subf %get3A_533, %broadcast_in_dim3A_78 : vector<16xf32>
      %mul3A_537 = arith.mulf %sub3A_534, %sub3A_534 : vector<16xf32>
      %mul3A_538 = arith.mulf %sub3A_535, %sub3A_535 : vector<16xf32>
      %add3A_539 = arith.addf %mul3A_537, %mul3A_538 : vector<16xf32>
      %mul3A_540 = arith.mulf %sub3A_536, %sub3A_536 : vector<16xf32>
      %add3A_541 = arith.addf %add3A_539, %mul3A_540 : vector<16xf32>
      %lt3A_542 = arith.constant 4.000000e-02 : f32
      %lt3A_543 = vector.broadcast %lt3A_542 : f32 to vector<16xf32>
      %lt3A_544 = arith.cmpf olt, %add3A_541, %lt3A_543 : vector<16xf32>
      %get3A_545 = arith.constant 304 : index
      %get3A_546 = tpu.vector_load %arg5[%get3A_545] {strides = array<i32>} : memref<4112xf32, #tpu.memory_space<vmem>>, vector<16xf32>,
      %get3A_547 = arith.constant 304 : index
      %get3A_548 = tpu.vector_load %arg6[%get3A_547] {strides = array<i32>} : memref<4112xf32, #tpu.memory_space<vmem>>, vector<16xf32>,
      %get3A_549 = arith.constant 304 : index
      %get3A_550 = tpu.vector_load %arg7[%get3A_549] {strides = array<i32>} : memref<4112xf32, #tpu.memory_space<vmem>>, vector<16xf32>,
      %sub3A_551 = arith.subf %get3A_546, %broadcast_in_dim3A : vector<16xf32>
      %sub3A_552 = arith.subf %get3A_548, %broadcast_in_dim3A_73 : vector<16xf32>
      %sub3A_553 = arith.subf %get3A_550, %broadcast_in_dim3A_78 : vector<16xf32>
      %mul3A_554 = arith.mulf %sub3A_551, %sub3A_551 : vector<16xf32>
      %mul3A_555 = arith.mulf %sub3A_552, %sub3A_552 : vector<16xf32>
      %add3A_556 = arith.addf %mul3A_554, %mul3A_555 : vector<16xf32>
      %mul3A_557 = arith.mulf %sub3A_553, %sub3A_553 : vector<16xf32>
      %add3A_558 = arith.addf %add3A_556, %mul3A_557 : vector<16xf32>
      %lt3A_559 = arith.constant 4.000000e-02 : f32
      %lt3A_560 = vector.broadcast %lt3A_559 : f32 to vector<16xf32>
      %lt3A_561 = arith.cmpf olt, %add3A_558, %lt3A_560 : vector<16xf32>
      %get3A_562 = arith.constant 320 : index
      %get3A_563 = tpu.vector_load %arg5[%get3A_562] {strides = array<i32>} : memref<4112xf32, #tpu.memory_space<vmem>>, vector<16xf32>,
      %get3A_564 = arith.constant 320 : index
      %get3A_565 = tpu.vector_load %arg6[%get3A_564] {strides = array<i32>} : memref<4112xf32, #tpu.memory_space<vmem>>, vector<16xf32>,
      %get3A_566 = arith.constant 320 : index
      %get3A_567 = tpu.vector_load %arg7[%get3A_566] {strides = array<i32>} : memref<4112xf32, #tpu.memory_space<vmem>>, vector<16xf32>,
      %sub3A_568 = arith.subf %get3A_563, %broadcast_in_dim3A : vector<16xf32>
      %sub3A_569 = arith.subf %get3A_565, %broadcast_in_dim3A_73 : vector<16xf32>
      %sub3A_570 = arith.subf %get3A_567, %broadcast_in_dim3A_78 : vector<16xf32>
      %mul3A_571 = arith.mulf %sub3A_568, %sub3A_568 : vector<16xf32>
      %mul3A_572 = arith.mulf %sub3A_569, %sub3A_569 : vector<16xf32>
      %add3A_573 = arith.addf %mul3A_571, %mul3A_572 : vector<16xf32>
      %mul3A_574 = arith.mulf %sub3A_570, %sub3A_570 : vector<16xf32>
      %add3A_575 = arith.addf %add3A_573, %mul3A_574 : vector<16xf32>
      %lt3A_576 = arith.constant 4.000000e-02 : f32
      %lt3A_577 = vector.broadcast %lt3A_576 : f32 to vector<16xf32>
      %lt3A_578 = arith.cmpf olt, %add3A_575, %lt3A_577 : vector<16xf32>
      %get3A_579 = arith.constant 336 : index
      %get3A_580 = tpu.vector_load %arg5[%get3A_579] {strides = array<i32>} : memref<4112xf32, #tpu.memory_space<vmem>>, vector<16xf32>,
      %get3A_581 = arith.constant 336 : index
      %get3A_582 = tpu.vector_load %arg6[%get3A_581] {strides = array<i32>} : memref<4112xf32, #tpu.memory_space<vmem>>, vector<16xf32>,
      %get3A_583 = arith.constant 336 : index
      %get3A_584 = tpu.vector_load %arg7[%get3A_583] {strides = array<i32>} : memref<4112xf32, #tpu.memory_space<vmem>>, vector<16xf32>,
      %sub3A_585 = arith.subf %get3A_580, %broadcast_in_dim3A : vector<16xf32>
      %sub3A_586 = arith.subf %get3A_582, %broadcast_in_dim3A_73 : vector<16xf32>
      %sub3A_587 = arith.subf %get3A_584, %broadcast_in_dim3A_78 : vector<16xf32>
      %mul3A_588 = arith.mulf %sub3A_585, %sub3A_585 : vector<16xf32>
      %mul3A_589 = arith.mulf %sub3A_586, %sub3A_586 : vector<16xf32>
      %add3A_590 = arith.addf %mul3A_588, %mul3A_589 : vector<16xf32>
      %mul3A_591 = arith.mulf %sub3A_587, %sub3A_587 : vector<16xf32>
      %add3A_592 = arith.addf %add3A_590, %mul3A_591 : vector<16xf32>
      %lt3A_593 = arith.constant 4.000000e-02 : f32
      %lt3A_594 = vector.broadcast %lt3A_593 : f32 to vector<16xf32>
      %lt3A_595 = arith.cmpf olt, %add3A_592, %lt3A_594 : vector<16xf32>
      %get3A_596 = arith.constant 352 : index
      %get3A_597 = tpu.vector_load %arg5[%get3A_596] {strides = array<i32>} : memref<4112xf32, #tpu.memory_space<vmem>>, vector<16xf32>,
      %get3A_598 = arith.constant 352 : index
      %get3A_599 = tpu.vector_load %arg6[%get3A_598] {strides = array<i32>} : memref<4112xf32, #tpu.memory_space<vmem>>, vector<16xf32>,
      %get3A_600 = arith.constant 352 : index
      %get3A_601 = tpu.vector_load %arg7[%get3A_600] {strides = array<i32>} : memref<4112xf32, #tpu.memory_space<vmem>>, vector<16xf32>,
      %sub3A_602 = arith.subf %get3A_597, %broadcast_in_dim3A : vector<16xf32>
      %sub3A_603 = arith.subf %get3A_599, %broadcast_in_dim3A_73 : vector<16xf32>
      %sub3A_604 = arith.subf %get3A_601, %broadcast_in_dim3A_78 : vector<16xf32>
      %mul3A_605 = arith.mulf %sub3A_602, %sub3A_602 : vector<16xf32>
      %mul3A_606 = arith.mulf %sub3A_603, %sub3A_603 : vector<16xf32>
      %add3A_607 = arith.addf %mul3A_605, %mul3A_606 : vector<16xf32>
      %mul3A_608 = arith.mulf %sub3A_604, %sub3A_604 : vector<16xf32>
      %add3A_609 = arith.addf %add3A_607, %mul3A_608 : vector<16xf32>
      %lt3A_610 = arith.constant 4.000000e-02 : f32
      %lt3A_611 = vector.broadcast %lt3A_610 : f32 to vector<16xf32>
      %lt3A_612 = arith.cmpf olt, %add3A_609, %lt3A_611 : vector<16xf32>
      %get3A_613 = arith.constant 368 : index
      %get3A_614 = tpu.vector_load %arg5[%get3A_613] {strides = array<i32>} : memref<4112xf32, #tpu.memory_space<vmem>>, vector<16xf32>,
      %get3A_615 = arith.constant 368 : index
      %get3A_616 = tpu.vector_load %arg6[%get3A_615] {strides = array<i32>} : memref<4112xf32, #tpu.memory_space<vmem>>, vector<16xf32>,
      %get3A_617 = arith.constant 368 : index
      %get3A_618 = tpu.vector_load %arg7[%get3A_617] {strides = array<i32>} : memref<4112xf32, #tpu.memory_space<vmem>>, vector<16xf32>,
      %sub3A_619 = arith.subf %get3A_614, %broadcast_in_dim3A : vector<16xf32>
      %sub3A_620 = arith.subf %get3A_616, %broadcast_in_dim3A_73 : vector<16xf32>
      %sub3A_621 = arith.subf %get3A_618, %broadcast_in_dim3A_78 : vector<16xf32>
      %mul3A_622 = arith.mulf %sub3A_619, %sub3A_619 : vector<16xf32>
      %mul3A_623 = arith.mulf %sub3A_620, %sub3A_620 : vector<16xf32>
      %add3A_624 = arith.addf %mul3A_622, %mul3A_623 : vector<16xf32>
      %mul3A_625 = arith.mulf %sub3A_621, %sub3A_621 : vector<16xf32>
      %add3A_626 = arith.addf %add3A_624, %mul3A_625 : vector<16xf32>
      %lt3A_627 = arith.constant 4.000000e-02 : f32
      %lt3A_628 = vector.broadcast %lt3A_627 : f32 to vector<16xf32>
      %lt3A_629 = arith.cmpf olt, %add3A_626, %lt3A_628 : vector<16xf32>
      %get3A_630 = arith.constant 384 : index
      %get3A_631 = tpu.vector_load %arg5[%get3A_630] {strides = array<i32>} : memref<4112xf32, #tpu.memory_space<vmem>>, vector<16xf32>,
      %get3A_632 = arith.constant 384 : index
      %get3A_633 = tpu.vector_load %arg6[%get3A_632] {strides = array<i32>} : memref<4112xf32, #tpu.memory_space<vmem>>, vector<16xf32>,
      %get3A_634 = arith.constant 384 : index
      %get3A_635 = tpu.vector_load %arg7[%get3A_634] {strides = array<i32>} : memref<4112xf32, #tpu.memory_space<vmem>>, vector<16xf32>,
      %sub3A_636 = arith.subf %get3A_631, %broadcast_in_dim3A : vector<16xf32>
      %sub3A_637 = arith.subf %get3A_633, %broadcast_in_dim3A_73 : vector<16xf32>
      %sub3A_638 = arith.subf %get3A_635, %broadcast_in_dim3A_78 : vector<16xf32>
      %mul3A_639 = arith.mulf %sub3A_636, %sub3A_636 : vector<16xf32>
      %mul3A_640 = arith.mulf %sub3A_637, %sub3A_637 : vector<16xf32>
      %add3A_641 = arith.addf %mul3A_639, %mul3A_640 : vector<16xf32>
      %mul3A_642 = arith.mulf %sub3A_638, %sub3A_638 : vector<16xf32>
      %add3A_643 = arith.addf %add3A_641, %mul3A_642 : vector<16xf32>
      %lt3A_644 = arith.constant 4.000000e-02 : f32
      %lt3A_645 = vector.broadcast %lt3A_644 : f32 to vector<16xf32>
      %lt3A_646 = arith.cmpf olt, %add3A_643, %lt3A_645 : vector<16xf32>
      %get3A_647 = arith.constant 400 : index
      %get3A_648 = tpu.vector_load %arg5[%get3A_647] {strides = array<i32>} : memref<4112xf32, #tpu.memory_space<vmem>>, vector<16xf32>,
      %get3A_649 = arith.constant 400 : index
      %get3A_650 = tpu.vector_load %arg6[%get3A_649] {strides = array<i32>} : memref<4112xf32, #tpu.memory_space<vmem>>, vector<16xf32>,
      %get3A_651 = arith.constant 400 : index
      %get3A_652 = tpu.vector_load %arg7[%get3A_651] {strides = array<i32>} : memref<4112xf32, #tpu.memory_space<vmem>>, vector<16xf32>,
      %sub3A_653 = arith.subf %get3A_648, %broadcast_in_dim3A : vector<16xf32>
      %sub3A_654 = arith.subf %get3A_650, %broadcast_in_dim3A_73 : vector<16xf32>
      %sub3A_655 = arith.subf %get3A_652, %broadcast_in_dim3A_78 : vector<16xf32>
      %mul3A_656 = arith.mulf %sub3A_653, %sub3A_653 : vector<16xf32>
      %mul3A_657 = arith.mulf %sub3A_654, %sub3A_654 : vector<16xf32>
      %add3A_658 = arith.addf %mul3A_656, %mul3A_657 : vector<16xf32>
      %mul3A_659 = arith.mulf %sub3A_655, %sub3A_655 : vector<16xf32>
      %add3A_660 = arith.addf %add3A_658, %mul3A_659 : vector<16xf32>
      %lt3A_661 = arith.constant 4.000000e-02 : f32
      %lt3A_662 = vector.broadcast %lt3A_661 : f32 to vector<16xf32>
      %lt3A_663 = arith.cmpf olt, %add3A_660, %lt3A_662 : vector<16xf32>
      %get3A_664 = arith.constant 416 : index
      %get3A_665 = tpu.vector_load %arg5[%get3A_664] {strides = array<i32>} : memref<4112xf32, #tpu.memory_space<vmem>>, vector<16xf32>,
      %get3A_666 = arith.constant 416 : index
      %get3A_667 = tpu.vector_load %arg6[%get3A_666] {strides = array<i32>} : memref<4112xf32, #tpu.memory_space<vmem>>, vector<16xf32>,
      %get3A_668 = arith.constant 416 : index
      %get3A_669 = tpu.vector_load %arg7[%get3A_668] {strides = array<i32>} : memref<4112xf32, #tpu.memory_space<vmem>>, vector<16xf32>,
      %sub3A_670 = arith.subf %get3A_665, %broadcast_in_dim3A : vector<16xf32>
      %sub3A_671 = arith.subf %get3A_667, %broadcast_in_dim3A_73 : vector<16xf32>
      %sub3A_672 = arith.subf %get3A_669, %broadcast_in_dim3A_78 : vector<16xf32>
      %mul3A_673 = arith.mulf %sub3A_670, %sub3A_670 : vector<16xf32>
      %mul3A_674 = arith.mulf %sub3A_671, %sub3A_671 : vector<16xf32>
      %add3A_675 = arith.addf %mul3A_673, %mul3A_674 : vector<16xf32>
      %mul3A_676 = arith.mulf %sub3A_672, %sub3A_672 : vector<16xf32>
      %add3A_677 = arith.addf %add3A_675, %mul3A_676 : vector<16xf32>
      %lt3A_678 = arith.constant 4.000000e-02 : f32
      %lt3A_679 = vector.broadcast %lt3A_678 : f32 to vector<16xf32>
      %lt3A_680 = arith.cmpf olt, %add3A_677, %lt3A_679 : vector<16xf32>
      %get3A_681 = arith.constant 432 : index
      %get3A_682 = tpu.vector_load %arg5[%get3A_681] {strides = array<i32>} : memref<4112xf32, #tpu.memory_space<vmem>>, vector<16xf32>,
      %get3A_683 = arith.constant 432 : index
      %get3A_684 = tpu.vector_load %arg6[%get3A_683] {strides = array<i32>} : memref<4112xf32, #tpu.memory_space<vmem>>, vector<16xf32>,
      %get3A_685 = arith.constant 432 : index
      %get3A_686 = tpu.vector_load %arg7[%get3A_685] {strides = array<i32>} : memref<4112xf32, #tpu.memory_space<vmem>>, vector<16xf32>,
      %sub3A_687 = arith.subf %get3A_682, %broadcast_in_dim3A : vector<16xf32>
      %sub3A_688 = arith.subf %get3A_684, %broadcast_in_dim3A_73 : vector<16xf32>
      %sub3A_689 = arith.subf %get3A_686, %broadcast_in_dim3A_78 : vector<16xf32>
      %mul3A_690 = arith.mulf %sub3A_687, %sub3A_687 : vector<16xf32>
      %mul3A_691 = arith.mulf %sub3A_688, %sub3A_688 : vector<16xf32>
      %add3A_692 = arith.addf %mul3A_690, %mul3A_691 : vector<16xf32>
      %mul3A_693 = arith.mulf %sub3A_689, %sub3A_689 : vector<16xf32>
      %add3A_694 = arith.addf %add3A_692, %mul3A_693 : vector<16xf32>
      %lt3A_695 = arith.constant 4.000000e-02 : f32
      %lt3A_696 = vector.broadcast %lt3A_695 : f32 to vector<16xf32>
      %lt3A_697 = arith.cmpf olt, %add3A_694, %lt3A_696 : vector<16xf32>
      %get3A_698 = arith.constant 448 : index
      %get3A_699 = tpu.vector_load %arg5[%get3A_698] {strides = array<i32>} : memref<4112xf32, #tpu.memory_space<vmem>>, vector<16xf32>,
      %get3A_700 = arith.constant 448 : index
      %get3A_701 = tpu.vector_load %arg6[%get3A_700] {strides = array<i32>} : memref<4112xf32, #tpu.memory_space<vmem>>, vector<16xf32>,
      %get3A_702 = arith.constant 448 : index
      %get3A_703 = tpu.vector_load %arg7[%get3A_702] {strides = array<i32>} : memref<4112xf32, #tpu.memory_space<vmem>>, vector<16xf32>,
      %sub3A_704 = arith.subf %get3A_699, %broadcast_in_dim3A : vector<16xf32>
      %sub3A_705 = arith.subf %get3A_701, %broadcast_in_dim3A_73 : vector<16xf32>
      %sub3A_706 = arith.subf %get3A_703, %broadcast_in_dim3A_78 : vector<16xf32>
      %mul3A_707 = arith.mulf %sub3A_704, %sub3A_704 : vector<16xf32>
      %mul3A_708 = arith.mulf %sub3A_705, %sub3A_705 : vector<16xf32>
      %add3A_709 = arith.addf %mul3A_707, %mul3A_708 : vector<16xf32>
      %mul3A_710 = arith.mulf %sub3A_706, %sub3A_706 : vector<16xf32>
      %add3A_711 = arith.addf %add3A_709, %mul3A_710 : vector<16xf32>
      %lt3A_712 = arith.constant 4.000000e-02 : f32
      %lt3A_713 = vector.broadcast %lt3A_712 : f32 to vector<16xf32>
      %lt3A_714 = arith.cmpf olt, %add3A_711, %lt3A_713 : vector<16xf32>
      %get3A_715 = arith.constant 464 : index
      %get3A_716 = tpu.vector_load %arg5[%get3A_715] {strides = array<i32>} : memref<4112xf32, #tpu.memory_space<vmem>>, vector<16xf32>,
      %get3A_717 = arith.constant 464 : index
      %get3A_718 = tpu.vector_load %arg6[%get3A_717] {strides = array<i32>} : memref<4112xf32, #tpu.memory_space<vmem>>, vector<16xf32>,
      %get3A_719 = arith.constant 464 : index
      %get3A_720 = tpu.vector_load %arg7[%get3A_719] {strides = array<i32>} : memref<4112xf32, #tpu.memory_space<vmem>>, vector<16xf32>,
      %sub3A_721 = arith.subf %get3A_716, %broadcast_in_dim3A : vector<16xf32>
      %sub3A_722 = arith.subf %get3A_718, %broadcast_in_dim3A_73 : vector<16xf32>
      %sub3A_723 = arith.subf %get3A_720, %broadcast_in_dim3A_78 : vector<16xf32>
      %mul3A_724 = arith.mulf %sub3A_721, %sub3A_721 : vector<16xf32>
      %mul3A_725 = arith.mulf %sub3A_722, %sub3A_722 : vector<16xf32>
      %add3A_726 = arith.addf %mul3A_724, %mul3A_725 : vector<16xf32>
      %mul3A_727 = arith.mulf %sub3A_723, %sub3A_723 : vector<16xf32>
      %add3A_728 = arith.addf %add3A_726, %mul3A_727 : vector<16xf32>
      %lt3A_729 = arith.constant 4.000000e-02 : f32
      %lt3A_730 = vector.broadcast %lt3A_729 : f32 to vector<16xf32>
      %lt3A_731 = arith.cmpf olt, %add3A_728, %lt3A_730 : vector<16xf32>
      %get3A_732 = arith.constant 480 : index
      %get3A_733 = tpu.vector_load %arg5[%get3A_732] {strides = array<i32>} : memref<4112xf32, #tpu.memory_space<vmem>>, vector<16xf32>,
      %get3A_734 = arith.constant 480 : index
      %get3A_735 = tpu.vector_load %arg6[%get3A_734] {strides = array<i32>} : memref<4112xf32, #tpu.memory_space<vmem>>, vector<16xf32>,
      %get3A_736 = arith.constant 480 : index
      %get3A_737 = tpu.vector_load %arg7[%get3A_736] {strides = array<i32>} : memref<4112xf32, #tpu.memory_space<vmem>>, vector<16xf32>,
      %sub3A_738 = arith.subf %get3A_733, %broadcast_in_dim3A : vector<16xf32>
      %sub3A_739 = arith.subf %get3A_735, %broadcast_in_dim3A_73 : vector<16xf32>
      %sub3A_740 = arith.subf %get3A_737, %broadcast_in_dim3A_78 : vector<16xf32>
      %mul3A_741 = arith.mulf %sub3A_738, %sub3A_738 : vector<16xf32>
      %mul3A_742 = arith.mulf %sub3A_739, %sub3A_739 : vector<16xf32>
      %add3A_743 = arith.addf %mul3A_741, %mul3A_742 : vector<16xf32>
      %mul3A_744 = arith.mulf %sub3A_740, %sub3A_740 : vector<16xf32>
      %add3A_745 = arith.addf %add3A_743, %mul3A_744 : vector<16xf32>
      %lt3A_746 = arith.constant 4.000000e-02 : f32
      %lt3A_747 = vector.broadcast %lt3A_746 : f32 to vector<16xf32>
      %lt3A_748 = arith.cmpf olt, %add3A_745, %lt3A_747 : vector<16xf32>
      %get3A_749 = arith.constant 496 : index
      %get3A_750 = tpu.vector_load %arg5[%get3A_749] {strides = array<i32>} : memref<4112xf32, #tpu.memory_space<vmem>>, vector<16xf32>,
      %get3A_751 = arith.constant 496 : index
      %get3A_752 = tpu.vector_load %arg6[%get3A_751] {strides = array<i32>} : memref<4112xf32, #tpu.memory_space<vmem>>, vector<16xf32>,
      %get3A_753 = arith.constant 496 : index
      %get3A_754 = tpu.vector_load %arg7[%get3A_753] {strides = array<i32>} : memref<4112xf32, #tpu.memory_space<vmem>>, vector<16xf32>,
      %sub3A_755 = arith.subf %get3A_750, %broadcast_in_dim3A : vector<16xf32>
      %sub3A_756 = arith.subf %get3A_752, %broadcast_in_dim3A_73 : vector<16xf32>
      %sub3A_757 = arith.subf %get3A_754, %broadcast_in_dim3A_78 : vector<16xf32>
      %mul3A_758 = arith.mulf %sub3A_755, %sub3A_755 : vector<16xf32>
      %mul3A_759 = arith.mulf %sub3A_756, %sub3A_756 : vector<16xf32>
      %add3A_760 = arith.addf %mul3A_758, %mul3A_759 : vector<16xf32>
      %mul3A_761 = arith.mulf %sub3A_757, %sub3A_757 : vector<16xf32>
      %add3A_762 = arith.addf %add3A_760, %mul3A_761 : vector<16xf32>
      %lt3A_763 = arith.constant 4.000000e-02 : f32
      %lt3A_764 = vector.broadcast %lt3A_763 : f32 to vector<16xf32>
      %lt3A_765 = arith.cmpf olt, %add3A_762, %lt3A_764 : vector<16xf32>
      %add3A_766 = arith.constant 256 : i32
      %add3A_767 = vector.broadcast %add3A_766 : i32 to vector<16xi32>
      %add3A_768 = arith.addi %add3A_767, %iota3A : vector<16xi32>
      %swap3A_769 = arith.index_cast %add3A_493 : i32 to index
      %swap3A_770 = tpu.vector_load %arg8[%swap3A_769] masked %lt3A_510 {strides = array<i32>} : memref<784xi32, #tpu.memory_space<vmem>>, vector<16xi32>, vector<16xi1>
      tpu.vector_store %arg8[%swap3A_769], %add3A_768 masked %lt3A_510 {strides = array<i32>} : memref<784xi32, #tpu.memory_space<vmem>>, vector<16xi32>, vector<16xi1>
      %all_reduce_population_count3A_771 = tpu.all_reduce %lt3A_510 {dim = 0 : i64, kind = #tpu.reduction_kind<sum>} : vector<16xi1> -> vector<16xi32>
      %slice3A_772 = vector.extract_strided_slice %all_reduce_population_count3A_771 {offsets = [0], sizes = [1], strides = [1]} : vector<16xi32> to vector<1xi32>
      %squeeze3A_773 = vector.extract %slice3A_772[0] : i32 from vector<1xi32>
      %add3A_774 = arith.addi %add3A_493, %squeeze3A_773 : i32
      %add3A_775 = arith.constant 272 : i32
      %add3A_776 = vector.broadcast %add3A_775 : i32 to vector<16xi32>
      %add3A_777 = arith.addi %add3A_776, %iota3A : vector<16xi32>
      %swap3A_778 = arith.index_cast %add3A_774 : i32 to index
      %swap3A_779 = tpu.vector_load %arg8[%swap3A_778] masked %lt3A_527 {strides = array<i32>} : memref<784xi32, #tpu.memory_space<vmem>>, vector<16xi32>, vector<16xi1>
      tpu.vector_store %arg8[%swap3A_778], %add3A_777 masked %lt3A_527 {strides = array<i32>} : memref<784xi32, #tpu.memory_space<vmem>>, vector<16xi32>, vector<16xi1>
      %all_reduce_population_count3A_780 = tpu.all_reduce %lt3A_527 {dim = 0 : i64, kind = #tpu.reduction_kind<sum>} : vector<16xi1> -> vector<16xi32>
      %slice3A_781 = vector.extract_strided_slice %all_reduce_population_count3A_780 {offsets = [0], sizes = [1], strides = [1]} : vector<16xi32> to vector<1xi32>
      %squeeze3A_782 = vector.extract %slice3A_781[0] : i32 from vector<1xi32>
      %add3A_783 = arith.addi %add3A_774, %squeeze3A_782 : i32
      %add3A_784 = arith.constant 288 : i32
      %add3A_785 = vector.broadcast %add3A_784 : i32 to vector<16xi32>
      %add3A_786 = arith.addi %add3A_785, %iota3A : vector<16xi32>
      %swap3A_787 = arith.index_cast %add3A_783 : i32 to index
      %swap3A_788 = tpu.vector_load %arg8[%swap3A_787] masked %lt3A_544 {strides = array<i32>} : memref<784xi32, #tpu.memory_space<vmem>>, vector<16xi32>, vector<16xi1>
      tpu.vector_store %arg8[%swap3A_787], %add3A_786 masked %lt3A_544 {strides = array<i32>} : memref<784xi32, #tpu.memory_space<vmem>>, vector<16xi32>, vector<16xi1>
      %all_reduce_population_count3A_789 = tpu.all_reduce %lt3A_544 {dim = 0 : i64, kind = #tpu.reduction_kind<sum>} : vector<16xi1> -> vector<16xi32>
      %slice3A_790 = vector.extract_strided_slice %all_reduce_population_count3A_789 {offsets = [0], sizes = [1], strides = [1]} : vector<16xi32> to vector<1xi32>
      %squeeze3A_791 = vector.extract %slice3A_790[0] : i32 from vector<1xi32>
      %add3A_792 = arith.addi %add3A_783, %squeeze3A_791 : i32
      %add3A_793 = arith.constant 304 : i32
      %add3A_794 = vector.broadcast %add3A_793 : i32 to vector<16xi32>
      %add3A_795 = arith.addi %add3A_794, %iota3A : vector<16xi32>
      %swap3A_796 = arith.index_cast %add3A_792 : i32 to index
      %swap3A_797 = tpu.vector_load %arg8[%swap3A_796] masked %lt3A_561 {strides = array<i32>} : memref<784xi32, #tpu.memory_space<vmem>>, vector<16xi32>, vector<16xi1>
      tpu.vector_store %arg8[%swap3A_796], %add3A_795 masked %lt3A_561 {strides = array<i32>} : memref<784xi32, #tpu.memory_space<vmem>>, vector<16xi32>, vector<16xi1>
      %all_reduce_population_count3A_798 = tpu.all_reduce %lt3A_561 {dim = 0 : i64, kind = #tpu.reduction_kind<sum>} : vector<16xi1> -> vector<16xi32>
      %slice3A_799 = vector.extract_strided_slice %all_reduce_population_count3A_798 {offsets = [0], sizes = [1], strides = [1]} : vector<16xi32> to vector<1xi32>
      %squeeze3A_800 = vector.extract %slice3A_799[0] : i32 from vector<1xi32>
      %add3A_801 = arith.addi %add3A_792, %squeeze3A_800 : i32
      %add3A_802 = arith.constant 320 : i32
      %add3A_803 = vector.broadcast %add3A_802 : i32 to vector<16xi32>
      %add3A_804 = arith.addi %add3A_803, %iota3A : vector<16xi32>
      %swap3A_805 = arith.index_cast %add3A_801 : i32 to index
      %swap3A_806 = tpu.vector_load %arg8[%swap3A_805] masked %lt3A_578 {strides = array<i32>} : memref<784xi32, #tpu.memory_space<vmem>>, vector<16xi32>, vector<16xi1>
      tpu.vector_store %arg8[%swap3A_805], %add3A_804 masked %lt3A_578 {strides = array<i32>} : memref<784xi32, #tpu.memory_space<vmem>>, vector<16xi32>, vector<16xi1>
      %all_reduce_population_count3A_807 = tpu.all_reduce %lt3A_578 {dim = 0 : i64, kind = #tpu.reduction_kind<sum>} : vector<16xi1> -> vector<16xi32>
      %slice3A_808 = vector.extract_strided_slice %all_reduce_population_count3A_807 {offsets = [0], sizes = [1], strides = [1]} : vector<16xi32> to vector<1xi32>
      %squeeze3A_809 = vector.extract %slice3A_808[0] : i32 from vector<1xi32>
      %add3A_810 = arith.addi %add3A_801, %squeeze3A_809 : i32
      %add3A_811 = arith.constant 336 : i32
      %add3A_812 = vector.broadcast %add3A_811 : i32 to vector<16xi32>
      %add3A_813 = arith.addi %add3A_812, %iota3A : vector<16xi32>
      %swap3A_814 = arith.index_cast %add3A_810 : i32 to index
      %swap3A_815 = tpu.vector_load %arg8[%swap3A_814] masked %lt3A_595 {strides = array<i32>} : memref<784xi32, #tpu.memory_space<vmem>>, vector<16xi32>, vector<16xi1>
      tpu.vector_store %arg8[%swap3A_814], %add3A_813 masked %lt3A_595 {strides = array<i32>} : memref<784xi32, #tpu.memory_space<vmem>>, vector<16xi32>, vector<16xi1>
      %all_reduce_population_count3A_816 = tpu.all_reduce %lt3A_595 {dim = 0 : i64, kind = #tpu.reduction_kind<sum>} : vector<16xi1> -> vector<16xi32>
      %slice3A_817 = vector.extract_strided_slice %all_reduce_population_count3A_816 {offsets = [0], sizes = [1], strides = [1]} : vector<16xi32> to vector<1xi32>
      %squeeze3A_818 = vector.extract %slice3A_817[0] : i32 from vector<1xi32>
      %add3A_819 = arith.addi %add3A_810, %squeeze3A_818 : i32
      %add3A_820 = arith.constant 352 : i32
      %add3A_821 = vector.broadcast %add3A_820 : i32 to vector<16xi32>
      %add3A_822 = arith.addi %add3A_821, %iota3A : vector<16xi32>
      %swap3A_823 = arith.index_cast %add3A_819 : i32 to index
      %swap3A_824 = tpu.vector_load %arg8[%swap3A_823] masked %lt3A_612 {strides = array<i32>} : memref<784xi32, #tpu.memory_space<vmem>>, vector<16xi32>, vector<16xi1>
      tpu.vector_store %arg8[%swap3A_823], %add3A_822 masked %lt3A_612 {strides = array<i32>} : memref<784xi32, #tpu.memory_space<vmem>>, vector<16xi32>, vector<16xi1>
      %all_reduce_population_count3A_825 = tpu.all_reduce %lt3A_612 {dim = 0 : i64, kind = #tpu.reduction_kind<sum>} : vector<16xi1> -> vector<16xi32>
      %slice3A_826 = vector.extract_strided_slice %all_reduce_population_count3A_825 {offsets = [0], sizes = [1], strides = [1]} : vector<16xi32> to vector<1xi32>
      %squeeze3A_827 = vector.extract %slice3A_826[0] : i32 from vector<1xi32>
      %add3A_828 = arith.addi %add3A_819, %squeeze3A_827 : i32
      %add3A_829 = arith.constant 368 : i32
      %add3A_830 = vector.broadcast %add3A_829 : i32 to vector<16xi32>
      %add3A_831 = arith.addi %add3A_830, %iota3A : vector<16xi32>
      %swap3A_832 = arith.index_cast %add3A_828 : i32 to index
      %swap3A_833 = tpu.vector_load %arg8[%swap3A_832] masked %lt3A_629 {strides = array<i32>} : memref<784xi32, #tpu.memory_space<vmem>>, vector<16xi32>, vector<16xi1>
      tpu.vector_store %arg8[%swap3A_832], %add3A_831 masked %lt3A_629 {strides = array<i32>} : memref<784xi32, #tpu.memory_space<vmem>>, vector<16xi32>, vector<16xi1>
      %all_reduce_population_count3A_834 = tpu.all_reduce %lt3A_629 {dim = 0 : i64, kind = #tpu.reduction_kind<sum>} : vector<16xi1> -> vector<16xi32>
      %slice3A_835 = vector.extract_strided_slice %all_reduce_population_count3A_834 {offsets = [0], sizes = [1], strides = [1]} : vector<16xi32> to vector<1xi32>
      %squeeze3A_836 = vector.extract %slice3A_835[0] : i32 from vector<1xi32>
      %add3A_837 = arith.addi %add3A_828, %squeeze3A_836 : i32
      %add3A_838 = arith.constant 384 : i32
      %add3A_839 = vector.broadcast %add3A_838 : i32 to vector<16xi32>
      %add3A_840 = arith.addi %add3A_839, %iota3A : vector<16xi32>
      %swap3A_841 = arith.index_cast %add3A_837 : i32 to index
      %swap3A_842 = tpu.vector_load %arg8[%swap3A_841] masked %lt3A_646 {strides = array<i32>} : memref<784xi32, #tpu.memory_space<vmem>>, vector<16xi32>, vector<16xi1>
      tpu.vector_store %arg8[%swap3A_841], %add3A_840 masked %lt3A_646 {strides = array<i32>} : memref<784xi32, #tpu.memory_space<vmem>>, vector<16xi32>, vector<16xi1>
      %all_reduce_population_count3A_843 = tpu.all_reduce %lt3A_646 {dim = 0 : i64, kind = #tpu.reduction_kind<sum>} : vector<16xi1> -> vector<16xi32>
      %slice3A_844 = vector.extract_strided_slice %all_reduce_population_count3A_843 {offsets = [0], sizes = [1], strides = [1]} : vector<16xi32> to vector<1xi32>
      %squeeze3A_845 = vector.extract %slice3A_844[0] : i32 from vector<1xi32>
      %add3A_846 = arith.addi %add3A_837, %squeeze3A_845 : i32
      %add3A_847 = arith.constant 400 : i32
      %add3A_848 = vector.broadcast %add3A_847 : i32 to vector<16xi32>
      %add3A_849 = arith.addi %add3A_848, %iota3A : vector<16xi32>
      %swap3A_850 = arith.index_cast %add3A_846 : i32 to index
      %swap3A_851 = tpu.vector_load %arg8[%swap3A_850] masked %lt3A_663 {strides = array<i32>} : memref<784xi32, #tpu.memory_space<vmem>>, vector<16xi32>, vector<16xi1>
      tpu.vector_store %arg8[%swap3A_850], %add3A_849 masked %lt3A_663 {strides = array<i32>} : memref<784xi32, #tpu.memory_space<vmem>>, vector<16xi32>, vector<16xi1>
      %all_reduce_population_count3A_852 = tpu.all_reduce %lt3A_663 {dim = 0 : i64, kind = #tpu.reduction_kind<sum>} : vector<16xi1> -> vector<16xi32>
      %slice3A_853 = vector.extract_strided_slice %all_reduce_population_count3A_852 {offsets = [0], sizes = [1], strides = [1]} : vector<16xi32> to vector<1xi32>
      %squeeze3A_854 = vector.extract %slice3A_853[0] : i32 from vector<1xi32>
      %add3A_855 = arith.addi %add3A_846, %squeeze3A_854 : i32
      %add3A_856 = arith.constant 416 : i32
      %add3A_857 = vector.broadcast %add3A_856 : i32 to vector<16xi32>
      %add3A_858 = arith.addi %add3A_857, %iota3A : vector<16xi32>
      %swap3A_859 = arith.index_cast %add3A_855 : i32 to index
      %swap3A_860 = tpu.vector_load %arg8[%swap3A_859] masked %lt3A_680 {strides = array<i32>} : memref<784xi32, #tpu.memory_space<vmem>>, vector<16xi32>, vector<16xi1>
      tpu.vector_store %arg8[%swap3A_859], %add3A_858 masked %lt3A_680 {strides = array<i32>} : memref<784xi32, #tpu.memory_space<vmem>>, vector<16xi32>, vector<16xi1>
      %all_reduce_population_count3A_861 = tpu.all_reduce %lt3A_680 {dim = 0 : i64, kind = #tpu.reduction_kind<sum>} : vector<16xi1> -> vector<16xi32>
      %slice3A_862 = vector.extract_strided_slice %all_reduce_population_count3A_861 {offsets = [0], sizes = [1], strides = [1]} : vector<16xi32> to vector<1xi32>
      %squeeze3A_863 = vector.extract %slice3A_862[0] : i32 from vector<1xi32>
      %add3A_864 = arith.addi %add3A_855, %squeeze3A_863 : i32
      %add3A_865 = arith.constant 432 : i32
      %add3A_866 = vector.broadcast %add3A_865 : i32 to vector<16xi32>
      %add3A_867 = arith.addi %add3A_866, %iota3A : vector<16xi32>
      %swap3A_868 = arith.index_cast %add3A_864 : i32 to index
      %swap3A_869 = tpu.vector_load %arg8[%swap3A_868] masked %lt3A_697 {strides = array<i32>} : memref<784xi32, #tpu.memory_space<vmem>>, vector<16xi32>, vector<16xi1>
      tpu.vector_store %arg8[%swap3A_868], %add3A_867 masked %lt3A_697 {strides = array<i32>} : memref<784xi32, #tpu.memory_space<vmem>>, vector<16xi32>, vector<16xi1>
      %all_reduce_population_count3A_870 = tpu.all_reduce %lt3A_697 {dim = 0 : i64, kind = #tpu.reduction_kind<sum>} : vector<16xi1> -> vector<16xi32>
      %slice3A_871 = vector.extract_strided_slice %all_reduce_population_count3A_870 {offsets = [0], sizes = [1], strides = [1]} : vector<16xi32> to vector<1xi32>
      %squeeze3A_872 = vector.extract %slice3A_871[0] : i32 from vector<1xi32>
      %add3A_873 = arith.addi %add3A_864, %squeeze3A_872 : i32
      %add3A_874 = arith.constant 448 : i32
      %add3A_875 = vector.broadcast %add3A_874 : i32 to vector<16xi32>
      %add3A_876 = arith.addi %add3A_875, %iota3A : vector<16xi32>
      %swap3A_877 = arith.index_cast %add3A_873 : i32 to index
      %swap3A_878 = tpu.vector_load %arg8[%swap3A_877] masked %lt3A_714 {strides = array<i32>} : memref<784xi32, #tpu.memory_space<vmem>>, vector<16xi32>, vector<16xi1>
      tpu.vector_store %arg8[%swap3A_877], %add3A_876 masked %lt3A_714 {strides = array<i32>} : memref<784xi32, #tpu.memory_space<vmem>>, vector<16xi32>, vector<16xi1>
      %all_reduce_population_count3A_879 = tpu.all_reduce %lt3A_714 {dim = 0 : i64, kind = #tpu.reduction_kind<sum>} : vector<16xi1> -> vector<16xi32>
      %slice3A_880 = vector.extract_strided_slice %all_reduce_population_count3A_879 {offsets = [0], sizes = [1], strides = [1]} : vector<16xi32> to vector<1xi32>
      %squeeze3A_881 = vector.extract %slice3A_880[0] : i32 from vector<1xi32>
      %add3A_882 = arith.addi %add3A_873, %squeeze3A_881 : i32
      %add3A_883 = arith.constant 464 : i32
      %add3A_884 = vector.broadcast %add3A_883 : i32 to vector<16xi32>
      %add3A_885 = arith.addi %add3A_884, %iota3A : vector<16xi32>
      %swap3A_886 = arith.index_cast %add3A_882 : i32 to index
      %swap3A_887 = tpu.vector_load %arg8[%swap3A_886] masked %lt3A_731 {strides = array<i32>} : memref<784xi32, #tpu.memory_space<vmem>>, vector<16xi32>, vector<16xi1>
      tpu.vector_store %arg8[%swap3A_886], %add3A_885 masked %lt3A_731 {strides = array<i32>} : memref<784xi32, #tpu.memory_space<vmem>>, vector<16xi32>, vector<16xi1>
      %all_reduce_population_count3A_888 = tpu.all_reduce %lt3A_731 {dim = 0 : i64, kind = #tpu.reduction_kind<sum>} : vector<16xi1> -> vector<16xi32>
      %slice3A_889 = vector.extract_strided_slice %all_reduce_population_count3A_888 {offsets = [0], sizes = [1], strides = [1]} : vector<16xi32> to vector<1xi32>
      %squeeze3A_890 = vector.extract %slice3A_889[0] : i32 from vector<1xi32>
      %add3A_891 = arith.addi %add3A_882, %squeeze3A_890 : i32
      %add3A_892 = arith.constant 480 : i32
      %add3A_893 = vector.broadcast %add3A_892 : i32 to vector<16xi32>
      %add3A_894 = arith.addi %add3A_893, %iota3A : vector<16xi32>
      %swap3A_895 = arith.index_cast %add3A_891 : i32 to index
      %swap3A_896 = tpu.vector_load %arg8[%swap3A_895] masked %lt3A_748 {strides = array<i32>} : memref<784xi32, #tpu.memory_space<vmem>>, vector<16xi32>, vector<16xi1>
      tpu.vector_store %arg8[%swap3A_895], %add3A_894 masked %lt3A_748 {strides = array<i32>} : memref<784xi32, #tpu.memory_space<vmem>>, vector<16xi32>, vector<16xi1>
      %all_reduce_population_count3A_897 = tpu.all_reduce %lt3A_748 {dim = 0 : i64, kind = #tpu.reduction_kind<sum>} : vector<16xi1> -> vector<16xi32>
      %slice3A_898 = vector.extract_strided_slice %all_reduce_population_count3A_897 {offsets = [0], sizes = [1], strides = [1]} : vector<16xi32> to vector<1xi32>
      %squeeze3A_899 = vector.extract %slice3A_898[0] : i32 from vector<1xi32>
      %add3A_900 = arith.addi %add3A_891, %squeeze3A_899 : i32
      %add3A_901 = arith.constant 496 : i32
      %add3A_902 = vector.broadcast %add3A_901 : i32 to vector<16xi32>
      %add3A_903 = arith.addi %add3A_902, %iota3A : vector<16xi32>
      %swap3A_904 = arith.index_cast %add3A_900 : i32 to index
      %swap3A_905 = tpu.vector_load %arg8[%swap3A_904] masked %lt3A_765 {strides = array<i32>} : memref<784xi32, #tpu.memory_space<vmem>>, vector<16xi32>, vector<16xi1>
      tpu.vector_store %arg8[%swap3A_904], %add3A_903 masked %lt3A_765 {strides = array<i32>} : memref<784xi32, #tpu.memory_space<vmem>>, vector<16xi32>, vector<16xi1>
      %all_reduce_population_count3A_906 = tpu.all_reduce %lt3A_765 {dim = 0 : i64, kind = #tpu.reduction_kind<sum>} : vector<16xi1> -> vector<16xi32>
      %slice3A_907 = vector.extract_strided_slice %all_reduce_population_count3A_906 {offsets = [0], sizes = [1], strides = [1]} : vector<16xi32> to vector<1xi32>
      %squeeze3A_908 = vector.extract %slice3A_907[0] : i32 from vector<1xi32>
      %add3A_909 = arith.addi %add3A_900, %squeeze3A_908 : i32
      %get3A_910 = arith.constant 512 : index
      %get3A_911 = tpu.vector_load %arg5[%get3A_910] {strides = array<i32>} : memref<4112xf32, #tpu.memory_space<vmem>>, vector<16xf32>,
      %get3A_912 = arith.constant 512 : index
      %get3A_913 = tpu.vector_load %arg6[%get3A_912] {strides = array<i32>} : memref<4112xf32, #tpu.memory_space<vmem>>, vector<16xf32>,
      %get3A_914 = arith.constant 512 : index
      %get3A_915 = tpu.vector_load %arg7[%get3A_914] {strides = array<i32>} : memref<4112xf32, #tpu.memory_space<vmem>>, vector<16xf32>,
      %sub3A_916 = arith.subf %get3A_911, %broadcast_in_dim3A : vector<16xf32>
      %sub3A_917 = arith.subf %get3A_913, %broadcast_in_dim3A_73 : vector<16xf32>
      %sub3A_918 = arith.subf %get3A_915, %broadcast_in_dim3A_78 : vector<16xf32>
      %mul3A_919 = arith.mulf %sub3A_916, %sub3A_916 : vector<16xf32>
      %mul3A_920 = arith.mulf %sub3A_917, %sub3A_917 : vector<16xf32>
      %add3A_921 = arith.addf %mul3A_919, %mul3A_920 : vector<16xf32>
      %mul3A_922 = arith.mulf %sub3A_918, %sub3A_918 : vector<16xf32>
      %add3A_923 = arith.addf %add3A_921, %mul3A_922 : vector<16xf32>
      %lt3A_924 = arith.constant 4.000000e-02 : f32
      %lt3A_925 = vector.broadcast %lt3A_924 : f32 to vector<16xf32>
      %lt3A_926 = arith.cmpf olt, %add3A_923, %lt3A_925 : vector<16xf32>
      %get3A_927 = arith.constant 528 : index
      %get3A_928 = tpu.vector_load %arg5[%get3A_927] {strides = array<i32>} : memref<4112xf32, #tpu.memory_space<vmem>>, vector<16xf32>,
      %get3A_929 = arith.constant 528 : index
      %get3A_930 = tpu.vector_load %arg6[%get3A_929] {strides = array<i32>} : memref<4112xf32, #tpu.memory_space<vmem>>, vector<16xf32>,
      %get3A_931 = arith.constant 528 : index
      %get3A_932 = tpu.vector_load %arg7[%get3A_931] {strides = array<i32>} : memref<4112xf32, #tpu.memory_space<vmem>>, vector<16xf32>,
      %sub3A_933 = arith.subf %get3A_928, %broadcast_in_dim3A : vector<16xf32>
      %sub3A_934 = arith.subf %get3A_930, %broadcast_in_dim3A_73 : vector<16xf32>
      %sub3A_935 = arith.subf %get3A_932, %broadcast_in_dim3A_78 : vector<16xf32>
      %mul3A_936 = arith.mulf %sub3A_933, %sub3A_933 : vector<16xf32>
      %mul3A_937 = arith.mulf %sub3A_934, %sub3A_934 : vector<16xf32>
      %add3A_938 = arith.addf %mul3A_936, %mul3A_937 : vector<16xf32>
      %mul3A_939 = arith.mulf %sub3A_935, %sub3A_935 : vector<16xf32>
      %add3A_940 = arith.addf %add3A_938, %mul3A_939 : vector<16xf32>
      %lt3A_941 = arith.constant 4.000000e-02 : f32
      %lt3A_942 = vector.broadcast %lt3A_941 : f32 to vector<16xf32>
      %lt3A_943 = arith.cmpf olt, %add3A_940, %lt3A_942 : vector<16xf32>
      %get3A_944 = arith.constant 544 : index
      %get3A_945 = tpu.vector_load %arg5[%get3A_944] {strides = array<i32>} : memref<4112xf32, #tpu.memory_space<vmem>>, vector<16xf32>,
      %get3A_946 = arith.constant 544 : index
      %get3A_947 = tpu.vector_load %arg6[%get3A_946] {strides = array<i32>} : memref<4112xf32, #tpu.memory_space<vmem>>, vector<16xf32>,
      %get3A_948 = arith.constant 544 : index
      %get3A_949 = tpu.vector_load %arg7[%get3A_948] {strides = array<i32>} : memref<4112xf32, #tpu.memory_space<vmem>>, vector<16xf32>,
      %sub3A_950 = arith.subf %get3A_945, %broadcast_in_dim3A : vector<16xf32>
      %sub3A_951 = arith.subf %get3A_947, %broadcast_in_dim3A_73 : vector<16xf32>
      %sub3A_952 = arith.subf %get3A_949, %broadcast_in_dim3A_78 : vector<16xf32>
      %mul3A_953 = arith.mulf %sub3A_950, %sub3A_950 : vector<16xf32>
      %mul3A_954 = arith.mulf %sub3A_951, %sub3A_951 : vector<16xf32>
      %add3A_955 = arith.addf %mul3A_953, %mul3A_954 : vector<16xf32>
      %mul3A_956 = arith.mulf %sub3A_952, %sub3A_952 : vector<16xf32>
      %add3A_957 = arith.addf %add3A_955, %mul3A_956 : vector<16xf32>
      %lt3A_958 = arith.constant 4.000000e-02 : f32
      %lt3A_959 = vector.broadcast %lt3A_958 : f32 to vector<16xf32>
      %lt3A_960 = arith.cmpf olt, %add3A_957, %lt3A_959 : vector<16xf32>
      %get3A_961 = arith.constant 560 : index
      %get3A_962 = tpu.vector_load %arg5[%get3A_961] {strides = array<i32>} : memref<4112xf32, #tpu.memory_space<vmem>>, vector<16xf32>,
      %get3A_963 = arith.constant 560 : index
      %get3A_964 = tpu.vector_load %arg6[%get3A_963] {strides = array<i32>} : memref<4112xf32, #tpu.memory_space<vmem>>, vector<16xf32>,
      %get3A_965 = arith.constant 560 : index
      %get3A_966 = tpu.vector_load %arg7[%get3A_965] {strides = array<i32>} : memref<4112xf32, #tpu.memory_space<vmem>>, vector<16xf32>,
      %sub3A_967 = arith.subf %get3A_962, %broadcast_in_dim3A : vector<16xf32>
      %sub3A_968 = arith.subf %get3A_964, %broadcast_in_dim3A_73 : vector<16xf32>
      %sub3A_969 = arith.subf %get3A_966, %broadcast_in_dim3A_78 : vector<16xf32>
      %mul3A_970 = arith.mulf %sub3A_967, %sub3A_967 : vector<16xf32>
      %mul3A_971 = arith.mulf %sub3A_968, %sub3A_968 : vector<16xf32>
      %add3A_972 = arith.addf %mul3A_970, %mul3A_971 : vector<16xf32>
      %mul3A_973 = arith.mulf %sub3A_969, %sub3A_969 : vector<16xf32>
      %add3A_974 = arith.addf %add3A_972, %mul3A_973 : vector<16xf32>
      %lt3A_975 = arith.constant 4.000000e-02 : f32
      %lt3A_976 = vector.broadcast %lt3A_975 : f32 to vector<16xf32>
      %lt3A_977 = arith.cmpf olt, %add3A_974, %lt3A_976 : vector<16xf32>
      %get3A_978 = arith.constant 576 : index
      %get3A_979 = tpu.vector_load %arg5[%get3A_978] {strides = array<i32>} : memref<4112xf32, #tpu.memory_space<vmem>>, vector<16xf32>,
      %get3A_980 = arith.constant 576 : index
      %get3A_981 = tpu.vector_load %arg6[%get3A_980] {strides = array<i32>} : memref<4112xf32, #tpu.memory_space<vmem>>, vector<16xf32>,
      %get3A_982 = arith.constant 576 : index
      %get3A_983 = tpu.vector_load %arg7[%get3A_982] {strides = array<i32>} : memref<4112xf32, #tpu.memory_space<vmem>>, vector<16xf32>,
      %sub3A_984 = arith.subf %get3A_979, %broadcast_in_dim3A : vector<16xf32>
      %sub3A_985 = arith.subf %get3A_981, %broadcast_in_dim3A_73 : vector<16xf32>
      %sub3A_986 = arith.subf %get3A_983, %broadcast_in_dim3A_78 : vector<16xf32>
      %mul3A_987 = arith.mulf %sub3A_984, %sub3A_984 : vector<16xf32>
      %mul3A_988 = arith.mulf %sub3A_985, %sub3A_985 : vector<16xf32>
      %add3A_989 = arith.addf %mul3A_987, %mul3A_988 : vector<16xf32>
      %mul3A_990 = arith.mulf %sub3A_986, %sub3A_986 : vector<16xf32>
      %add3A_991 = arith.addf %add3A_989, %mul3A_990 : vector<16xf32>
      %lt3A_992 = arith.constant 4.000000e-02 : f32
      %lt3A_993 = vector.broadcast %lt3A_992 : f32 to vector<16xf32>
      %lt3A_994 = arith.cmpf olt, %add3A_991, %lt3A_993 : vector<16xf32>
      %get3A_995 = arith.constant 592 : index
      %get3A_996 = tpu.vector_load %arg5[%get3A_995] {strides = array<i32>} : memref<4112xf32, #tpu.memory_space<vmem>>, vector<16xf32>,
      %get3A_997 = arith.constant 592 : index
      %get3A_998 = tpu.vector_load %arg6[%get3A_997] {strides = array<i32>} : memref<4112xf32, #tpu.memory_space<vmem>>, vector<16xf32>,
      %get3A_999 = arith.constant 592 : index
      %get3A_1000 = tpu.vector_load %arg7[%get3A_999] {strides = array<i32>} : memref<4112xf32, #tpu.memory_space<vmem>>, vector<16xf32>,
      %sub3A_1001 = arith.subf %get3A_996, %broadcast_in_dim3A : vector<16xf32>
      %sub3A_1002 = arith.subf %get3A_998, %broadcast_in_dim3A_73 : vector<16xf32>
      %sub3A_1003 = arith.subf %get3A_1000, %broadcast_in_dim3A_78 : vector<16xf32>
      %mul3A_1004 = arith.mulf %sub3A_1001, %sub3A_1001 : vector<16xf32>
      %mul3A_1005 = arith.mulf %sub3A_1002, %sub3A_1002 : vector<16xf32>
      %add3A_1006 = arith.addf %mul3A_1004, %mul3A_1005 : vector<16xf32>
      %mul3A_1007 = arith.mulf %sub3A_1003, %sub3A_1003 : vector<16xf32>
      %add3A_1008 = arith.addf %add3A_1006, %mul3A_1007 : vector<16xf32>
      %lt3A_1009 = arith.constant 4.000000e-02 : f32
      %lt3A_1010 = vector.broadcast %lt3A_1009 : f32 to vector<16xf32>
      %lt3A_1011 = arith.cmpf olt, %add3A_1008, %lt3A_1010 : vector<16xf32>
      %get3A_1012 = arith.constant 608 : index
      %get3A_1013 = tpu.vector_load %arg5[%get3A_1012] {strides = array<i32>} : memref<4112xf32, #tpu.memory_space<vmem>>, vector<16xf32>,
      %get3A_1014 = arith.constant 608 : index
      %get3A_1015 = tpu.vector_load %arg6[%get3A_1014] {strides = array<i32>} : memref<4112xf32, #tpu.memory_space<vmem>>, vector<16xf32>,
      %get3A_1016 = arith.constant 608 : index
      %get3A_1017 = tpu.vector_load %arg7[%get3A_1016] {strides = array<i32>} : memref<4112xf32, #tpu.memory_space<vmem>>, vector<16xf32>,
      %sub3A_1018 = arith.subf %get3A_1013, %broadcast_in_dim3A : vector<16xf32>
      %sub3A_1019 = arith.subf %get3A_1015, %broadcast_in_dim3A_73 : vector<16xf32>
      %sub3A_1020 = arith.subf %get3A_1017, %broadcast_in_dim3A_78 : vector<16xf32>
      %mul3A_1021 = arith.mulf %sub3A_1018, %sub3A_1018 : vector<16xf32>
      %mul3A_1022 = arith.mulf %sub3A_1019, %sub3A_1019 : vector<16xf32>
      %add3A_1023 = arith.addf %mul3A_1021, %mul3A_1022 : vector<16xf32>
      %mul3A_1024 = arith.mulf %sub3A_1020, %sub3A_1020 : vector<16xf32>
      %add3A_1025 = arith.addf %add3A_1023, %mul3A_1024 : vector<16xf32>
      %lt3A_1026 = arith.constant 4.000000e-02 : f32
      %lt3A_1027 = vector.broadcast %lt3A_1026 : f32 to vector<16xf32>
      %lt3A_1028 = arith.cmpf olt, %add3A_1025, %lt3A_1027 : vector<16xf32>
      %get3A_1029 = arith.constant 624 : index
      %get3A_1030 = tpu.vector_load %arg5[%get3A_1029] {strides = array<i32>} : memref<4112xf32, #tpu.memory_space<vmem>>, vector<16xf32>,
      %get3A_1031 = arith.constant 624 : index
      %get3A_1032 = tpu.vector_load %arg6[%get3A_1031] {strides = array<i32>} : memref<4112xf32, #tpu.memory_space<vmem>>, vector<16xf32>,
      %get3A_1033 = arith.constant 624 : index
      %get3A_1034 = tpu.vector_load %arg7[%get3A_1033] {strides = array<i32>} : memref<4112xf32, #tpu.memory_space<vmem>>, vector<16xf32>,
      %sub3A_1035 = arith.subf %get3A_1030, %broadcast_in_dim3A : vector<16xf32>
      %sub3A_1036 = arith.subf %get3A_1032, %broadcast_in_dim3A_73 : vector<16xf32>
      %sub3A_1037 = arith.subf %get3A_1034, %broadcast_in_dim3A_78 : vector<16xf32>
      %mul3A_1038 = arith.mulf %sub3A_1035, %sub3A_1035 : vector<16xf32>
      %mul3A_1039 = arith.mulf %sub3A_1036, %sub3A_1036 : vector<16xf32>
      %add3A_1040 = arith.addf %mul3A_1038, %mul3A_1039 : vector<16xf32>
      %mul3A_1041 = arith.mulf %sub3A_1037, %sub3A_1037 : vector<16xf32>
      %add3A_1042 = arith.addf %add3A_1040, %mul3A_1041 : vector<16xf32>
      %lt3A_1043 = arith.constant 4.000000e-02 : f32
      %lt3A_1044 = vector.broadcast %lt3A_1043 : f32 to vector<16xf32>
      %lt3A_1045 = arith.cmpf olt, %add3A_1042, %lt3A_1044 : vector<16xf32>
      %get3A_1046 = arith.constant 640 : index
      %get3A_1047 = tpu.vector_load %arg5[%get3A_1046] {strides = array<i32>} : memref<4112xf32, #tpu.memory_space<vmem>>, vector<16xf32>,
      %get3A_1048 = arith.constant 640 : index
      %get3A_1049 = tpu.vector_load %arg6[%get3A_1048] {strides = array<i32>} : memref<4112xf32, #tpu.memory_space<vmem>>, vector<16xf32>,
      %get3A_1050 = arith.constant 640 : index
      %get3A_1051 = tpu.vector_load %arg7[%get3A_1050] {strides = array<i32>} : memref<4112xf32, #tpu.memory_space<vmem>>, vector<16xf32>,
      %sub3A_1052 = arith.subf %get3A_1047, %broadcast_in_dim3A : vector<16xf32>
      %sub3A_1053 = arith.subf %get3A_1049, %broadcast_in_dim3A_73 : vector<16xf32>
      %sub3A_1054 = arith.subf %get3A_1051, %broadcast_in_dim3A_78 : vector<16xf32>
      %mul3A_1055 = arith.mulf %sub3A_1052, %sub3A_1052 : vector<16xf32>
      %mul3A_1056 = arith.mulf %sub3A_1053, %sub3A_1053 : vector<16xf32>
      %add3A_1057 = arith.addf %mul3A_1055, %mul3A_1056 : vector<16xf32>
      %mul3A_1058 = arith.mulf %sub3A_1054, %sub3A_1054 : vector<16xf32>
      %add3A_1059 = arith.addf %add3A_1057, %mul3A_1058 : vector<16xf32>
      %lt3A_1060 = arith.constant 4.000000e-02 : f32
      %lt3A_1061 = vector.broadcast %lt3A_1060 : f32 to vector<16xf32>
      %lt3A_1062 = arith.cmpf olt, %add3A_1059, %lt3A_1061 : vector<16xf32>
      %get3A_1063 = arith.constant 656 : index
      %get3A_1064 = tpu.vector_load %arg5[%get3A_1063] {strides = array<i32>} : memref<4112xf32, #tpu.memory_space<vmem>>, vector<16xf32>,
      %get3A_1065 = arith.constant 656 : index
      %get3A_1066 = tpu.vector_load %arg6[%get3A_1065] {strides = array<i32>} : memref<4112xf32, #tpu.memory_space<vmem>>, vector<16xf32>,
      %get3A_1067 = arith.constant 656 : index
      %get3A_1068 = tpu.vector_load %arg7[%get3A_1067] {strides = array<i32>} : memref<4112xf32, #tpu.memory_space<vmem>>, vector<16xf32>,
      %sub3A_1069 = arith.subf %get3A_1064, %broadcast_in_dim3A : vector<16xf32>
      %sub3A_1070 = arith.subf %get3A_1066, %broadcast_in_dim3A_73 : vector<16xf32>
      %sub3A_1071 = arith.subf %get3A_1068, %broadcast_in_dim3A_78 : vector<16xf32>
      %mul3A_1072 = arith.mulf %sub3A_1069, %sub3A_1069 : vector<16xf32>
      %mul3A_1073 = arith.mulf %sub3A_1070, %sub3A_1070 : vector<16xf32>
      %add3A_1074 = arith.addf %mul3A_1072, %mul3A_1073 : vector<16xf32>
      %mul3A_1075 = arith.mulf %sub3A_1071, %sub3A_1071 : vector<16xf32>
      %add3A_1076 = arith.addf %add3A_1074, %mul3A_1075 : vector<16xf32>
      %lt3A_1077 = arith.constant 4.000000e-02 : f32
      %lt3A_1078 = vector.broadcast %lt3A_1077 : f32 to vector<16xf32>
      %lt3A_1079 = arith.cmpf olt, %add3A_1076, %lt3A_1078 : vector<16xf32>
      %get3A_1080 = arith.constant 672 : index
      %get3A_1081 = tpu.vector_load %arg5[%get3A_1080] {strides = array<i32>} : memref<4112xf32, #tpu.memory_space<vmem>>, vector<16xf32>,
      %get3A_1082 = arith.constant 672 : index
      %get3A_1083 = tpu.vector_load %arg6[%get3A_1082] {strides = array<i32>} : memref<4112xf32, #tpu.memory_space<vmem>>, vector<16xf32>,
      %get3A_1084 = arith.constant 672 : index
      %get3A_1085 = tpu.vector_load %arg7[%get3A_1084] {strides = array<i32>} : memref<4112xf32, #tpu.memory_space<vmem>>, vector<16xf32>,
      %sub3A_1086 = arith.subf %get3A_1081, %broadcast_in_dim3A : vector<16xf32>
      %sub3A_1087 = arith.subf %get3A_1083, %broadcast_in_dim3A_73 : vector<16xf32>
      %sub3A_1088 = arith.subf %get3A_1085, %broadcast_in_dim3A_78 : vector<16xf32>
      %mul3A_1089 = arith.mulf %sub3A_1086, %sub3A_1086 : vector<16xf32>
      %mul3A_1090 = arith.mulf %sub3A_1087, %sub3A_1087 : vector<16xf32>
      %add3A_1091 = arith.addf %mul3A_1089, %mul3A_1090 : vector<16xf32>
      %mul3A_1092 = arith.mulf %sub3A_1088, %sub3A_1088 : vector<16xf32>
      %add3A_1093 = arith.addf %add3A_1091, %mul3A_1092 : vector<16xf32>
      %lt3A_1094 = arith.constant 4.000000e-02 : f32
      %lt3A_1095 = vector.broadcast %lt3A_1094 : f32 to vector<16xf32>
      %lt3A_1096 = arith.cmpf olt, %add3A_1093, %lt3A_1095 : vector<16xf32>
      %get3A_1097 = arith.constant 688 : index
      %get3A_1098 = tpu.vector_load %arg5[%get3A_1097] {strides = array<i32>} : memref<4112xf32, #tpu.memory_space<vmem>>, vector<16xf32>,
      %get3A_1099 = arith.constant 688 : index
      %get3A_1100 = tpu.vector_load %arg6[%get3A_1099] {strides = array<i32>} : memref<4112xf32, #tpu.memory_space<vmem>>, vector<16xf32>,
      %get3A_1101 = arith.constant 688 : index
      %get3A_1102 = tpu.vector_load %arg7[%get3A_1101] {strides = array<i32>} : memref<4112xf32, #tpu.memory_space<vmem>>, vector<16xf32>,
      %sub3A_1103 = arith.subf %get3A_1098, %broadcast_in_dim3A : vector<16xf32>
      %sub3A_1104 = arith.subf %get3A_1100, %broadcast_in_dim3A_73 : vector<16xf32>
      %sub3A_1105 = arith.subf %get3A_1102, %broadcast_in_dim3A_78 : vector<16xf32>
      %mul3A_1106 = arith.mulf %sub3A_1103, %sub3A_1103 : vector<16xf32>
      %mul3A_1107 = arith.mulf %sub3A_1104, %sub3A_1104 : vector<16xf32>
      %add3A_1108 = arith.addf %mul3A_1106, %mul3A_1107 : vector<16xf32>
      %mul3A_1109 = arith.mulf %sub3A_1105, %sub3A_1105 : vector<16xf32>
      %add3A_1110 = arith.addf %add3A_1108, %mul3A_1109 : vector<16xf32>
      %lt3A_1111 = arith.constant 4.000000e-02 : f32
      %lt3A_1112 = vector.broadcast %lt3A_1111 : f32 to vector<16xf32>
      %lt3A_1113 = arith.cmpf olt, %add3A_1110, %lt3A_1112 : vector<16xf32>
      %get3A_1114 = arith.constant 704 : index
      %get3A_1115 = tpu.vector_load %arg5[%get3A_1114] {strides = array<i32>} : memref<4112xf32, #tpu.memory_space<vmem>>, vector<16xf32>,
      %get3A_1116 = arith.constant 704 : index
      %get3A_1117 = tpu.vector_load %arg6[%get3A_1116] {strides = array<i32>} : memref<4112xf32, #tpu.memory_space<vmem>>, vector<16xf32>,
      %get3A_1118 = arith.constant 704 : index
      %get3A_1119 = tpu.vector_load %arg7[%get3A_1118] {strides = array<i32>} : memref<4112xf32, #tpu.memory_space<vmem>>, vector<16xf32>,
      %sub3A_1120 = arith.subf %get3A_1115, %broadcast_in_dim3A : vector<16xf32>
      %sub3A_1121 = arith.subf %get3A_1117, %broadcast_in_dim3A_73 : vector<16xf32>
      %sub3A_1122 = arith.subf %get3A_1119, %broadcast_in_dim3A_78 : vector<16xf32>
      %mul3A_1123 = arith.mulf %sub3A_1120, %sub3A_1120 : vector<16xf32>
      %mul3A_1124 = arith.mulf %sub3A_1121, %sub3A_1121 : vector<16xf32>
      %add3A_1125 = arith.addf %mul3A_1123, %mul3A_1124 : vector<16xf32>
      %mul3A_1126 = arith.mulf %sub3A_1122, %sub3A_1122 : vector<16xf32>
      %add3A_1127 = arith.addf %add3A_1125, %mul3A_1126 : vector<16xf32>
      %lt3A_1128 = arith.constant 4.000000e-02 : f32
      %lt3A_1129 = vector.broadcast %lt3A_1128 : f32 to vector<16xf32>
      %lt3A_1130 = arith.cmpf olt, %add3A_1127, %lt3A_1129 : vector<16xf32>
      %get3A_1131 = arith.constant 720 : index
      %get3A_1132 = tpu.vector_load %arg5[%get3A_1131] {strides = array<i32>} : memref<4112xf32, #tpu.memory_space<vmem>>, vector<16xf32>,
      %get3A_1133 = arith.constant 720 : index
      %get3A_1134 = tpu.vector_load %arg6[%get3A_1133] {strides = array<i32>} : memref<4112xf32, #tpu.memory_space<vmem>>, vector<16xf32>,
      %get3A_1135 = arith.constant 720 : index
      %get3A_1136 = tpu.vector_load %arg7[%get3A_1135] {strides = array<i32>} : memref<4112xf32, #tpu.memory_space<vmem>>, vector<16xf32>,
      %sub3A_1137 = arith.subf %get3A_1132, %broadcast_in_dim3A : vector<16xf32>
      %sub3A_1138 = arith.subf %get3A_1134, %broadcast_in_dim3A_73 : vector<16xf32>
      %sub3A_1139 = arith.subf %get3A_1136, %broadcast_in_dim3A_78 : vector<16xf32>
      %mul3A_1140 = arith.mulf %sub3A_1137, %sub3A_1137 : vector<16xf32>
      %mul3A_1141 = arith.mulf %sub3A_1138, %sub3A_1138 : vector<16xf32>
      %add3A_1142 = arith.addf %mul3A_1140, %mul3A_1141 : vector<16xf32>
      %mul3A_1143 = arith.mulf %sub3A_1139, %sub3A_1139 : vector<16xf32>
      %add3A_1144 = arith.addf %add3A_1142, %mul3A_1143 : vector<16xf32>
      %lt3A_1145 = arith.constant 4.000000e-02 : f32
      %lt3A_1146 = vector.broadcast %lt3A_1145 : f32 to vector<16xf32>
      %lt3A_1147 = arith.cmpf olt, %add3A_1144, %lt3A_1146 : vector<16xf32>
      %get3A_1148 = arith.constant 736 : index
      %get3A_1149 = tpu.vector_load %arg5[%get3A_1148] {strides = array<i32>} : memref<4112xf32, #tpu.memory_space<vmem>>, vector<16xf32>,
      %get3A_1150 = arith.constant 736 : index
      %get3A_1151 = tpu.vector_load %arg6[%get3A_1150] {strides = array<i32>} : memref<4112xf32, #tpu.memory_space<vmem>>, vector<16xf32>,
      %get3A_1152 = arith.constant 736 : index
      %get3A_1153 = tpu.vector_load %arg7[%get3A_1152] {strides = array<i32>} : memref<4112xf32, #tpu.memory_space<vmem>>, vector<16xf32>,
      %sub3A_1154 = arith.subf %get3A_1149, %broadcast_in_dim3A : vector<16xf32>
      %sub3A_1155 = arith.subf %get3A_1151, %broadcast_in_dim3A_73 : vector<16xf32>
      %sub3A_1156 = arith.subf %get3A_1153, %broadcast_in_dim3A_78 : vector<16xf32>
      %mul3A_1157 = arith.mulf %sub3A_1154, %sub3A_1154 : vector<16xf32>
      %mul3A_1158 = arith.mulf %sub3A_1155, %sub3A_1155 : vector<16xf32>
      %add3A_1159 = arith.addf %mul3A_1157, %mul3A_1158 : vector<16xf32>
      %mul3A_1160 = arith.mulf %sub3A_1156, %sub3A_1156 : vector<16xf32>
      %add3A_1161 = arith.addf %add3A_1159, %mul3A_1160 : vector<16xf32>
      %lt3A_1162 = arith.constant 4.000000e-02 : f32
      %lt3A_1163 = vector.broadcast %lt3A_1162 : f32 to vector<16xf32>
      %lt3A_1164 = arith.cmpf olt, %add3A_1161, %lt3A_1163 : vector<16xf32>
      %get3A_1165 = arith.constant 752 : index
      %get3A_1166 = tpu.vector_load %arg5[%get3A_1165] {strides = array<i32>} : memref<4112xf32, #tpu.memory_space<vmem>>, vector<16xf32>,
      %get3A_1167 = arith.constant 752 : index
      %get3A_1168 = tpu.vector_load %arg6[%get3A_1167] {strides = array<i32>} : memref<4112xf32, #tpu.memory_space<vmem>>, vector<16xf32>,
      %get3A_1169 = arith.constant 752 : index
      %get3A_1170 = tpu.vector_load %arg7[%get3A_1169] {strides = array<i32>} : memref<4112xf32, #tpu.memory_space<vmem>>, vector<16xf32>,
      %sub3A_1171 = arith.subf %get3A_1166, %broadcast_in_dim3A : vector<16xf32>
      %sub3A_1172 = arith.subf %get3A_1168, %broadcast_in_dim3A_73 : vector<16xf32>
      %sub3A_1173 = arith.subf %get3A_1170, %broadcast_in_dim3A_78 : vector<16xf32>
      %mul3A_1174 = arith.mulf %sub3A_1171, %sub3A_1171 : vector<16xf32>
      %mul3A_1175 = arith.mulf %sub3A_1172, %sub3A_1172 : vector<16xf32>
      %add3A_1176 = arith.addf %mul3A_1174, %mul3A_1175 : vector<16xf32>
      %mul3A_1177 = arith.mulf %sub3A_1173, %sub3A_1173 : vector<16xf32>
      %add3A_1178 = arith.addf %add3A_1176, %mul3A_1177 : vector<16xf32>
      %lt3A_1179 = arith.constant 4.000000e-02 : f32
      %lt3A_1180 = vector.broadcast %lt3A_1179 : f32 to vector<16xf32>
      %lt3A_1181 = arith.cmpf olt, %add3A_1178, %lt3A_1180 : vector<16xf32>
      %add3A_1182 = arith.constant 512 : i32
      %add3A_1183 = vector.broadcast %add3A_1182 : i32 to vector<16xi32>
      %add3A_1184 = arith.addi %add3A_1183, %iota3A : vector<16xi32>
      %swap3A_1185 = arith.index_cast %add3A_909 : i32 to index
      %swap3A_1186 = tpu.vector_load %arg8[%swap3A_1185] masked %lt3A_926 {strides = array<i32>} : memref<784xi32, #tpu.memory_space<vmem>>, vector<16xi32>, vector<16xi1>
      tpu.vector_store %arg8[%swap3A_1185], %add3A_1184 masked %lt3A_926 {strides = array<i32>} : memref<784xi32, #tpu.memory_space<vmem>>, vector<16xi32>, vector<16xi1>
      %all_reduce_population_count3A_1187 = tpu.all_reduce %lt3A_926 {dim = 0 : i64, kind = #tpu.reduction_kind<sum>} : vector<16xi1> -> vector<16xi32>
      %slice3A_1188 = vector.extract_strided_slice %all_reduce_population_count3A_1187 {offsets = [0], sizes = [1], strides = [1]} : vector<16xi32> to vector<1xi32>
      %squeeze3A_1189 = vector.extract %slice3A_1188[0] : i32 from vector<1xi32>
      %add3A_1190 = arith.addi %add3A_909, %squeeze3A_1189 : i32
      %add3A_1191 = arith.constant 528 : i32
      %add3A_1192 = vector.broadcast %add3A_1191 : i32 to vector<16xi32>
      %add3A_1193 = arith.addi %add3A_1192, %iota3A : vector<16xi32>
      %swap3A_1194 = arith.index_cast %add3A_1190 : i32 to index
      %swap3A_1195 = tpu.vector_load %arg8[%swap3A_1194] masked %lt3A_943 {strides = array<i32>} : memref<784xi32, #tpu.memory_space<vmem>>, vector<16xi32>, vector<16xi1>
      tpu.vector_store %arg8[%swap3A_1194], %add3A_1193 masked %lt3A_943 {strides = array<i32>} : memref<784xi32, #tpu.memory_space<vmem>>, vector<16xi32>, vector<16xi1>
      %all_reduce_population_count3A_1196 = tpu.all_reduce %lt3A_943 {dim = 0 : i64, kind = #tpu.reduction_kind<sum>} : vector<16xi1> -> vector<16xi32>
      %slice3A_1197 = vector.extract_strided_slice %all_reduce_population_count3A_1196 {offsets = [0], sizes = [1], strides = [1]} : vector<16xi32> to vector<1xi32>
      %squeeze3A_1198 = vector.extract %slice3A_1197[0] : i32 from vector<1xi32>
      %add3A_1199 = arith.addi %add3A_1190, %squeeze3A_1198 : i32
      %add3A_1200 = arith.constant 544 : i32
      %add3A_1201 = vector.broadcast %add3A_1200 : i32 to vector<16xi32>
      %add3A_1202 = arith.addi %add3A_1201, %iota3A : vector<16xi32>
      %swap3A_1203 = arith.index_cast %add3A_1199 : i32 to index
      %swap3A_1204 = tpu.vector_load %arg8[%swap3A_1203] masked %lt3A_960 {strides = array<i32>} : memref<784xi32, #tpu.memory_space<vmem>>, vector<16xi32>, vector<16xi1>
      tpu.vector_store %arg8[%swap3A_1203], %add3A_1202 masked %lt3A_960 {strides = array<i32>} : memref<784xi32, #tpu.memory_space<vmem>>, vector<16xi32>, vector<16xi1>
      %all_reduce_population_count3A_1205 = tpu.all_reduce %lt3A_960 {dim = 0 : i64, kind = #tpu.reduction_kind<sum>} : vector<16xi1> -> vector<16xi32>
      %slice3A_1206 = vector.extract_strided_slice %all_reduce_population_count3A_1205 {offsets = [0], sizes = [1], strides = [1]} : vector<16xi32> to vector<1xi32>
      %squeeze3A_1207 = vector.extract %slice3A_1206[0] : i32 from vector<1xi32>
      %add3A_1208 = arith.addi %add3A_1199, %squeeze3A_1207 : i32
      %add3A_1209 = arith.constant 560 : i32
      %add3A_1210 = vector.broadcast %add3A_1209 : i32 to vector<16xi32>
      %add3A_1211 = arith.addi %add3A_1210, %iota3A : vector<16xi32>
      %swap3A_1212 = arith.index_cast %add3A_1208 : i32 to index
      %swap3A_1213 = tpu.vector_load %arg8[%swap3A_1212] masked %lt3A_977 {strides = array<i32>} : memref<784xi32, #tpu.memory_space<vmem>>, vector<16xi32>, vector<16xi1>
      tpu.vector_store %arg8[%swap3A_1212], %add3A_1211 masked %lt3A_977 {strides = array<i32>} : memref<784xi32, #tpu.memory_space<vmem>>, vector<16xi32>, vector<16xi1>
      %all_reduce_population_count3A_1214 = tpu.all_reduce %lt3A_977 {dim = 0 : i64, kind = #tpu.reduction_kind<sum>} : vector<16xi1> -> vector<16xi32>
      %slice3A_1215 = vector.extract_strided_slice %all_reduce_population_count3A_1214 {offsets = [0], sizes = [1], strides = [1]} : vector<16xi32> to vector<1xi32>
      %squeeze3A_1216 = vector.extract %slice3A_1215[0] : i32 from vector<1xi32>
      %add3A_1217 = arith.addi %add3A_1208, %squeeze3A_1216 : i32
      %add3A_1218 = arith.constant 576 : i32
      %add3A_1219 = vector.broadcast %add3A_1218 : i32 to vector<16xi32>
      %add3A_1220 = arith.addi %add3A_1219, %iota3A : vector<16xi32>
      %swap3A_1221 = arith.index_cast %add3A_1217 : i32 to index
      %swap3A_1222 = tpu.vector_load %arg8[%swap3A_1221] masked %lt3A_994 {strides = array<i32>} : memref<784xi32, #tpu.memory_space<vmem>>, vector<16xi32>, vector<16xi1>
      tpu.vector_store %arg8[%swap3A_1221], %add3A_1220 masked %lt3A_994 {strides = array<i32>} : memref<784xi32, #tpu.memory_space<vmem>>, vector<16xi32>, vector<16xi1>
      %all_reduce_population_count3A_1223 = tpu.all_reduce %lt3A_994 {dim = 0 : i64, kind = #tpu.reduction_kind<sum>} : vector<16xi1> -> vector<16xi32>
      %slice3A_1224 = vector.extract_strided_slice %all_reduce_population_count3A_1223 {offsets = [0], sizes = [1], strides = [1]} : vector<16xi32> to vector<1xi32>
      %squeeze3A_1225 = vector.extract %slice3A_1224[0] : i32 from vector<1xi32>
      %add3A_1226 = arith.addi %add3A_1217, %squeeze3A_1225 : i32
      %add3A_1227 = arith.constant 592 : i32
      %add3A_1228 = vector.broadcast %add3A_1227 : i32 to vector<16xi32>
      %add3A_1229 = arith.addi %add3A_1228, %iota3A : vector<16xi32>
      %swap3A_1230 = arith.index_cast %add3A_1226 : i32 to index
      %swap3A_1231 = tpu.vector_load %arg8[%swap3A_1230] masked %lt3A_1011 {strides = array<i32>} : memref<784xi32, #tpu.memory_space<vmem>>, vector<16xi32>, vector<16xi1>
      tpu.vector_store %arg8[%swap3A_1230], %add3A_1229 masked %lt3A_1011 {strides = array<i32>} : memref<784xi32, #tpu.memory_space<vmem>>, vector<16xi32>, vector<16xi1>
      %all_reduce_population_count3A_1232 = tpu.all_reduce %lt3A_1011 {dim = 0 : i64, kind = #tpu.reduction_kind<sum>} : vector<16xi1> -> vector<16xi32>
      %slice3A_1233 = vector.extract_strided_slice %all_reduce_population_count3A_1232 {offsets = [0], sizes = [1], strides = [1]} : vector<16xi32> to vector<1xi32>
      %squeeze3A_1234 = vector.extract %slice3A_1233[0] : i32 from vector<1xi32>
      %add3A_1235 = arith.addi %add3A_1226, %squeeze3A_1234 : i32
      %add3A_1236 = arith.constant 608 : i32
      %add3A_1237 = vector.broadcast %add3A_1236 : i32 to vector<16xi32>
      %add3A_1238 = arith.addi %add3A_1237, %iota3A : vector<16xi32>
      %swap3A_1239 = arith.index_cast %add3A_1235 : i32 to index
      %swap3A_1240 = tpu.vector_load %arg8[%swap3A_1239] masked %lt3A_1028 {strides = array<i32>} : memref<784xi32, #tpu.memory_space<vmem>>, vector<16xi32>, vector<16xi1>
      tpu.vector_store %arg8[%swap3A_1239], %add3A_1238 masked %lt3A_1028 {strides = array<i32>} : memref<784xi32, #tpu.memory_space<vmem>>, vector<16xi32>, vector<16xi1>
      %all_reduce_population_count3A_1241 = tpu.all_reduce %lt3A_1028 {dim = 0 : i64, kind = #tpu.reduction_kind<sum>} : vector<16xi1> -> vector<16xi32>
      %slice3A_1242 = vector.extract_strided_slice %all_reduce_population_count3A_1241 {offsets = [0], sizes = [1], strides = [1]} : vector<16xi32> to vector<1xi32>
      %squeeze3A_1243 = vector.extract %slice3A_1242[0] : i32 from vector<1xi32>
      %add3A_1244 = arith.addi %add3A_1235, %squeeze3A_1243 : i32
      %add3A_1245 = arith.constant 624 : i32
      %add3A_1246 = vector.broadcast %add3A_1245 : i32 to vector<16xi32>
      %add3A_1247 = arith.addi %add3A_1246, %iota3A : vector<16xi32>
      %swap3A_1248 = arith.index_cast %add3A_1244 : i32 to index
      %swap3A_1249 = tpu.vector_load %arg8[%swap3A_1248] masked %lt3A_1045 {strides = array<i32>} : memref<784xi32, #tpu.memory_space<vmem>>, vector<16xi32>, vector<16xi1>
      tpu.vector_store %arg8[%swap3A_1248], %add3A_1247 masked %lt3A_1045 {strides = array<i32>} : memref<784xi32, #tpu.memory_space<vmem>>, vector<16xi32>, vector<16xi1>
      %all_reduce_population_count3A_1250 = tpu.all_reduce %lt3A_1045 {dim = 0 : i64, kind = #tpu.reduction_kind<sum>} : vector<16xi1> -> vector<16xi32>
      %slice3A_1251 = vector.extract_strided_slice %all_reduce_population_count3A_1250 {offsets = [0], sizes = [1], strides = [1]} : vector<16xi32> to vector<1xi32>
      %squeeze3A_1252 = vector.extract %slice3A_1251[0] : i32 from vector<1xi32>
      %add3A_1253 = arith.addi %add3A_1244, %squeeze3A_1252 : i32
      %add3A_1254 = arith.constant 640 : i32
      %add3A_1255 = vector.broadcast %add3A_1254 : i32 to vector<16xi32>
      %add3A_1256 = arith.addi %add3A_1255, %iota3A : vector<16xi32>
      %swap3A_1257 = arith.index_cast %add3A_1253 : i32 to index
      %swap3A_1258 = tpu.vector_load %arg8[%swap3A_1257] masked %lt3A_1062 {strides = array<i32>} : memref<784xi32, #tpu.memory_space<vmem>>, vector<16xi32>, vector<16xi1>
      tpu.vector_store %arg8[%swap3A_1257], %add3A_1256 masked %lt3A_1062 {strides = array<i32>} : memref<784xi32, #tpu.memory_space<vmem>>, vector<16xi32>, vector<16xi1>
      %all_reduce_population_count3A_1259 = tpu.all_reduce %lt3A_1062 {dim = 0 : i64, kind = #tpu.reduction_kind<sum>} : vector<16xi1> -> vector<16xi32>
      %slice3A_1260 = vector.extract_strided_slice %all_reduce_population_count3A_1259 {offsets = [0], sizes = [1], strides = [1]} : vector<16xi32> to vector<1xi32>
      %squeeze3A_1261 = vector.extract %slice3A_1260[0] : i32 from vector<1xi32>
      %add3A_1262 = arith.addi %add3A_1253, %squeeze3A_1261 : i32
      %add3A_1263 = arith.constant 656 : i32
      %add3A_1264 = vector.broadcast %add3A_1263 : i32 to vector<16xi32>
      %add3A_1265 = arith.addi %add3A_1264, %iota3A : vector<16xi32>
      %swap3A_1266 = arith.index_cast %add3A_1262 : i32 to index
      %swap3A_1267 = tpu.vector_load %arg8[%swap3A_1266] masked %lt3A_1079 {strides = array<i32>} : memref<784xi32, #tpu.memory_space<vmem>>, vector<16xi32>, vector<16xi1>
      tpu.vector_store %arg8[%swap3A_1266], %add3A_1265 masked %lt3A_1079 {strides = array<i32>} : memref<784xi32, #tpu.memory_space<vmem>>, vector<16xi32>, vector<16xi1>
      %all_reduce_population_count3A_1268 = tpu.all_reduce %lt3A_1079 {dim = 0 : i64, kind = #tpu.reduction_kind<sum>} : vector<16xi1> -> vector<16xi32>
      %slice3A_1269 = vector.extract_strided_slice %all_reduce_population_count3A_1268 {offsets = [0], sizes = [1], strides = [1]} : vector<16xi32> to vector<1xi32>
      %squeeze3A_1270 = vector.extract %slice3A_1269[0] : i32 from vector<1xi32>
      %add3A_1271 = arith.addi %add3A_1262, %squeeze3A_1270 : i32
      %add3A_1272 = arith.constant 672 : i32
      %add3A_1273 = vector.broadcast %add3A_1272 : i32 to vector<16xi32>
      %add3A_1274 = arith.addi %add3A_1273, %iota3A : vector<16xi32>
      %swap3A_1275 = arith.index_cast %add3A_1271 : i32 to index
      %swap3A_1276 = tpu.vector_load %arg8[%swap3A_1275] masked %lt3A_1096 {strides = array<i32>} : memref<784xi32, #tpu.memory_space<vmem>>, vector<16xi32>, vector<16xi1>
      tpu.vector_store %arg8[%swap3A_1275], %add3A_1274 masked %lt3A_1096 {strides = array<i32>} : memref<784xi32, #tpu.memory_space<vmem>>, vector<16xi32>, vector<16xi1>
      %all_reduce_population_count3A_1277 = tpu.all_reduce %lt3A_1096 {dim = 0 : i64, kind = #tpu.reduction_kind<sum>} : vector<16xi1> -> vector<16xi32>
      %slice3A_1278 = vector.extract_strided_slice %all_reduce_population_count3A_1277 {offsets = [0], sizes = [1], strides = [1]} : vector<16xi32> to vector<1xi32>
      %squeeze3A_1279 = vector.extract %slice3A_1278[0] : i32 from vector<1xi32>
      %add3A_1280 = arith.addi %add3A_1271, %squeeze3A_1279 : i32
      %add3A_1281 = arith.constant 688 : i32
      %add3A_1282 = vector.broadcast %add3A_1281 : i32 to vector<16xi32>
      %add3A_1283 = arith.addi %add3A_1282, %iota3A : vector<16xi32>
      %swap3A_1284 = arith.index_cast %add3A_1280 : i32 to index
      %swap3A_1285 = tpu.vector_load %arg8[%swap3A_1284] masked %lt3A_1113 {strides = array<i32>} : memref<784xi32, #tpu.memory_space<vmem>>, vector<16xi32>, vector<16xi1>
      tpu.vector_store %arg8[%swap3A_1284], %add3A_1283 masked %lt3A_1113 {strides = array<i32>} : memref<784xi32, #tpu.memory_space<vmem>>, vector<16xi32>, vector<16xi1>
      %all_reduce_population_count3A_1286 = tpu.all_reduce %lt3A_1113 {dim = 0 : i64, kind = #tpu.reduction_kind<sum>} : vector<16xi1> -> vector<16xi32>
      %slice3A_1287 = vector.extract_strided_slice %all_reduce_population_count3A_1286 {offsets = [0], sizes = [1], strides = [1]} : vector<16xi32> to vector<1xi32>
      %squeeze3A_1288 = vector.extract %slice3A_1287[0] : i32 from vector<1xi32>
      %add3A_1289 = arith.addi %add3A_1280, %squeeze3A_1288 : i32
      %add3A_1290 = arith.constant 704 : i32
      %add3A_1291 = vector.broadcast %add3A_1290 : i32 to vector<16xi32>
      %add3A_1292 = arith.addi %add3A_1291, %iota3A : vector<16xi32>
      %swap3A_1293 = arith.index_cast %add3A_1289 : i32 to index
      %swap3A_1294 = tpu.vector_load %arg8[%swap3A_1293] masked %lt3A_1130 {strides = array<i32>} : memref<784xi32, #tpu.memory_space<vmem>>, vector<16xi32>, vector<16xi1>
      tpu.vector_store %arg8[%swap3A_1293], %add3A_1292 masked %lt3A_1130 {strides = array<i32>} : memref<784xi32, #tpu.memory_space<vmem>>, vector<16xi32>, vector<16xi1>
      %all_reduce_population_count3A_1295 = tpu.all_reduce %lt3A_1130 {dim = 0 : i64, kind = #tpu.reduction_kind<sum>} : vector<16xi1> -> vector<16xi32>
      %slice3A_1296 = vector.extract_strided_slice %all_reduce_population_count3A_1295 {offsets = [0], sizes = [1], strides = [1]} : vector<16xi32> to vector<1xi32>
      %squeeze3A_1297 = vector.extract %slice3A_1296[0] : i32 from vector<1xi32>
      %add3A_1298 = arith.addi %add3A_1289, %squeeze3A_1297 : i32
      %add3A_1299 = arith.constant 720 : i32
      %add3A_1300 = vector.broadcast %add3A_1299 : i32 to vector<16xi32>
      %add3A_1301 = arith.addi %add3A_1300, %iota3A : vector<16xi32>
      %swap3A_1302 = arith.index_cast %add3A_1298 : i32 to index
      %swap3A_1303 = tpu.vector_load %arg8[%swap3A_1302] masked %lt3A_1147 {strides = array<i32>} : memref<784xi32, #tpu.memory_space<vmem>>, vector<16xi32>, vector<16xi1>
      tpu.vector_store %arg8[%swap3A_1302], %add3A_1301 masked %lt3A_1147 {strides = array<i32>} : memref<784xi32, #tpu.memory_space<vmem>>, vector<16xi32>, vector<16xi1>
      %all_reduce_population_count3A_1304 = tpu.all_reduce %lt3A_1147 {dim = 0 : i64, kind = #tpu.reduction_kind<sum>} : vector<16xi1> -> vector<16xi32>
      %slice3A_1305 = vector.extract_strided_slice %all_reduce_population_count3A_1304 {offsets = [0], sizes = [1], strides = [1]} : vector<16xi32> to vector<1xi32>
      %squeeze3A_1306 = vector.extract %slice3A_1305[0] : i32 from vector<1xi32>
      %add3A_1307 = arith.addi %add3A_1298, %squeeze3A_1306 : i32
      %add3A_1308 = arith.constant 736 : i32
      %add3A_1309 = vector.broadcast %add3A_1308 : i32 to vector<16xi32>
      %add3A_1310 = arith.addi %add3A_1309, %iota3A : vector<16xi32>
      %swap3A_1311 = arith.index_cast %add3A_1307 : i32 to index
      %swap3A_1312 = tpu.vector_load %arg8[%swap3A_1311] masked %lt3A_1164 {strides = array<i32>} : memref<784xi32, #tpu.memory_space<vmem>>, vector<16xi32>, vector<16xi1>
      tpu.vector_store %arg8[%swap3A_1311], %add3A_1310 masked %lt3A_1164 {strides = array<i32>} : memref<784xi32, #tpu.memory_space<vmem>>, vector<16xi32>, vector<16xi1>
      %all_reduce_population_count3A_1313 = tpu.all_reduce %lt3A_1164 {dim = 0 : i64, kind = #tpu.reduction_kind<sum>} : vector<16xi1> -> vector<16xi32>
      %slice3A_1314 = vector.extract_strided_slice %all_reduce_population_count3A_1313 {offsets = [0], sizes = [1], strides = [1]} : vector<16xi32> to vector<1xi32>
      %squeeze3A_1315 = vector.extract %slice3A_1314[0] : i32 from vector<1xi32>
      %add3A_1316 = arith.addi %add3A_1307, %squeeze3A_1315 : i32
      %add3A_1317 = arith.constant 752 : i32
      %add3A_1318 = vector.broadcast %add3A_1317 : i32 to vector<16xi32>
      %add3A_1319 = arith.addi %add3A_1318, %iota3A : vector<16xi32>
      %swap3A_1320 = arith.index_cast %add3A_1316 : i32 to index
      %swap3A_1321 = tpu.vector_load %arg8[%swap3A_1320] masked %lt3A_1181 {strides = array<i32>} : memref<784xi32, #tpu.memory_space<vmem>>, vector<16xi32>, vector<16xi1>
      tpu.vector_store %arg8[%swap3A_1320], %add3A_1319 masked %lt3A_1181 {strides = array<i32>} : memref<784xi32, #tpu.memory_space<vmem>>, vector<16xi32>, vector<16xi1>
      %all_reduce_population_count3A_1322 = tpu.all_reduce %lt3A_1181 {dim = 0 : i64, kind = #tpu.reduction_kind<sum>} : vector<16xi1> -> vector<16xi32>
      %slice3A_1323 = vector.extract_strided_slice %all_reduce_population_count3A_1322 {offsets = [0], sizes = [1], strides = [1]} : vector<16xi32> to vector<1xi32>
      %squeeze3A_1324 = vector.extract %slice3A_1323[0] : i32 from vector<1xi32>
      %add3A_1325 = arith.addi %add3A_1316, %squeeze3A_1324 : i32
      %swap3A_1326 = arith.constant 0 : i32
      %swap3A_1327 = arith.index_cast %swap3A_1326 : i32 to index
      %swap3A_1328 = memref.load %arg11[%swap3A_1327] : memref<1xi32, #tpu.memory_space<smem>>
      memref.store %add3A_1325, %arg11[%swap3A_1327] : memref<1xi32, #tpu.memory_space<smem>>
      %scan3A_1329 = arith.constant 0 : i32
      %scan3A_1330 = arith.constant 3 : i32
      %scan3A_1331 = arith.constant 3 : i32
      %scan3A_1332 = arith.addi %scan3A_1330, %scan3A_1331 : i32
      %scan3A_1333 = arith.constant 1 : i32
      %scan3A_1334 = scf.for %scan3A_1390 = %scan3A_1330 to %scan3A_1332 step %scan3A_1333 iter_args(%scan3A_1391 = %scan3A_1329) -> (i32)  : i32 {
        %get3A_1392 = arith.constant 0 : i32
        %get3A_1393 = arith.index_cast %get3A_1392 : i32 to index
        %get3A_1394 = memref.load %arg11[%get3A_1393] : memref<1xi32, #tpu.memory_space<smem>>
        %lt3A_1395 = arith.constant 32 : i32
        %lt3A_1396 = arith.cmpi slt, %get3A_1394, %lt3A_1395 : i32
        %convert_element_type3A_1397 = arith.extui %lt3A_1396 : i1 to i32
        %cond3A_1398 = arith.constant 0 : i32
        %cond3A_1399 = arith.cmpi ne, %convert_element_type3A_1397, %cond3A_1398 : i32
        scf.if %cond3A_1399 {
          %mul3A_1401 = arith.constant 256 : i32
          %mul3A_1402 = arith.muli %scan3A_1390, %mul3A_1401 : i32
          %get3A_1403 = arith.constant 0 : i32
          %get3A_1404 = arith.index_cast %get3A_1403 : i32 to index
          %get3A_1405 = memref.load %arg11[%get3A_1404] : memref<1xi32, #tpu.memory_space<smem>>
          %add3A_1406 = arith.constant 0 : i32
          %add3A_1407 = arith.addi %mul3A_1402, %add3A_1406 : i32
          %get3A_1408 = arith.index_cast %add3A_1407 : i32 to index
          %get3A_1409 = tpu.vector_load %arg5[%get3A_1408] {strides = array<i32>} : memref<4112xf32, #tpu.memory_space<vmem>>, vector<16xf32>,
          %get3A_1410 = arith.index_cast %add3A_1407 : i32 to index
          %get3A_1411 = tpu.vector_load %arg6[%get3A_1410] {strides = array<i32>} : memref<4112xf32, #tpu.memory_space<vmem>>, vector<16xf32>,
          %get3A_1412 = arith.index_cast %add3A_1407 : i32 to index
          %get3A_1413 = tpu.vector_load %arg7[%get3A_1412] {strides = array<i32>} : memref<4112xf32, #tpu.memory_space<vmem>>, vector<16xf32>,
          %sub3A_1414 = arith.subf %get3A_1409, %broadcast_in_dim3A : vector<16xf32>
          %sub3A_1415 = arith.subf %get3A_1411, %broadcast_in_dim3A_73 : vector<16xf32>
          %sub3A_1416 = arith.subf %get3A_1413, %broadcast_in_dim3A_78 : vector<16xf32>
          %mul3A_1417 = arith.mulf %sub3A_1414, %sub3A_1414 : vector<16xf32>
          %mul3A_1418 = arith.mulf %sub3A_1415, %sub3A_1415 : vector<16xf32>
          %add3A_1419 = arith.addf %mul3A_1417, %mul3A_1418 : vector<16xf32>
          %mul3A_1420 = arith.mulf %sub3A_1416, %sub3A_1416 : vector<16xf32>
          %add3A_1421 = arith.addf %add3A_1419, %mul3A_1420 : vector<16xf32>
          %lt3A_1422 = arith.constant 4.000000e-02 : f32
          %lt3A_1423 = vector.broadcast %lt3A_1422 : f32 to vector<16xf32>
          %lt3A_1424 = arith.cmpf olt, %add3A_1421, %lt3A_1423 : vector<16xf32>
          %add3A_1425 = arith.constant 16 : i32
          %add3A_1426 = arith.addi %mul3A_1402, %add3A_1425 : i32
          %get3A_1427 = arith.index_cast %add3A_1426 : i32 to index
          %get3A_1428 = tpu.vector_load %arg5[%get3A_1427] {strides = array<i32>} : memref<4112xf32, #tpu.memory_space<vmem>>, vector<16xf32>,
          %get3A_1429 = arith.index_cast %add3A_1426 : i32 to index
          %get3A_1430 = tpu.vector_load %arg6[%get3A_1429] {strides = array<i32>} : memref<4112xf32, #tpu.memory_space<vmem>>, vector<16xf32>,
          %get3A_1431 = arith.index_cast %add3A_1426 : i32 to index
          %get3A_1432 = tpu.vector_load %arg7[%get3A_1431] {strides = array<i32>} : memref<4112xf32, #tpu.memory_space<vmem>>, vector<16xf32>,
          %sub3A_1433 = arith.subf %get3A_1428, %broadcast_in_dim3A : vector<16xf32>
          %sub3A_1434 = arith.subf %get3A_1430, %broadcast_in_dim3A_73 : vector<16xf32>
          %sub3A_1435 = arith.subf %get3A_1432, %broadcast_in_dim3A_78 : vector<16xf32>
          %mul3A_1436 = arith.mulf %sub3A_1433, %sub3A_1433 : vector<16xf32>
          %mul3A_1437 = arith.mulf %sub3A_1434, %sub3A_1434 : vector<16xf32>
          %add3A_1438 = arith.addf %mul3A_1436, %mul3A_1437 : vector<16xf32>
          %mul3A_1439 = arith.mulf %sub3A_1435, %sub3A_1435 : vector<16xf32>
          %add3A_1440 = arith.addf %add3A_1438, %mul3A_1439 : vector<16xf32>
          %lt3A_1441 = arith.constant 4.000000e-02 : f32
          %lt3A_1442 = vector.broadcast %lt3A_1441 : f32 to vector<16xf32>
          %lt3A_1443 = arith.cmpf olt, %add3A_1440, %lt3A_1442 : vector<16xf32>
          %add3A_1444 = arith.constant 32 : i32
          %add3A_1445 = arith.addi %mul3A_1402, %add3A_1444 : i32
          %get3A_1446 = arith.index_cast %add3A_1445 : i32 to index
          %get3A_1447 = tpu.vector_load %arg5[%get3A_1446] {strides = array<i32>} : memref<4112xf32, #tpu.memory_space<vmem>>, vector<16xf32>,
          %get3A_1448 = arith.index_cast %add3A_1445 : i32 to index
          %get3A_1449 = tpu.vector_load %arg6[%get3A_1448] {strides = array<i32>} : memref<4112xf32, #tpu.memory_space<vmem>>, vector<16xf32>,
          %get3A_1450 = arith.index_cast %add3A_1445 : i32 to index
          %get3A_1451 = tpu.vector_load %arg7[%get3A_1450] {strides = array<i32>} : memref<4112xf32, #tpu.memory_space<vmem>>, vector<16xf32>,
          %sub3A_1452 = arith.subf %get3A_1447, %broadcast_in_dim3A : vector<16xf32>
          %sub3A_1453 = arith.subf %get3A_1449, %broadcast_in_dim3A_73 : vector<16xf32>
          %sub3A_1454 = arith.subf %get3A_1451, %broadcast_in_dim3A_78 : vector<16xf32>
          %mul3A_1455 = arith.mulf %sub3A_1452, %sub3A_1452 : vector<16xf32>
          %mul3A_1456 = arith.mulf %sub3A_1453, %sub3A_1453 : vector<16xf32>
          %add3A_1457 = arith.addf %mul3A_1455, %mul3A_1456 : vector<16xf32>
          %mul3A_1458 = arith.mulf %sub3A_1454, %sub3A_1454 : vector<16xf32>
          %add3A_1459 = arith.addf %add3A_1457, %mul3A_1458 : vector<16xf32>
          %lt3A_1460 = arith.constant 4.000000e-02 : f32
          %lt3A_1461 = vector.broadcast %lt3A_1460 : f32 to vector<16xf32>
          %lt3A_1462 = arith.cmpf olt, %add3A_1459, %lt3A_1461 : vector<16xf32>
          %add3A_1463 = arith.constant 48 : i32
          %add3A_1464 = arith.addi %mul3A_1402, %add3A_1463 : i32
          %get3A_1465 = arith.index_cast %add3A_1464 : i32 to index
          %get3A_1466 = tpu.vector_load %arg5[%get3A_1465] {strides = array<i32>} : memref<4112xf32, #tpu.memory_space<vmem>>, vector<16xf32>,
          %get3A_1467 = arith.index_cast %add3A_1464 : i32 to index
          %get3A_1468 = tpu.vector_load %arg6[%get3A_1467] {strides = array<i32>} : memref<4112xf32, #tpu.memory_space<vmem>>, vector<16xf32>,
          %get3A_1469 = arith.index_cast %add3A_1464 : i32 to index
          %get3A_1470 = tpu.vector_load %arg7[%get3A_1469] {strides = array<i32>} : memref<4112xf32, #tpu.memory_space<vmem>>, vector<16xf32>,
          %sub3A_1471 = arith.subf %get3A_1466, %broadcast_in_dim3A : vector<16xf32>
          %sub3A_1472 = arith.subf %get3A_1468, %broadcast_in_dim3A_73 : vector<16xf32>
          %sub3A_1473 = arith.subf %get3A_1470, %broadcast_in_dim3A_78 : vector<16xf32>
          %mul3A_1474 = arith.mulf %sub3A_1471, %sub3A_1471 : vector<16xf32>
          %mul3A_1475 = arith.mulf %sub3A_1472, %sub3A_1472 : vector<16xf32>
          %add3A_1476 = arith.addf %mul3A_1474, %mul3A_1475 : vector<16xf32>
          %mul3A_1477 = arith.mulf %sub3A_1473, %sub3A_1473 : vector<16xf32>
          %add3A_1478 = arith.addf %add3A_1476, %mul3A_1477 : vector<16xf32>
          %lt3A_1479 = arith.constant 4.000000e-02 : f32
          %lt3A_1480 = vector.broadcast %lt3A_1479 : f32 to vector<16xf32>
          %lt3A_1481 = arith.cmpf olt, %add3A_1478, %lt3A_1480 : vector<16xf32>
          %add3A_1482 = arith.constant 64 : i32
          %add3A_1483 = arith.addi %mul3A_1402, %add3A_1482 : i32
          %get3A_1484 = arith.index_cast %add3A_1483 : i32 to index
          %get3A_1485 = tpu.vector_load %arg5[%get3A_1484] {strides = array<i32>} : memref<4112xf32, #tpu.memory_space<vmem>>, vector<16xf32>,
          %get3A_1486 = arith.index_cast %add3A_1483 : i32 to index
          %get3A_1487 = tpu.vector_load %arg6[%get3A_1486] {strides = array<i32>} : memref<4112xf32, #tpu.memory_space<vmem>>, vector<16xf32>,
          %get3A_1488 = arith.index_cast %add3A_1483 : i32 to index
          %get3A_1489 = tpu.vector_load %arg7[%get3A_1488] {strides = array<i32>} : memref<4112xf32, #tpu.memory_space<vmem>>, vector<16xf32>,
          %sub3A_1490 = arith.subf %get3A_1485, %broadcast_in_dim3A : vector<16xf32>
          %sub3A_1491 = arith.subf %get3A_1487, %broadcast_in_dim3A_73 : vector<16xf32>
          %sub3A_1492 = arith.subf %get3A_1489, %broadcast_in_dim3A_78 : vector<16xf32>
          %mul3A_1493 = arith.mulf %sub3A_1490, %sub3A_1490 : vector<16xf32>
          %mul3A_1494 = arith.mulf %sub3A_1491, %sub3A_1491 : vector<16xf32>
          %add3A_1495 = arith.addf %mul3A_1493, %mul3A_1494 : vector<16xf32>
          %mul3A_1496 = arith.mulf %sub3A_1492, %sub3A_1492 : vector<16xf32>
          %add3A_1497 = arith.addf %add3A_1495, %mul3A_1496 : vector<16xf32>
          %lt3A_1498 = arith.constant 4.000000e-02 : f32
          %lt3A_1499 = vector.broadcast %lt3A_1498 : f32 to vector<16xf32>
          %lt3A_1500 = arith.cmpf olt, %add3A_1497, %lt3A_1499 : vector<16xf32>
          %add3A_1501 = arith.constant 80 : i32
          %add3A_1502 = arith.addi %mul3A_1402, %add3A_1501 : i32
          %get3A_1503 = arith.index_cast %add3A_1502 : i32 to index
          %get3A_1504 = tpu.vector_load %arg5[%get3A_1503] {strides = array<i32>} : memref<4112xf32, #tpu.memory_space<vmem>>, vector<16xf32>,
          %get3A_1505 = arith.index_cast %add3A_1502 : i32 to index
          %get3A_1506 = tpu.vector_load %arg6[%get3A_1505] {strides = array<i32>} : memref<4112xf32, #tpu.memory_space<vmem>>, vector<16xf32>,
          %get3A_1507 = arith.index_cast %add3A_1502 : i32 to index
          %get3A_1508 = tpu.vector_load %arg7[%get3A_1507] {strides = array<i32>} : memref<4112xf32, #tpu.memory_space<vmem>>, vector<16xf32>,
          %sub3A_1509 = arith.subf %get3A_1504, %broadcast_in_dim3A : vector<16xf32>
          %sub3A_1510 = arith.subf %get3A_1506, %broadcast_in_dim3A_73 : vector<16xf32>
          %sub3A_1511 = arith.subf %get3A_1508, %broadcast_in_dim3A_78 : vector<16xf32>
          %mul3A_1512 = arith.mulf %sub3A_1509, %sub3A_1509 : vector<16xf32>
          %mul3A_1513 = arith.mulf %sub3A_1510, %sub3A_1510 : vector<16xf32>
          %add3A_1514 = arith.addf %mul3A_1512, %mul3A_1513 : vector<16xf32>
          %mul3A_1515 = arith.mulf %sub3A_1511, %sub3A_1511 : vector<16xf32>
          %add3A_1516 = arith.addf %add3A_1514, %mul3A_1515 : vector<16xf32>
          %lt3A_1517 = arith.constant 4.000000e-02 : f32
          %lt3A_1518 = vector.broadcast %lt3A_1517 : f32 to vector<16xf32>
          %lt3A_1519 = arith.cmpf olt, %add3A_1516, %lt3A_1518 : vector<16xf32>
          %add3A_1520 = arith.constant 96 : i32
          %add3A_1521 = arith.addi %mul3A_1402, %add3A_1520 : i32
          %get3A_1522 = arith.index_cast %add3A_1521 : i32 to index
          %get3A_1523 = tpu.vector_load %arg5[%get3A_1522] {strides = array<i32>} : memref<4112xf32, #tpu.memory_space<vmem>>, vector<16xf32>,
          %get3A_1524 = arith.index_cast %add3A_1521 : i32 to index
          %get3A_1525 = tpu.vector_load %arg6[%get3A_1524] {strides = array<i32>} : memref<4112xf32, #tpu.memory_space<vmem>>, vector<16xf32>,
          %get3A_1526 = arith.index_cast %add3A_1521 : i32 to index
          %get3A_1527 = tpu.vector_load %arg7[%get3A_1526] {strides = array<i32>} : memref<4112xf32, #tpu.memory_space<vmem>>, vector<16xf32>,
          %sub3A_1528 = arith.subf %get3A_1523, %broadcast_in_dim3A : vector<16xf32>
          %sub3A_1529 = arith.subf %get3A_1525, %broadcast_in_dim3A_73 : vector<16xf32>
          %sub3A_1530 = arith.subf %get3A_1527, %broadcast_in_dim3A_78 : vector<16xf32>
          %mul3A_1531 = arith.mulf %sub3A_1528, %sub3A_1528 : vector<16xf32>
          %mul3A_1532 = arith.mulf %sub3A_1529, %sub3A_1529 : vector<16xf32>
          %add3A_1533 = arith.addf %mul3A_1531, %mul3A_1532 : vector<16xf32>
          %mul3A_1534 = arith.mulf %sub3A_1530, %sub3A_1530 : vector<16xf32>
          %add3A_1535 = arith.addf %add3A_1533, %mul3A_1534 : vector<16xf32>
          %lt3A_1536 = arith.constant 4.000000e-02 : f32
          %lt3A_1537 = vector.broadcast %lt3A_1536 : f32 to vector<16xf32>
          %lt3A_1538 = arith.cmpf olt, %add3A_1535, %lt3A_1537 : vector<16xf32>
          %add3A_1539 = arith.constant 112 : i32
          %add3A_1540 = arith.addi %mul3A_1402, %add3A_1539 : i32
          %get3A_1541 = arith.index_cast %add3A_1540 : i32 to index
          %get3A_1542 = tpu.vector_load %arg5[%get3A_1541] {strides = array<i32>} : memref<4112xf32, #tpu.memory_space<vmem>>, vector<16xf32>,
          %get3A_1543 = arith.index_cast %add3A_1540 : i32 to index
          %get3A_1544 = tpu.vector_load %arg6[%get3A_1543] {strides = array<i32>} : memref<4112xf32, #tpu.memory_space<vmem>>, vector<16xf32>,
          %get3A_1545 = arith.index_cast %add3A_1540 : i32 to index
          %get3A_1546 = tpu.vector_load %arg7[%get3A_1545] {strides = array<i32>} : memref<4112xf32, #tpu.memory_space<vmem>>, vector<16xf32>,
          %sub3A_1547 = arith.subf %get3A_1542, %broadcast_in_dim3A : vector<16xf32>
          %sub3A_1548 = arith.subf %get3A_1544, %broadcast_in_dim3A_73 : vector<16xf32>
          %sub3A_1549 = arith.subf %get3A_1546, %broadcast_in_dim3A_78 : vector<16xf32>
          %mul3A_1550 = arith.mulf %sub3A_1547, %sub3A_1547 : vector<16xf32>
          %mul3A_1551 = arith.mulf %sub3A_1548, %sub3A_1548 : vector<16xf32>
          %add3A_1552 = arith.addf %mul3A_1550, %mul3A_1551 : vector<16xf32>
          %mul3A_1553 = arith.mulf %sub3A_1549, %sub3A_1549 : vector<16xf32>
          %add3A_1554 = arith.addf %add3A_1552, %mul3A_1553 : vector<16xf32>
          %lt3A_1555 = arith.constant 4.000000e-02 : f32
          %lt3A_1556 = vector.broadcast %lt3A_1555 : f32 to vector<16xf32>
          %lt3A_1557 = arith.cmpf olt, %add3A_1554, %lt3A_1556 : vector<16xf32>
          %add3A_1558 = arith.constant 128 : i32
          %add3A_1559 = arith.addi %mul3A_1402, %add3A_1558 : i32
          %get3A_1560 = arith.index_cast %add3A_1559 : i32 to index
          %get3A_1561 = tpu.vector_load %arg5[%get3A_1560] {strides = array<i32>} : memref<4112xf32, #tpu.memory_space<vmem>>, vector<16xf32>,
          %get3A_1562 = arith.index_cast %add3A_1559 : i32 to index
          %get3A_1563 = tpu.vector_load %arg6[%get3A_1562] {strides = array<i32>} : memref<4112xf32, #tpu.memory_space<vmem>>, vector<16xf32>,
          %get3A_1564 = arith.index_cast %add3A_1559 : i32 to index
          %get3A_1565 = tpu.vector_load %arg7[%get3A_1564] {strides = array<i32>} : memref<4112xf32, #tpu.memory_space<vmem>>, vector<16xf32>,
          %sub3A_1566 = arith.subf %get3A_1561, %broadcast_in_dim3A : vector<16xf32>
          %sub3A_1567 = arith.subf %get3A_1563, %broadcast_in_dim3A_73 : vector<16xf32>
          %sub3A_1568 = arith.subf %get3A_1565, %broadcast_in_dim3A_78 : vector<16xf32>
          %mul3A_1569 = arith.mulf %sub3A_1566, %sub3A_1566 : vector<16xf32>
          %mul3A_1570 = arith.mulf %sub3A_1567, %sub3A_1567 : vector<16xf32>
          %add3A_1571 = arith.addf %mul3A_1569, %mul3A_1570 : vector<16xf32>
          %mul3A_1572 = arith.mulf %sub3A_1568, %sub3A_1568 : vector<16xf32>
          %add3A_1573 = arith.addf %add3A_1571, %mul3A_1572 : vector<16xf32>
          %lt3A_1574 = arith.constant 4.000000e-02 : f32
          %lt3A_1575 = vector.broadcast %lt3A_1574 : f32 to vector<16xf32>
          %lt3A_1576 = arith.cmpf olt, %add3A_1573, %lt3A_1575 : vector<16xf32>
          %add3A_1577 = arith.constant 144 : i32
          %add3A_1578 = arith.addi %mul3A_1402, %add3A_1577 : i32
          %get3A_1579 = arith.index_cast %add3A_1578 : i32 to index
          %get3A_1580 = tpu.vector_load %arg5[%get3A_1579] {strides = array<i32>} : memref<4112xf32, #tpu.memory_space<vmem>>, vector<16xf32>,
          %get3A_1581 = arith.index_cast %add3A_1578 : i32 to index
          %get3A_1582 = tpu.vector_load %arg6[%get3A_1581] {strides = array<i32>} : memref<4112xf32, #tpu.memory_space<vmem>>, vector<16xf32>,
          %get3A_1583 = arith.index_cast %add3A_1578 : i32 to index
          %get3A_1584 = tpu.vector_load %arg7[%get3A_1583] {strides = array<i32>} : memref<4112xf32, #tpu.memory_space<vmem>>, vector<16xf32>,
          %sub3A_1585 = arith.subf %get3A_1580, %broadcast_in_dim3A : vector<16xf32>
          %sub3A_1586 = arith.subf %get3A_1582, %broadcast_in_dim3A_73 : vector<16xf32>
          %sub3A_1587 = arith.subf %get3A_1584, %broadcast_in_dim3A_78 : vector<16xf32>
          %mul3A_1588 = arith.mulf %sub3A_1585, %sub3A_1585 : vector<16xf32>
          %mul3A_1589 = arith.mulf %sub3A_1586, %sub3A_1586 : vector<16xf32>
          %add3A_1590 = arith.addf %mul3A_1588, %mul3A_1589 : vector<16xf32>
          %mul3A_1591 = arith.mulf %sub3A_1587, %sub3A_1587 : vector<16xf32>
          %add3A_1592 = arith.addf %add3A_1590, %mul3A_1591 : vector<16xf32>
          %lt3A_1593 = arith.constant 4.000000e-02 : f32
          %lt3A_1594 = vector.broadcast %lt3A_1593 : f32 to vector<16xf32>
          %lt3A_1595 = arith.cmpf olt, %add3A_1592, %lt3A_1594 : vector<16xf32>
          %add3A_1596 = arith.constant 160 : i32
          %add3A_1597 = arith.addi %mul3A_1402, %add3A_1596 : i32
          %get3A_1598 = arith.index_cast %add3A_1597 : i32 to index
          %get3A_1599 = tpu.vector_load %arg5[%get3A_1598] {strides = array<i32>} : memref<4112xf32, #tpu.memory_space<vmem>>, vector<16xf32>,
          %get3A_1600 = arith.index_cast %add3A_1597 : i32 to index
          %get3A_1601 = tpu.vector_load %arg6[%get3A_1600] {strides = array<i32>} : memref<4112xf32, #tpu.memory_space<vmem>>, vector<16xf32>,
          %get3A_1602 = arith.index_cast %add3A_1597 : i32 to index
          %get3A_1603 = tpu.vector_load %arg7[%get3A_1602] {strides = array<i32>} : memref<4112xf32, #tpu.memory_space<vmem>>, vector<16xf32>,
          %sub3A_1604 = arith.subf %get3A_1599, %broadcast_in_dim3A : vector<16xf32>
          %sub3A_1605 = arith.subf %get3A_1601, %broadcast_in_dim3A_73 : vector<16xf32>
          %sub3A_1606 = arith.subf %get3A_1603, %broadcast_in_dim3A_78 : vector<16xf32>
          %mul3A_1607 = arith.mulf %sub3A_1604, %sub3A_1604 : vector<16xf32>
          %mul3A_1608 = arith.mulf %sub3A_1605, %sub3A_1605 : vector<16xf32>
          %add3A_1609 = arith.addf %mul3A_1607, %mul3A_1608 : vector<16xf32>
          %mul3A_1610 = arith.mulf %sub3A_1606, %sub3A_1606 : vector<16xf32>
          %add3A_1611 = arith.addf %add3A_1609, %mul3A_1610 : vector<16xf32>
          %lt3A_1612 = arith.constant 4.000000e-02 : f32
          %lt3A_1613 = vector.broadcast %lt3A_1612 : f32 to vector<16xf32>
          %lt3A_1614 = arith.cmpf olt, %add3A_1611, %lt3A_1613 : vector<16xf32>
          %add3A_1615 = arith.constant 176 : i32
          %add3A_1616 = arith.addi %mul3A_1402, %add3A_1615 : i32
          %get3A_1617 = arith.index_cast %add3A_1616 : i32 to index
          %get3A_1618 = tpu.vector_load %arg5[%get3A_1617] {strides = array<i32>} : memref<4112xf32, #tpu.memory_space<vmem>>, vector<16xf32>,
          %get3A_1619 = arith.index_cast %add3A_1616 : i32 to index
          %get3A_1620 = tpu.vector_load %arg6[%get3A_1619] {strides = array<i32>} : memref<4112xf32, #tpu.memory_space<vmem>>, vector<16xf32>,
          %get3A_1621 = arith.index_cast %add3A_1616 : i32 to index
          %get3A_1622 = tpu.vector_load %arg7[%get3A_1621] {strides = array<i32>} : memref<4112xf32, #tpu.memory_space<vmem>>, vector<16xf32>,
          %sub3A_1623 = arith.subf %get3A_1618, %broadcast_in_dim3A : vector<16xf32>
          %sub3A_1624 = arith.subf %get3A_1620, %broadcast_in_dim3A_73 : vector<16xf32>
          %sub3A_1625 = arith.subf %get3A_1622, %broadcast_in_dim3A_78 : vector<16xf32>
          %mul3A_1626 = arith.mulf %sub3A_1623, %sub3A_1623 : vector<16xf32>
          %mul3A_1627 = arith.mulf %sub3A_1624, %sub3A_1624 : vector<16xf32>
          %add3A_1628 = arith.addf %mul3A_1626, %mul3A_1627 : vector<16xf32>
          %mul3A_1629 = arith.mulf %sub3A_1625, %sub3A_1625 : vector<16xf32>
          %add3A_1630 = arith.addf %add3A_1628, %mul3A_1629 : vector<16xf32>
          %lt3A_1631 = arith.constant 4.000000e-02 : f32
          %lt3A_1632 = vector.broadcast %lt3A_1631 : f32 to vector<16xf32>
          %lt3A_1633 = arith.cmpf olt, %add3A_1630, %lt3A_1632 : vector<16xf32>
          %add3A_1634 = arith.constant 192 : i32
          %add3A_1635 = arith.addi %mul3A_1402, %add3A_1634 : i32
          %get3A_1636 = arith.index_cast %add3A_1635 : i32 to index
          %get3A_1637 = tpu.vector_load %arg5[%get3A_1636] {strides = array<i32>} : memref<4112xf32, #tpu.memory_space<vmem>>, vector<16xf32>,
          %get3A_1638 = arith.index_cast %add3A_1635 : i32 to index
          %get3A_1639 = tpu.vector_load %arg6[%get3A_1638] {strides = array<i32>} : memref<4112xf32, #tpu.memory_space<vmem>>, vector<16xf32>,
          %get3A_1640 = arith.index_cast %add3A_1635 : i32 to index
          %get3A_1641 = tpu.vector_load %arg7[%get3A_1640] {strides = array<i32>} : memref<4112xf32, #tpu.memory_space<vmem>>, vector<16xf32>,
          %sub3A_1642 = arith.subf %get3A_1637, %broadcast_in_dim3A : vector<16xf32>
          %sub3A_1643 = arith.subf %get3A_1639, %broadcast_in_dim3A_73 : vector<16xf32>
          %sub3A_1644 = arith.subf %get3A_1641, %broadcast_in_dim3A_78 : vector<16xf32>
          %mul3A_1645 = arith.mulf %sub3A_1642, %sub3A_1642 : vector<16xf32>
          %mul3A_1646 = arith.mulf %sub3A_1643, %sub3A_1643 : vector<16xf32>
          %add3A_1647 = arith.addf %mul3A_1645, %mul3A_1646 : vector<16xf32>
          %mul3A_1648 = arith.mulf %sub3A_1644, %sub3A_1644 : vector<16xf32>
          %add3A_1649 = arith.addf %add3A_1647, %mul3A_1648 : vector<16xf32>
          %lt3A_1650 = arith.constant 4.000000e-02 : f32
          %lt3A_1651 = vector.broadcast %lt3A_1650 : f32 to vector<16xf32>
          %lt3A_1652 = arith.cmpf olt, %add3A_1649, %lt3A_1651 : vector<16xf32>
          %add3A_1653 = arith.constant 208 : i32
          %add3A_1654 = arith.addi %mul3A_1402, %add3A_1653 : i32
          %get3A_1655 = arith.index_cast %add3A_1654 : i32 to index
          %get3A_1656 = tpu.vector_load %arg5[%get3A_1655] {strides = array<i32>} : memref<4112xf32, #tpu.memory_space<vmem>>, vector<16xf32>,
          %get3A_1657 = arith.index_cast %add3A_1654 : i32 to index
          %get3A_1658 = tpu.vector_load %arg6[%get3A_1657] {strides = array<i32>} : memref<4112xf32, #tpu.memory_space<vmem>>, vector<16xf32>,
          %get3A_1659 = arith.index_cast %add3A_1654 : i32 to index
          %get3A_1660 = tpu.vector_load %arg7[%get3A_1659] {strides = array<i32>} : memref<4112xf32, #tpu.memory_space<vmem>>, vector<16xf32>,
          %sub3A_1661 = arith.subf %get3A_1656, %broadcast_in_dim3A : vector<16xf32>
          %sub3A_1662 = arith.subf %get3A_1658, %broadcast_in_dim3A_73 : vector<16xf32>
          %sub3A_1663 = arith.subf %get3A_1660, %broadcast_in_dim3A_78 : vector<16xf32>
          %mul3A_1664 = arith.mulf %sub3A_1661, %sub3A_1661 : vector<16xf32>
          %mul3A_1665 = arith.mulf %sub3A_1662, %sub3A_1662 : vector<16xf32>
          %add3A_1666 = arith.addf %mul3A_1664, %mul3A_1665 : vector<16xf32>
          %mul3A_1667 = arith.mulf %sub3A_1663, %sub3A_1663 : vector<16xf32>
          %add3A_1668 = arith.addf %add3A_1666, %mul3A_1667 : vector<16xf32>
          %lt3A_1669 = arith.constant 4.000000e-02 : f32
          %lt3A_1670 = vector.broadcast %lt3A_1669 : f32 to vector<16xf32>
          %lt3A_1671 = arith.cmpf olt, %add3A_1668, %lt3A_1670 : vector<16xf32>
          %add3A_1672 = arith.constant 224 : i32
          %add3A_1673 = arith.addi %mul3A_1402, %add3A_1672 : i32
          %get3A_1674 = arith.index_cast %add3A_1673 : i32 to index
          %get3A_1675 = tpu.vector_load %arg5[%get3A_1674] {strides = array<i32>} : memref<4112xf32, #tpu.memory_space<vmem>>, vector<16xf32>,
          %get3A_1676 = arith.index_cast %add3A_1673 : i32 to index
          %get3A_1677 = tpu.vector_load %arg6[%get3A_1676] {strides = array<i32>} : memref<4112xf32, #tpu.memory_space<vmem>>, vector<16xf32>,
          %get3A_1678 = arith.index_cast %add3A_1673 : i32 to index
          %get3A_1679 = tpu.vector_load %arg7[%get3A_1678] {strides = array<i32>} : memref<4112xf32, #tpu.memory_space<vmem>>, vector<16xf32>,
          %sub3A_1680 = arith.subf %get3A_1675, %broadcast_in_dim3A : vector<16xf32>
          %sub3A_1681 = arith.subf %get3A_1677, %broadcast_in_dim3A_73 : vector<16xf32>
          %sub3A_1682 = arith.subf %get3A_1679, %broadcast_in_dim3A_78 : vector<16xf32>
          %mul3A_1683 = arith.mulf %sub3A_1680, %sub3A_1680 : vector<16xf32>
          %mul3A_1684 = arith.mulf %sub3A_1681, %sub3A_1681 : vector<16xf32>
          %add3A_1685 = arith.addf %mul3A_1683, %mul3A_1684 : vector<16xf32>
          %mul3A_1686 = arith.mulf %sub3A_1682, %sub3A_1682 : vector<16xf32>
          %add3A_1687 = arith.addf %add3A_1685, %mul3A_1686 : vector<16xf32>
          %lt3A_1688 = arith.constant 4.000000e-02 : f32
          %lt3A_1689 = vector.broadcast %lt3A_1688 : f32 to vector<16xf32>
          %lt3A_1690 = arith.cmpf olt, %add3A_1687, %lt3A_1689 : vector<16xf32>
          %add3A_1691 = arith.constant 240 : i32
          %add3A_1692 = arith.addi %mul3A_1402, %add3A_1691 : i32
          %get3A_1693 = arith.index_cast %add3A_1692 : i32 to index
          %get3A_1694 = tpu.vector_load %arg5[%get3A_1693] {strides = array<i32>} : memref<4112xf32, #tpu.memory_space<vmem>>, vector<16xf32>,
          %get3A_1695 = arith.index_cast %add3A_1692 : i32 to index
          %get3A_1696 = tpu.vector_load %arg6[%get3A_1695] {strides = array<i32>} : memref<4112xf32, #tpu.memory_space<vmem>>, vector<16xf32>,
          %get3A_1697 = arith.index_cast %add3A_1692 : i32 to index
          %get3A_1698 = tpu.vector_load %arg7[%get3A_1697] {strides = array<i32>} : memref<4112xf32, #tpu.memory_space<vmem>>, vector<16xf32>,
          %sub3A_1699 = arith.subf %get3A_1694, %broadcast_in_dim3A : vector<16xf32>
          %sub3A_1700 = arith.subf %get3A_1696, %broadcast_in_dim3A_73 : vector<16xf32>
          %sub3A_1701 = arith.subf %get3A_1698, %broadcast_in_dim3A_78 : vector<16xf32>
          %mul3A_1702 = arith.mulf %sub3A_1699, %sub3A_1699 : vector<16xf32>
          %mul3A_1703 = arith.mulf %sub3A_1700, %sub3A_1700 : vector<16xf32>
          %add3A_1704 = arith.addf %mul3A_1702, %mul3A_1703 : vector<16xf32>
          %mul3A_1705 = arith.mulf %sub3A_1701, %sub3A_1701 : vector<16xf32>
          %add3A_1706 = arith.addf %add3A_1704, %mul3A_1705 : vector<16xf32>
          %lt3A_1707 = arith.constant 4.000000e-02 : f32
          %lt3A_1708 = vector.broadcast %lt3A_1707 : f32 to vector<16xf32>
          %lt3A_1709 = arith.cmpf olt, %add3A_1706, %lt3A_1708 : vector<16xf32>
          %add3A_1710 = arith.constant 0 : i32
          %add3A_1711 = arith.addi %mul3A_1402, %add3A_1710 : i32
          %add3A_1712 = vector.broadcast %add3A_1711 : i32 to vector<16xi32>
          %add3A_1713 = arith.addi %add3A_1712, %iota3A : vector<16xi32>
          %swap3A_1714 = arith.index_cast %get3A_1405 : i32 to index
          %swap3A_1715 = tpu.vector_load %arg8[%swap3A_1714] masked %lt3A_1424 {strides = array<i32>} : memref<784xi32, #tpu.memory_space<vmem>>, vector<16xi32>, vector<16xi1>
          tpu.vector_store %arg8[%swap3A_1714], %add3A_1713 masked %lt3A_1424 {strides = array<i32>} : memref<784xi32, #tpu.memory_space<vmem>>, vector<16xi32>, vector<16xi1>
          %all_reduce_population_count3A_1716 = tpu.all_reduce %lt3A_1424 {dim = 0 : i64, kind = #tpu.reduction_kind<sum>} : vector<16xi1> -> vector<16xi32>
          %slice3A_1717 = vector.extract_strided_slice %all_reduce_population_count3A_1716 {offsets = [0], sizes = [1], strides = [1]} : vector<16xi32> to vector<1xi32>
          %squeeze3A_1718 = vector.extract %slice3A_1717[0] : i32 from vector<1xi32>
          %add3A_1719 = arith.addi %get3A_1405, %squeeze3A_1718 : i32
          %add3A_1720 = arith.constant 16 : i32
          %add3A_1721 = arith.addi %mul3A_1402, %add3A_1720 : i32
          %add3A_1722 = vector.broadcast %add3A_1721 : i32 to vector<16xi32>
          %add3A_1723 = arith.addi %add3A_1722, %iota3A : vector<16xi32>
          %swap3A_1724 = arith.index_cast %add3A_1719 : i32 to index
          %swap3A_1725 = tpu.vector_load %arg8[%swap3A_1724] masked %lt3A_1443 {strides = array<i32>} : memref<784xi32, #tpu.memory_space<vmem>>, vector<16xi32>, vector<16xi1>
          tpu.vector_store %arg8[%swap3A_1724], %add3A_1723 masked %lt3A_1443 {strides = array<i32>} : memref<784xi32, #tpu.memory_space<vmem>>, vector<16xi32>, vector<16xi1>
          %all_reduce_population_count3A_1726 = tpu.all_reduce %lt3A_1443 {dim = 0 : i64, kind = #tpu.reduction_kind<sum>} : vector<16xi1> -> vector<16xi32>
          %slice3A_1727 = vector.extract_strided_slice %all_reduce_population_count3A_1726 {offsets = [0], sizes = [1], strides = [1]} : vector<16xi32> to vector<1xi32>
          %squeeze3A_1728 = vector.extract %slice3A_1727[0] : i32 from vector<1xi32>
          %add3A_1729 = arith.addi %add3A_1719, %squeeze3A_1728 : i32
          %add3A_1730 = arith.constant 32 : i32
          %add3A_1731 = arith.addi %mul3A_1402, %add3A_1730 : i32
          %add3A_1732 = vector.broadcast %add3A_1731 : i32 to vector<16xi32>
          %add3A_1733 = arith.addi %add3A_1732, %iota3A : vector<16xi32>
          %swap3A_1734 = arith.index_cast %add3A_1729 : i32 to index
          %swap3A_1735 = tpu.vector_load %arg8[%swap3A_1734] masked %lt3A_1462 {strides = array<i32>} : memref<784xi32, #tpu.memory_space<vmem>>, vector<16xi32>, vector<16xi1>
          tpu.vector_store %arg8[%swap3A_1734], %add3A_1733 masked %lt3A_1462 {strides = array<i32>} : memref<784xi32, #tpu.memory_space<vmem>>, vector<16xi32>, vector<16xi1>
          %all_reduce_population_count3A_1736 = tpu.all_reduce %lt3A_1462 {dim = 0 : i64, kind = #tpu.reduction_kind<sum>} : vector<16xi1> -> vector<16xi32>
          %slice3A_1737 = vector.extract_strided_slice %all_reduce_population_count3A_1736 {offsets = [0], sizes = [1], strides = [1]} : vector<16xi32> to vector<1xi32>
          %squeeze3A_1738 = vector.extract %slice3A_1737[0] : i32 from vector<1xi32>
          %add3A_1739 = arith.addi %add3A_1729, %squeeze3A_1738 : i32
          %add3A_1740 = arith.constant 48 : i32
          %add3A_1741 = arith.addi %mul3A_1402, %add3A_1740 : i32
          %add3A_1742 = vector.broadcast %add3A_1741 : i32 to vector<16xi32>
          %add3A_1743 = arith.addi %add3A_1742, %iota3A : vector<16xi32>
          %swap3A_1744 = arith.index_cast %add3A_1739 : i32 to index
          %swap3A_1745 = tpu.vector_load %arg8[%swap3A_1744] masked %lt3A_1481 {strides = array<i32>} : memref<784xi32, #tpu.memory_space<vmem>>, vector<16xi32>, vector<16xi1>
          tpu.vector_store %arg8[%swap3A_1744], %add3A_1743 masked %lt3A_1481 {strides = array<i32>} : memref<784xi32, #tpu.memory_space<vmem>>, vector<16xi32>, vector<16xi1>
          %all_reduce_population_count3A_1746 = tpu.all_reduce %lt3A_1481 {dim = 0 : i64, kind = #tpu.reduction_kind<sum>} : vector<16xi1> -> vector<16xi32>
          %slice3A_1747 = vector.extract_strided_slice %all_reduce_population_count3A_1746 {offsets = [0], sizes = [1], strides = [1]} : vector<16xi32> to vector<1xi32>
          %squeeze3A_1748 = vector.extract %slice3A_1747[0] : i32 from vector<1xi32>
          %add3A_1749 = arith.addi %add3A_1739, %squeeze3A_1748 : i32
          %add3A_1750 = arith.constant 64 : i32
          %add3A_1751 = arith.addi %mul3A_1402, %add3A_1750 : i32
          %add3A_1752 = vector.broadcast %add3A_1751 : i32 to vector<16xi32>
          %add3A_1753 = arith.addi %add3A_1752, %iota3A : vector<16xi32>
          %swap3A_1754 = arith.index_cast %add3A_1749 : i32 to index
          %swap3A_1755 = tpu.vector_load %arg8[%swap3A_1754] masked %lt3A_1500 {strides = array<i32>} : memref<784xi32, #tpu.memory_space<vmem>>, vector<16xi32>, vector<16xi1>
          tpu.vector_store %arg8[%swap3A_1754], %add3A_1753 masked %lt3A_1500 {strides = array<i32>} : memref<784xi32, #tpu.memory_space<vmem>>, vector<16xi32>, vector<16xi1>
          %all_reduce_population_count3A_1756 = tpu.all_reduce %lt3A_1500 {dim = 0 : i64, kind = #tpu.reduction_kind<sum>} : vector<16xi1> -> vector<16xi32>
          %slice3A_1757 = vector.extract_strided_slice %all_reduce_population_count3A_1756 {offsets = [0], sizes = [1], strides = [1]} : vector<16xi32> to vector<1xi32>
          %squeeze3A_1758 = vector.extract %slice3A_1757[0] : i32 from vector<1xi32>
          %add3A_1759 = arith.addi %add3A_1749, %squeeze3A_1758 : i32
          %add3A_1760 = arith.constant 80 : i32
          %add3A_1761 = arith.addi %mul3A_1402, %add3A_1760 : i32
          %add3A_1762 = vector.broadcast %add3A_1761 : i32 to vector<16xi32>
          %add3A_1763 = arith.addi %add3A_1762, %iota3A : vector<16xi32>
          %swap3A_1764 = arith.index_cast %add3A_1759 : i32 to index
          %swap3A_1765 = tpu.vector_load %arg8[%swap3A_1764] masked %lt3A_1519 {strides = array<i32>} : memref<784xi32, #tpu.memory_space<vmem>>, vector<16xi32>, vector<16xi1>
          tpu.vector_store %arg8[%swap3A_1764], %add3A_1763 masked %lt3A_1519 {strides = array<i32>} : memref<784xi32, #tpu.memory_space<vmem>>, vector<16xi32>, vector<16xi1>
          %all_reduce_population_count3A_1766 = tpu.all_reduce %lt3A_1519 {dim = 0 : i64, kind = #tpu.reduction_kind<sum>} : vector<16xi1> -> vector<16xi32>
          %slice3A_1767 = vector.extract_strided_slice %all_reduce_population_count3A_1766 {offsets = [0], sizes = [1], strides = [1]} : vector<16xi32> to vector<1xi32>
          %squeeze3A_1768 = vector.extract %slice3A_1767[0] : i32 from vector<1xi32>
          %add3A_1769 = arith.addi %add3A_1759, %squeeze3A_1768 : i32
          %add3A_1770 = arith.constant 96 : i32
          %add3A_1771 = arith.addi %mul3A_1402, %add3A_1770 : i32
          %add3A_1772 = vector.broadcast %add3A_1771 : i32 to vector<16xi32>
          %add3A_1773 = arith.addi %add3A_1772, %iota3A : vector<16xi32>
          %swap3A_1774 = arith.index_cast %add3A_1769 : i32 to index
          %swap3A_1775 = tpu.vector_load %arg8[%swap3A_1774] masked %lt3A_1538 {strides = array<i32>} : memref<784xi32, #tpu.memory_space<vmem>>, vector<16xi32>, vector<16xi1>
          tpu.vector_store %arg8[%swap3A_1774], %add3A_1773 masked %lt3A_1538 {strides = array<i32>} : memref<784xi32, #tpu.memory_space<vmem>>, vector<16xi32>, vector<16xi1>
          %all_reduce_population_count3A_1776 = tpu.all_reduce %lt3A_1538 {dim = 0 : i64, kind = #tpu.reduction_kind<sum>} : vector<16xi1> -> vector<16xi32>
          %slice3A_1777 = vector.extract_strided_slice %all_reduce_population_count3A_1776 {offsets = [0], sizes = [1], strides = [1]} : vector<16xi32> to vector<1xi32>
          %squeeze3A_1778 = vector.extract %slice3A_1777[0] : i32 from vector<1xi32>
          %add3A_1779 = arith.addi %add3A_1769, %squeeze3A_1778 : i32
          %add3A_1780 = arith.constant 112 : i32
          %add3A_1781 = arith.addi %mul3A_1402, %add3A_1780 : i32
          %add3A_1782 = vector.broadcast %add3A_1781 : i32 to vector<16xi32>
          %add3A_1783 = arith.addi %add3A_1782, %iota3A : vector<16xi32>
          %swap3A_1784 = arith.index_cast %add3A_1779 : i32 to index
          %swap3A_1785 = tpu.vector_load %arg8[%swap3A_1784] masked %lt3A_1557 {strides = array<i32>} : memref<784xi32, #tpu.memory_space<vmem>>, vector<16xi32>, vector<16xi1>
          tpu.vector_store %arg8[%swap3A_1784], %add3A_1783 masked %lt3A_1557 {strides = array<i32>} : memref<784xi32, #tpu.memory_space<vmem>>, vector<16xi32>, vector<16xi1>
          %all_reduce_population_count3A_1786 = tpu.all_reduce %lt3A_1557 {dim = 0 : i64, kind = #tpu.reduction_kind<sum>} : vector<16xi1> -> vector<16xi32>
          %slice3A_1787 = vector.extract_strided_slice %all_reduce_population_count3A_1786 {offsets = [0], sizes = [1], strides = [1]} : vector<16xi32> to vector<1xi32>
          %squeeze3A_1788 = vector.extract %slice3A_1787[0] : i32 from vector<1xi32>
          %add3A_1789 = arith.addi %add3A_1779, %squeeze3A_1788 : i32
          %add3A_1790 = arith.constant 128 : i32
          %add3A_1791 = arith.addi %mul3A_1402, %add3A_1790 : i32
          %add3A_1792 = vector.broadcast %add3A_1791 : i32 to vector<16xi32>
          %add3A_1793 = arith.addi %add3A_1792, %iota3A : vector<16xi32>
          %swap3A_1794 = arith.index_cast %add3A_1789 : i32 to index
          %swap3A_1795 = tpu.vector_load %arg8[%swap3A_1794] masked %lt3A_1576 {strides = array<i32>} : memref<784xi32, #tpu.memory_space<vmem>>, vector<16xi32>, vector<16xi1>
          tpu.vector_store %arg8[%swap3A_1794], %add3A_1793 masked %lt3A_1576 {strides = array<i32>} : memref<784xi32, #tpu.memory_space<vmem>>, vector<16xi32>, vector<16xi1>
          %all_reduce_population_count3A_1796 = tpu.all_reduce %lt3A_1576 {dim = 0 : i64, kind = #tpu.reduction_kind<sum>} : vector<16xi1> -> vector<16xi32>
          %slice3A_1797 = vector.extract_strided_slice %all_reduce_population_count3A_1796 {offsets = [0], sizes = [1], strides = [1]} : vector<16xi32> to vector<1xi32>
          %squeeze3A_1798 = vector.extract %slice3A_1797[0] : i32 from vector<1xi32>
          %add3A_1799 = arith.addi %add3A_1789, %squeeze3A_1798 : i32
          %add3A_1800 = arith.constant 144 : i32
          %add3A_1801 = arith.addi %mul3A_1402, %add3A_1800 : i32
          %add3A_1802 = vector.broadcast %add3A_1801 : i32 to vector<16xi32>
          %add3A_1803 = arith.addi %add3A_1802, %iota3A : vector<16xi32>
          %swap3A_1804 = arith.index_cast %add3A_1799 : i32 to index
          %swap3A_1805 = tpu.vector_load %arg8[%swap3A_1804] masked %lt3A_1595 {strides = array<i32>} : memref<784xi32, #tpu.memory_space<vmem>>, vector<16xi32>, vector<16xi1>
          tpu.vector_store %arg8[%swap3A_1804], %add3A_1803 masked %lt3A_1595 {strides = array<i32>} : memref<784xi32, #tpu.memory_space<vmem>>, vector<16xi32>, vector<16xi1>
          %all_reduce_population_count3A_1806 = tpu.all_reduce %lt3A_1595 {dim = 0 : i64, kind = #tpu.reduction_kind<sum>} : vector<16xi1> -> vector<16xi32>
          %slice3A_1807 = vector.extract_strided_slice %all_reduce_population_count3A_1806 {offsets = [0], sizes = [1], strides = [1]} : vector<16xi32> to vector<1xi32>
          %squeeze3A_1808 = vector.extract %slice3A_1807[0] : i32 from vector<1xi32>
          %add3A_1809 = arith.addi %add3A_1799, %squeeze3A_1808 : i32
          %add3A_1810 = arith.constant 160 : i32
          %add3A_1811 = arith.addi %mul3A_1402, %add3A_1810 : i32
          %add3A_1812 = vector.broadcast %add3A_1811 : i32 to vector<16xi32>
          %add3A_1813 = arith.addi %add3A_1812, %iota3A : vector<16xi32>
          %swap3A_1814 = arith.index_cast %add3A_1809 : i32 to index
          %swap3A_1815 = tpu.vector_load %arg8[%swap3A_1814] masked %lt3A_1614 {strides = array<i32>} : memref<784xi32, #tpu.memory_space<vmem>>, vector<16xi32>, vector<16xi1>
          tpu.vector_store %arg8[%swap3A_1814], %add3A_1813 masked %lt3A_1614 {strides = array<i32>} : memref<784xi32, #tpu.memory_space<vmem>>, vector<16xi32>, vector<16xi1>
          %all_reduce_population_count3A_1816 = tpu.all_reduce %lt3A_1614 {dim = 0 : i64, kind = #tpu.reduction_kind<sum>} : vector<16xi1> -> vector<16xi32>
          %slice3A_1817 = vector.extract_strided_slice %all_reduce_population_count3A_1816 {offsets = [0], sizes = [1], strides = [1]} : vector<16xi32> to vector<1xi32>
          %squeeze3A_1818 = vector.extract %slice3A_1817[0] : i32 from vector<1xi32>
          %add3A_1819 = arith.addi %add3A_1809, %squeeze3A_1818 : i32
          %add3A_1820 = arith.constant 176 : i32
          %add3A_1821 = arith.addi %mul3A_1402, %add3A_1820 : i32
          %add3A_1822 = vector.broadcast %add3A_1821 : i32 to vector<16xi32>
          %add3A_1823 = arith.addi %add3A_1822, %iota3A : vector<16xi32>
          %swap3A_1824 = arith.index_cast %add3A_1819 : i32 to index
          %swap3A_1825 = tpu.vector_load %arg8[%swap3A_1824] masked %lt3A_1633 {strides = array<i32>} : memref<784xi32, #tpu.memory_space<vmem>>, vector<16xi32>, vector<16xi1>
          tpu.vector_store %arg8[%swap3A_1824], %add3A_1823 masked %lt3A_1633 {strides = array<i32>} : memref<784xi32, #tpu.memory_space<vmem>>, vector<16xi32>, vector<16xi1>
          %all_reduce_population_count3A_1826 = tpu.all_reduce %lt3A_1633 {dim = 0 : i64, kind = #tpu.reduction_kind<sum>} : vector<16xi1> -> vector<16xi32>
          %slice3A_1827 = vector.extract_strided_slice %all_reduce_population_count3A_1826 {offsets = [0], sizes = [1], strides = [1]} : vector<16xi32> to vector<1xi32>
          %squeeze3A_1828 = vector.extract %slice3A_1827[0] : i32 from vector<1xi32>
          %add3A_1829 = arith.addi %add3A_1819, %squeeze3A_1828 : i32
          %add3A_1830 = arith.constant 192 : i32
          %add3A_1831 = arith.addi %mul3A_1402, %add3A_1830 : i32
          %add3A_1832 = vector.broadcast %add3A_1831 : i32 to vector<16xi32>
          %add3A_1833 = arith.addi %add3A_1832, %iota3A : vector<16xi32>
          %swap3A_1834 = arith.index_cast %add3A_1829 : i32 to index
          %swap3A_1835 = tpu.vector_load %arg8[%swap3A_1834] masked %lt3A_1652 {strides = array<i32>} : memref<784xi32, #tpu.memory_space<vmem>>, vector<16xi32>, vector<16xi1>
          tpu.vector_store %arg8[%swap3A_1834], %add3A_1833 masked %lt3A_1652 {strides = array<i32>} : memref<784xi32, #tpu.memory_space<vmem>>, vector<16xi32>, vector<16xi1>
          %all_reduce_population_count3A_1836 = tpu.all_reduce %lt3A_1652 {dim = 0 : i64, kind = #tpu.reduction_kind<sum>} : vector<16xi1> -> vector<16xi32>
          %slice3A_1837 = vector.extract_strided_slice %all_reduce_population_count3A_1836 {offsets = [0], sizes = [1], strides = [1]} : vector<16xi32> to vector<1xi32>
          %squeeze3A_1838 = vector.extract %slice3A_1837[0] : i32 from vector<1xi32>
          %add3A_1839 = arith.addi %add3A_1829, %squeeze3A_1838 : i32
          %add3A_1840 = arith.constant 208 : i32
          %add3A_1841 = arith.addi %mul3A_1402, %add3A_1840 : i32
          %add3A_1842 = vector.broadcast %add3A_1841 : i32 to vector<16xi32>
          %add3A_1843 = arith.addi %add3A_1842, %iota3A : vector<16xi32>
          %swap3A_1844 = arith.index_cast %add3A_1839 : i32 to index
          %swap3A_1845 = tpu.vector_load %arg8[%swap3A_1844] masked %lt3A_1671 {strides = array<i32>} : memref<784xi32, #tpu.memory_space<vmem>>, vector<16xi32>, vector<16xi1>
          tpu.vector_store %arg8[%swap3A_1844], %add3A_1843 masked %lt3A_1671 {strides = array<i32>} : memref<784xi32, #tpu.memory_space<vmem>>, vector<16xi32>, vector<16xi1>
          %all_reduce_population_count3A_1846 = tpu.all_reduce %lt3A_1671 {dim = 0 : i64, kind = #tpu.reduction_kind<sum>} : vector<16xi1> -> vector<16xi32>
          %slice3A_1847 = vector.extract_strided_slice %all_reduce_population_count3A_1846 {offsets = [0], sizes = [1], strides = [1]} : vector<16xi32> to vector<1xi32>
          %squeeze3A_1848 = vector.extract %slice3A_1847[0] : i32 from vector<1xi32>
          %add3A_1849 = arith.addi %add3A_1839, %squeeze3A_1848 : i32
          %add3A_1850 = arith.constant 224 : i32
          %add3A_1851 = arith.addi %mul3A_1402, %add3A_1850 : i32
          %add3A_1852 = vector.broadcast %add3A_1851 : i32 to vector<16xi32>
          %add3A_1853 = arith.addi %add3A_1852, %iota3A : vector<16xi32>
          %swap3A_1854 = arith.index_cast %add3A_1849 : i32 to index
          %swap3A_1855 = tpu.vector_load %arg8[%swap3A_1854] masked %lt3A_1690 {strides = array<i32>} : memref<784xi32, #tpu.memory_space<vmem>>, vector<16xi32>, vector<16xi1>
          tpu.vector_store %arg8[%swap3A_1854], %add3A_1853 masked %lt3A_1690 {strides = array<i32>} : memref<784xi32, #tpu.memory_space<vmem>>, vector<16xi32>, vector<16xi1>
          %all_reduce_population_count3A_1856 = tpu.all_reduce %lt3A_1690 {dim = 0 : i64, kind = #tpu.reduction_kind<sum>} : vector<16xi1> -> vector<16xi32>
          %slice3A_1857 = vector.extract_strided_slice %all_reduce_population_count3A_1856 {offsets = [0], sizes = [1], strides = [1]} : vector<16xi32> to vector<1xi32>
          %squeeze3A_1858 = vector.extract %slice3A_1857[0] : i32 from vector<1xi32>
          %add3A_1859 = arith.addi %add3A_1849, %squeeze3A_1858 : i32
          %add3A_1860 = arith.constant 240 : i32
          %add3A_1861 = arith.addi %mul3A_1402, %add3A_1860 : i32
          %add3A_1862 = vector.broadcast %add3A_1861 : i32 to vector<16xi32>
          %add3A_1863 = arith.addi %add3A_1862, %iota3A : vector<16xi32>
          %swap3A_1864 = arith.index_cast %add3A_1859 : i32 to index
          %swap3A_1865 = tpu.vector_load %arg8[%swap3A_1864] masked %lt3A_1709 {strides = array<i32>} : memref<784xi32, #tpu.memory_space<vmem>>, vector<16xi32>, vector<16xi1>
          tpu.vector_store %arg8[%swap3A_1864], %add3A_1863 masked %lt3A_1709 {strides = array<i32>} : memref<784xi32, #tpu.memory_space<vmem>>, vector<16xi32>, vector<16xi1>
          %all_reduce_population_count3A_1866 = tpu.all_reduce %lt3A_1709 {dim = 0 : i64, kind = #tpu.reduction_kind<sum>} : vector<16xi1> -> vector<16xi32>
          %slice3A_1867 = vector.extract_strided_slice %all_reduce_population_count3A_1866 {offsets = [0], sizes = [1], strides = [1]} : vector<16xi32> to vector<1xi32>
          %squeeze3A_1868 = vector.extract %slice3A_1867[0] : i32 from vector<1xi32>
          %add3A_1869 = arith.addi %add3A_1859, %squeeze3A_1868 : i32
          %swap3A_1870 = arith.constant 0 : i32
          %swap3A_1871 = arith.index_cast %swap3A_1870 : i32 to index
          %swap3A_1872 = memref.load %arg11[%swap3A_1871] : memref<1xi32, #tpu.memory_space<smem>>
          memref.store %add3A_1869, %arg11[%swap3A_1871] : memref<1xi32, #tpu.memory_space<smem>>
        } else {
        }
        %scan3A_1400 = arith.constant 0 : i32
        scf.yield %scan3A_1400 : i32
      }
      %scan3A_1335 = arith.constant 3 : i32
      %get3A_1336 = arith.constant 0 : i32
      %get3A_1337 = arith.index_cast %get3A_1336 : i32 to index
      %get3A_1338 = memref.load %arg11[%get3A_1337] : memref<1xi32, #tpu.memory_space<smem>>
      %lt3A_1339 = arith.constant 32 : i32
      %lt3A_1340 = arith.cmpi slt, %get3A_1338, %lt3A_1339 : i32
      %convert_element_type3A = arith.extui %lt3A_1340 : i1 to i32
      %cond3A = arith.constant 0 : i32
      %cond3A_1341 = arith.cmpi ne, %convert_element_type3A, %cond3A : i32
      scf.if %cond3A_1341 {
        %scan3A_1390 = arith.constant 0 : i32
        %scan3A_1391 = arith.constant 6 : i32
        %scan3A_1392 = arith.constant 10 : i32
        %scan3A_1393 = arith.addi %scan3A_1391, %scan3A_1392 : i32
        %scan3A_1394 = arith.constant 1 : i32
        %scan3A_1395 = scf.for %scan3A_1397 = %scan3A_1391 to %scan3A_1393 step %scan3A_1394 iter_args(%scan3A_1398 = %scan3A_1390) -> (i32)  : i32 {
          %get3A_1399 = arith.constant 0 : i32
          %get3A_1400 = arith.index_cast %get3A_1399 : i32 to index
          %get3A_1401 = memref.load %arg11[%get3A_1400] : memref<1xi32, #tpu.memory_space<smem>>
          %lt3A_1402 = arith.constant 32 : i32
          %lt3A_1403 = arith.cmpi slt, %get3A_1401, %lt3A_1402 : i32
          %convert_element_type3A_1404 = arith.extui %lt3A_1403 : i1 to i32
          %cond3A_1405 = arith.constant 0 : i32
          %cond3A_1406 = arith.cmpi ne, %convert_element_type3A_1404, %cond3A_1405 : i32
          scf.if %cond3A_1406 {
            %mul3A_1408 = arith.constant 256 : i32
            %mul3A_1409 = arith.muli %scan3A_1397, %mul3A_1408 : i32
            %get3A_1410 = arith.constant 0 : i32
            %get3A_1411 = arith.index_cast %get3A_1410 : i32 to index
            %get3A_1412 = memref.load %arg11[%get3A_1411] : memref<1xi32, #tpu.memory_space<smem>>
            %add3A_1413 = arith.constant 0 : i32
            %add3A_1414 = arith.addi %mul3A_1409, %add3A_1413 : i32
            %get3A_1415 = arith.index_cast %add3A_1414 : i32 to index
            %get3A_1416 = tpu.vector_load %arg5[%get3A_1415] {strides = array<i32>} : memref<4112xf32, #tpu.memory_space<vmem>>, vector<16xf32>,
            %get3A_1417 = arith.index_cast %add3A_1414 : i32 to index
            %get3A_1418 = tpu.vector_load %arg6[%get3A_1417] {strides = array<i32>} : memref<4112xf32, #tpu.memory_space<vmem>>, vector<16xf32>,
            %get3A_1419 = arith.index_cast %add3A_1414 : i32 to index
            %get3A_1420 = tpu.vector_load %arg7[%get3A_1419] {strides = array<i32>} : memref<4112xf32, #tpu.memory_space<vmem>>, vector<16xf32>,
            %sub3A_1421 = arith.subf %get3A_1416, %broadcast_in_dim3A : vector<16xf32>
            %sub3A_1422 = arith.subf %get3A_1418, %broadcast_in_dim3A_73 : vector<16xf32>
            %sub3A_1423 = arith.subf %get3A_1420, %broadcast_in_dim3A_78 : vector<16xf32>
            %mul3A_1424 = arith.mulf %sub3A_1421, %sub3A_1421 : vector<16xf32>
            %mul3A_1425 = arith.mulf %sub3A_1422, %sub3A_1422 : vector<16xf32>
            %add3A_1426 = arith.addf %mul3A_1424, %mul3A_1425 : vector<16xf32>
            %mul3A_1427 = arith.mulf %sub3A_1423, %sub3A_1423 : vector<16xf32>
            %add3A_1428 = arith.addf %add3A_1426, %mul3A_1427 : vector<16xf32>
            %lt3A_1429 = arith.constant 4.000000e-02 : f32
            %lt3A_1430 = vector.broadcast %lt3A_1429 : f32 to vector<16xf32>
            %lt3A_1431 = arith.cmpf olt, %add3A_1428, %lt3A_1430 : vector<16xf32>
            %add3A_1432 = arith.constant 16 : i32
            %add3A_1433 = arith.addi %mul3A_1409, %add3A_1432 : i32
            %get3A_1434 = arith.index_cast %add3A_1433 : i32 to index
            %get3A_1435 = tpu.vector_load %arg5[%get3A_1434] {strides = array<i32>} : memref<4112xf32, #tpu.memory_space<vmem>>, vector<16xf32>,
            %get3A_1436 = arith.index_cast %add3A_1433 : i32 to index
            %get3A_1437 = tpu.vector_load %arg6[%get3A_1436] {strides = array<i32>} : memref<4112xf32, #tpu.memory_space<vmem>>, vector<16xf32>,
            %get3A_1438 = arith.index_cast %add3A_1433 : i32 to index
            %get3A_1439 = tpu.vector_load %arg7[%get3A_1438] {strides = array<i32>} : memref<4112xf32, #tpu.memory_space<vmem>>, vector<16xf32>,
            %sub3A_1440 = arith.subf %get3A_1435, %broadcast_in_dim3A : vector<16xf32>
            %sub3A_1441 = arith.subf %get3A_1437, %broadcast_in_dim3A_73 : vector<16xf32>
            %sub3A_1442 = arith.subf %get3A_1439, %broadcast_in_dim3A_78 : vector<16xf32>
            %mul3A_1443 = arith.mulf %sub3A_1440, %sub3A_1440 : vector<16xf32>
            %mul3A_1444 = arith.mulf %sub3A_1441, %sub3A_1441 : vector<16xf32>
            %add3A_1445 = arith.addf %mul3A_1443, %mul3A_1444 : vector<16xf32>
            %mul3A_1446 = arith.mulf %sub3A_1442, %sub3A_1442 : vector<16xf32>
            %add3A_1447 = arith.addf %add3A_1445, %mul3A_1446 : vector<16xf32>
            %lt3A_1448 = arith.constant 4.000000e-02 : f32
            %lt3A_1449 = vector.broadcast %lt3A_1448 : f32 to vector<16xf32>
            %lt3A_1450 = arith.cmpf olt, %add3A_1447, %lt3A_1449 : vector<16xf32>
            %add3A_1451 = arith.constant 32 : i32
            %add3A_1452 = arith.addi %mul3A_1409, %add3A_1451 : i32
            %get3A_1453 = arith.index_cast %add3A_1452 : i32 to index
            %get3A_1454 = tpu.vector_load %arg5[%get3A_1453] {strides = array<i32>} : memref<4112xf32, #tpu.memory_space<vmem>>, vector<16xf32>,
            %get3A_1455 = arith.index_cast %add3A_1452 : i32 to index
            %get3A_1456 = tpu.vector_load %arg6[%get3A_1455] {strides = array<i32>} : memref<4112xf32, #tpu.memory_space<vmem>>, vector<16xf32>,
            %get3A_1457 = arith.index_cast %add3A_1452 : i32 to index
            %get3A_1458 = tpu.vector_load %arg7[%get3A_1457] {strides = array<i32>} : memref<4112xf32, #tpu.memory_space<vmem>>, vector<16xf32>,
            %sub3A_1459 = arith.subf %get3A_1454, %broadcast_in_dim3A : vector<16xf32>
            %sub3A_1460 = arith.subf %get3A_1456, %broadcast_in_dim3A_73 : vector<16xf32>
            %sub3A_1461 = arith.subf %get3A_1458, %broadcast_in_dim3A_78 : vector<16xf32>
            %mul3A_1462 = arith.mulf %sub3A_1459, %sub3A_1459 : vector<16xf32>
            %mul3A_1463 = arith.mulf %sub3A_1460, %sub3A_1460 : vector<16xf32>
            %add3A_1464 = arith.addf %mul3A_1462, %mul3A_1463 : vector<16xf32>
            %mul3A_1465 = arith.mulf %sub3A_1461, %sub3A_1461 : vector<16xf32>
            %add3A_1466 = arith.addf %add3A_1464, %mul3A_1465 : vector<16xf32>
            %lt3A_1467 = arith.constant 4.000000e-02 : f32
            %lt3A_1468 = vector.broadcast %lt3A_1467 : f32 to vector<16xf32>
            %lt3A_1469 = arith.cmpf olt, %add3A_1466, %lt3A_1468 : vector<16xf32>
            %add3A_1470 = arith.constant 48 : i32
            %add3A_1471 = arith.addi %mul3A_1409, %add3A_1470 : i32
            %get3A_1472 = arith.index_cast %add3A_1471 : i32 to index
            %get3A_1473 = tpu.vector_load %arg5[%get3A_1472] {strides = array<i32>} : memref<4112xf32, #tpu.memory_space<vmem>>, vector<16xf32>,
            %get3A_1474 = arith.index_cast %add3A_1471 : i32 to index
            %get3A_1475 = tpu.vector_load %arg6[%get3A_1474] {strides = array<i32>} : memref<4112xf32, #tpu.memory_space<vmem>>, vector<16xf32>,
            %get3A_1476 = arith.index_cast %add3A_1471 : i32 to index
            %get3A_1477 = tpu.vector_load %arg7[%get3A_1476] {strides = array<i32>} : memref<4112xf32, #tpu.memory_space<vmem>>, vector<16xf32>,
            %sub3A_1478 = arith.subf %get3A_1473, %broadcast_in_dim3A : vector<16xf32>
            %sub3A_1479 = arith.subf %get3A_1475, %broadcast_in_dim3A_73 : vector<16xf32>
            %sub3A_1480 = arith.subf %get3A_1477, %broadcast_in_dim3A_78 : vector<16xf32>
            %mul3A_1481 = arith.mulf %sub3A_1478, %sub3A_1478 : vector<16xf32>
            %mul3A_1482 = arith.mulf %sub3A_1479, %sub3A_1479 : vector<16xf32>
            %add3A_1483 = arith.addf %mul3A_1481, %mul3A_1482 : vector<16xf32>
            %mul3A_1484 = arith.mulf %sub3A_1480, %sub3A_1480 : vector<16xf32>
            %add3A_1485 = arith.addf %add3A_1483, %mul3A_1484 : vector<16xf32>
            %lt3A_1486 = arith.constant 4.000000e-02 : f32
            %lt3A_1487 = vector.broadcast %lt3A_1486 : f32 to vector<16xf32>
            %lt3A_1488 = arith.cmpf olt, %add3A_1485, %lt3A_1487 : vector<16xf32>
            %add3A_1489 = arith.constant 64 : i32
            %add3A_1490 = arith.addi %mul3A_1409, %add3A_1489 : i32
            %get3A_1491 = arith.index_cast %add3A_1490 : i32 to index
            %get3A_1492 = tpu.vector_load %arg5[%get3A_1491] {strides = array<i32>} : memref<4112xf32, #tpu.memory_space<vmem>>, vector<16xf32>,
            %get3A_1493 = arith.index_cast %add3A_1490 : i32 to index
            %get3A_1494 = tpu.vector_load %arg6[%get3A_1493] {strides = array<i32>} : memref<4112xf32, #tpu.memory_space<vmem>>, vector<16xf32>,
            %get3A_1495 = arith.index_cast %add3A_1490 : i32 to index
            %get3A_1496 = tpu.vector_load %arg7[%get3A_1495] {strides = array<i32>} : memref<4112xf32, #tpu.memory_space<vmem>>, vector<16xf32>,
            %sub3A_1497 = arith.subf %get3A_1492, %broadcast_in_dim3A : vector<16xf32>
            %sub3A_1498 = arith.subf %get3A_1494, %broadcast_in_dim3A_73 : vector<16xf32>
            %sub3A_1499 = arith.subf %get3A_1496, %broadcast_in_dim3A_78 : vector<16xf32>
            %mul3A_1500 = arith.mulf %sub3A_1497, %sub3A_1497 : vector<16xf32>
            %mul3A_1501 = arith.mulf %sub3A_1498, %sub3A_1498 : vector<16xf32>
            %add3A_1502 = arith.addf %mul3A_1500, %mul3A_1501 : vector<16xf32>
            %mul3A_1503 = arith.mulf %sub3A_1499, %sub3A_1499 : vector<16xf32>
            %add3A_1504 = arith.addf %add3A_1502, %mul3A_1503 : vector<16xf32>
            %lt3A_1505 = arith.constant 4.000000e-02 : f32
            %lt3A_1506 = vector.broadcast %lt3A_1505 : f32 to vector<16xf32>
            %lt3A_1507 = arith.cmpf olt, %add3A_1504, %lt3A_1506 : vector<16xf32>
            %add3A_1508 = arith.constant 80 : i32
            %add3A_1509 = arith.addi %mul3A_1409, %add3A_1508 : i32
            %get3A_1510 = arith.index_cast %add3A_1509 : i32 to index
            %get3A_1511 = tpu.vector_load %arg5[%get3A_1510] {strides = array<i32>} : memref<4112xf32, #tpu.memory_space<vmem>>, vector<16xf32>,
            %get3A_1512 = arith.index_cast %add3A_1509 : i32 to index
            %get3A_1513 = tpu.vector_load %arg6[%get3A_1512] {strides = array<i32>} : memref<4112xf32, #tpu.memory_space<vmem>>, vector<16xf32>,
            %get3A_1514 = arith.index_cast %add3A_1509 : i32 to index
            %get3A_1515 = tpu.vector_load %arg7[%get3A_1514] {strides = array<i32>} : memref<4112xf32, #tpu.memory_space<vmem>>, vector<16xf32>,
            %sub3A_1516 = arith.subf %get3A_1511, %broadcast_in_dim3A : vector<16xf32>
            %sub3A_1517 = arith.subf %get3A_1513, %broadcast_in_dim3A_73 : vector<16xf32>
            %sub3A_1518 = arith.subf %get3A_1515, %broadcast_in_dim3A_78 : vector<16xf32>
            %mul3A_1519 = arith.mulf %sub3A_1516, %sub3A_1516 : vector<16xf32>
            %mul3A_1520 = arith.mulf %sub3A_1517, %sub3A_1517 : vector<16xf32>
            %add3A_1521 = arith.addf %mul3A_1519, %mul3A_1520 : vector<16xf32>
            %mul3A_1522 = arith.mulf %sub3A_1518, %sub3A_1518 : vector<16xf32>
            %add3A_1523 = arith.addf %add3A_1521, %mul3A_1522 : vector<16xf32>
            %lt3A_1524 = arith.constant 4.000000e-02 : f32
            %lt3A_1525 = vector.broadcast %lt3A_1524 : f32 to vector<16xf32>
            %lt3A_1526 = arith.cmpf olt, %add3A_1523, %lt3A_1525 : vector<16xf32>
            %add3A_1527 = arith.constant 96 : i32
            %add3A_1528 = arith.addi %mul3A_1409, %add3A_1527 : i32
            %get3A_1529 = arith.index_cast %add3A_1528 : i32 to index
            %get3A_1530 = tpu.vector_load %arg5[%get3A_1529] {strides = array<i32>} : memref<4112xf32, #tpu.memory_space<vmem>>, vector<16xf32>,
            %get3A_1531 = arith.index_cast %add3A_1528 : i32 to index
            %get3A_1532 = tpu.vector_load %arg6[%get3A_1531] {strides = array<i32>} : memref<4112xf32, #tpu.memory_space<vmem>>, vector<16xf32>,
            %get3A_1533 = arith.index_cast %add3A_1528 : i32 to index
            %get3A_1534 = tpu.vector_load %arg7[%get3A_1533] {strides = array<i32>} : memref<4112xf32, #tpu.memory_space<vmem>>, vector<16xf32>,
            %sub3A_1535 = arith.subf %get3A_1530, %broadcast_in_dim3A : vector<16xf32>
            %sub3A_1536 = arith.subf %get3A_1532, %broadcast_in_dim3A_73 : vector<16xf32>
            %sub3A_1537 = arith.subf %get3A_1534, %broadcast_in_dim3A_78 : vector<16xf32>
            %mul3A_1538 = arith.mulf %sub3A_1535, %sub3A_1535 : vector<16xf32>
            %mul3A_1539 = arith.mulf %sub3A_1536, %sub3A_1536 : vector<16xf32>
            %add3A_1540 = arith.addf %mul3A_1538, %mul3A_1539 : vector<16xf32>
            %mul3A_1541 = arith.mulf %sub3A_1537, %sub3A_1537 : vector<16xf32>
            %add3A_1542 = arith.addf %add3A_1540, %mul3A_1541 : vector<16xf32>
            %lt3A_1543 = arith.constant 4.000000e-02 : f32
            %lt3A_1544 = vector.broadcast %lt3A_1543 : f32 to vector<16xf32>
            %lt3A_1545 = arith.cmpf olt, %add3A_1542, %lt3A_1544 : vector<16xf32>
            %add3A_1546 = arith.constant 112 : i32
            %add3A_1547 = arith.addi %mul3A_1409, %add3A_1546 : i32
            %get3A_1548 = arith.index_cast %add3A_1547 : i32 to index
            %get3A_1549 = tpu.vector_load %arg5[%get3A_1548] {strides = array<i32>} : memref<4112xf32, #tpu.memory_space<vmem>>, vector<16xf32>,
            %get3A_1550 = arith.index_cast %add3A_1547 : i32 to index
            %get3A_1551 = tpu.vector_load %arg6[%get3A_1550] {strides = array<i32>} : memref<4112xf32, #tpu.memory_space<vmem>>, vector<16xf32>,
            %get3A_1552 = arith.index_cast %add3A_1547 : i32 to index
            %get3A_1553 = tpu.vector_load %arg7[%get3A_1552] {strides = array<i32>} : memref<4112xf32, #tpu.memory_space<vmem>>, vector<16xf32>,
            %sub3A_1554 = arith.subf %get3A_1549, %broadcast_in_dim3A : vector<16xf32>
            %sub3A_1555 = arith.subf %get3A_1551, %broadcast_in_dim3A_73 : vector<16xf32>
            %sub3A_1556 = arith.subf %get3A_1553, %broadcast_in_dim3A_78 : vector<16xf32>
            %mul3A_1557 = arith.mulf %sub3A_1554, %sub3A_1554 : vector<16xf32>
            %mul3A_1558 = arith.mulf %sub3A_1555, %sub3A_1555 : vector<16xf32>
            %add3A_1559 = arith.addf %mul3A_1557, %mul3A_1558 : vector<16xf32>
            %mul3A_1560 = arith.mulf %sub3A_1556, %sub3A_1556 : vector<16xf32>
            %add3A_1561 = arith.addf %add3A_1559, %mul3A_1560 : vector<16xf32>
            %lt3A_1562 = arith.constant 4.000000e-02 : f32
            %lt3A_1563 = vector.broadcast %lt3A_1562 : f32 to vector<16xf32>
            %lt3A_1564 = arith.cmpf olt, %add3A_1561, %lt3A_1563 : vector<16xf32>
            %add3A_1565 = arith.constant 128 : i32
            %add3A_1566 = arith.addi %mul3A_1409, %add3A_1565 : i32
            %get3A_1567 = arith.index_cast %add3A_1566 : i32 to index
            %get3A_1568 = tpu.vector_load %arg5[%get3A_1567] {strides = array<i32>} : memref<4112xf32, #tpu.memory_space<vmem>>, vector<16xf32>,
            %get3A_1569 = arith.index_cast %add3A_1566 : i32 to index
            %get3A_1570 = tpu.vector_load %arg6[%get3A_1569] {strides = array<i32>} : memref<4112xf32, #tpu.memory_space<vmem>>, vector<16xf32>,
            %get3A_1571 = arith.index_cast %add3A_1566 : i32 to index
            %get3A_1572 = tpu.vector_load %arg7[%get3A_1571] {strides = array<i32>} : memref<4112xf32, #tpu.memory_space<vmem>>, vector<16xf32>,
            %sub3A_1573 = arith.subf %get3A_1568, %broadcast_in_dim3A : vector<16xf32>
            %sub3A_1574 = arith.subf %get3A_1570, %broadcast_in_dim3A_73 : vector<16xf32>
            %sub3A_1575 = arith.subf %get3A_1572, %broadcast_in_dim3A_78 : vector<16xf32>
            %mul3A_1576 = arith.mulf %sub3A_1573, %sub3A_1573 : vector<16xf32>
            %mul3A_1577 = arith.mulf %sub3A_1574, %sub3A_1574 : vector<16xf32>
            %add3A_1578 = arith.addf %mul3A_1576, %mul3A_1577 : vector<16xf32>
            %mul3A_1579 = arith.mulf %sub3A_1575, %sub3A_1575 : vector<16xf32>
            %add3A_1580 = arith.addf %add3A_1578, %mul3A_1579 : vector<16xf32>
            %lt3A_1581 = arith.constant 4.000000e-02 : f32
            %lt3A_1582 = vector.broadcast %lt3A_1581 : f32 to vector<16xf32>
            %lt3A_1583 = arith.cmpf olt, %add3A_1580, %lt3A_1582 : vector<16xf32>
            %add3A_1584 = arith.constant 144 : i32
            %add3A_1585 = arith.addi %mul3A_1409, %add3A_1584 : i32
            %get3A_1586 = arith.index_cast %add3A_1585 : i32 to index
            %get3A_1587 = tpu.vector_load %arg5[%get3A_1586] {strides = array<i32>} : memref<4112xf32, #tpu.memory_space<vmem>>, vector<16xf32>,
            %get3A_1588 = arith.index_cast %add3A_1585 : i32 to index
            %get3A_1589 = tpu.vector_load %arg6[%get3A_1588] {strides = array<i32>} : memref<4112xf32, #tpu.memory_space<vmem>>, vector<16xf32>,
            %get3A_1590 = arith.index_cast %add3A_1585 : i32 to index
            %get3A_1591 = tpu.vector_load %arg7[%get3A_1590] {strides = array<i32>} : memref<4112xf32, #tpu.memory_space<vmem>>, vector<16xf32>,
            %sub3A_1592 = arith.subf %get3A_1587, %broadcast_in_dim3A : vector<16xf32>
            %sub3A_1593 = arith.subf %get3A_1589, %broadcast_in_dim3A_73 : vector<16xf32>
            %sub3A_1594 = arith.subf %get3A_1591, %broadcast_in_dim3A_78 : vector<16xf32>
            %mul3A_1595 = arith.mulf %sub3A_1592, %sub3A_1592 : vector<16xf32>
            %mul3A_1596 = arith.mulf %sub3A_1593, %sub3A_1593 : vector<16xf32>
            %add3A_1597 = arith.addf %mul3A_1595, %mul3A_1596 : vector<16xf32>
            %mul3A_1598 = arith.mulf %sub3A_1594, %sub3A_1594 : vector<16xf32>
            %add3A_1599 = arith.addf %add3A_1597, %mul3A_1598 : vector<16xf32>
            %lt3A_1600 = arith.constant 4.000000e-02 : f32
            %lt3A_1601 = vector.broadcast %lt3A_1600 : f32 to vector<16xf32>
            %lt3A_1602 = arith.cmpf olt, %add3A_1599, %lt3A_1601 : vector<16xf32>
            %add3A_1603 = arith.constant 160 : i32
            %add3A_1604 = arith.addi %mul3A_1409, %add3A_1603 : i32
            %get3A_1605 = arith.index_cast %add3A_1604 : i32 to index
            %get3A_1606 = tpu.vector_load %arg5[%get3A_1605] {strides = array<i32>} : memref<4112xf32, #tpu.memory_space<vmem>>, vector<16xf32>,
            %get3A_1607 = arith.index_cast %add3A_1604 : i32 to index
            %get3A_1608 = tpu.vector_load %arg6[%get3A_1607] {strides = array<i32>} : memref<4112xf32, #tpu.memory_space<vmem>>, vector<16xf32>,
            %get3A_1609 = arith.index_cast %add3A_1604 : i32 to index
            %get3A_1610 = tpu.vector_load %arg7[%get3A_1609] {strides = array<i32>} : memref<4112xf32, #tpu.memory_space<vmem>>, vector<16xf32>,
            %sub3A_1611 = arith.subf %get3A_1606, %broadcast_in_dim3A : vector<16xf32>
            %sub3A_1612 = arith.subf %get3A_1608, %broadcast_in_dim3A_73 : vector<16xf32>
            %sub3A_1613 = arith.subf %get3A_1610, %broadcast_in_dim3A_78 : vector<16xf32>
            %mul3A_1614 = arith.mulf %sub3A_1611, %sub3A_1611 : vector<16xf32>
            %mul3A_1615 = arith.mulf %sub3A_1612, %sub3A_1612 : vector<16xf32>
            %add3A_1616 = arith.addf %mul3A_1614, %mul3A_1615 : vector<16xf32>
            %mul3A_1617 = arith.mulf %sub3A_1613, %sub3A_1613 : vector<16xf32>
            %add3A_1618 = arith.addf %add3A_1616, %mul3A_1617 : vector<16xf32>
            %lt3A_1619 = arith.constant 4.000000e-02 : f32
            %lt3A_1620 = vector.broadcast %lt3A_1619 : f32 to vector<16xf32>
            %lt3A_1621 = arith.cmpf olt, %add3A_1618, %lt3A_1620 : vector<16xf32>
            %add3A_1622 = arith.constant 176 : i32
            %add3A_1623 = arith.addi %mul3A_1409, %add3A_1622 : i32
            %get3A_1624 = arith.index_cast %add3A_1623 : i32 to index
            %get3A_1625 = tpu.vector_load %arg5[%get3A_1624] {strides = array<i32>} : memref<4112xf32, #tpu.memory_space<vmem>>, vector<16xf32>,
            %get3A_1626 = arith.index_cast %add3A_1623 : i32 to index
            %get3A_1627 = tpu.vector_load %arg6[%get3A_1626] {strides = array<i32>} : memref<4112xf32, #tpu.memory_space<vmem>>, vector<16xf32>,
            %get3A_1628 = arith.index_cast %add3A_1623 : i32 to index
            %get3A_1629 = tpu.vector_load %arg7[%get3A_1628] {strides = array<i32>} : memref<4112xf32, #tpu.memory_space<vmem>>, vector<16xf32>,
            %sub3A_1630 = arith.subf %get3A_1625, %broadcast_in_dim3A : vector<16xf32>
            %sub3A_1631 = arith.subf %get3A_1627, %broadcast_in_dim3A_73 : vector<16xf32>
            %sub3A_1632 = arith.subf %get3A_1629, %broadcast_in_dim3A_78 : vector<16xf32>
            %mul3A_1633 = arith.mulf %sub3A_1630, %sub3A_1630 : vector<16xf32>
            %mul3A_1634 = arith.mulf %sub3A_1631, %sub3A_1631 : vector<16xf32>
            %add3A_1635 = arith.addf %mul3A_1633, %mul3A_1634 : vector<16xf32>
            %mul3A_1636 = arith.mulf %sub3A_1632, %sub3A_1632 : vector<16xf32>
            %add3A_1637 = arith.addf %add3A_1635, %mul3A_1636 : vector<16xf32>
            %lt3A_1638 = arith.constant 4.000000e-02 : f32
            %lt3A_1639 = vector.broadcast %lt3A_1638 : f32 to vector<16xf32>
            %lt3A_1640 = arith.cmpf olt, %add3A_1637, %lt3A_1639 : vector<16xf32>
            %add3A_1641 = arith.constant 192 : i32
            %add3A_1642 = arith.addi %mul3A_1409, %add3A_1641 : i32
            %get3A_1643 = arith.index_cast %add3A_1642 : i32 to index
            %get3A_1644 = tpu.vector_load %arg5[%get3A_1643] {strides = array<i32>} : memref<4112xf32, #tpu.memory_space<vmem>>, vector<16xf32>,
            %get3A_1645 = arith.index_cast %add3A_1642 : i32 to index
            %get3A_1646 = tpu.vector_load %arg6[%get3A_1645] {strides = array<i32>} : memref<4112xf32, #tpu.memory_space<vmem>>, vector<16xf32>,
            %get3A_1647 = arith.index_cast %add3A_1642 : i32 to index
            %get3A_1648 = tpu.vector_load %arg7[%get3A_1647] {strides = array<i32>} : memref<4112xf32, #tpu.memory_space<vmem>>, vector<16xf32>,
            %sub3A_1649 = arith.subf %get3A_1644, %broadcast_in_dim3A : vector<16xf32>
            %sub3A_1650 = arith.subf %get3A_1646, %broadcast_in_dim3A_73 : vector<16xf32>
            %sub3A_1651 = arith.subf %get3A_1648, %broadcast_in_dim3A_78 : vector<16xf32>
            %mul3A_1652 = arith.mulf %sub3A_1649, %sub3A_1649 : vector<16xf32>
            %mul3A_1653 = arith.mulf %sub3A_1650, %sub3A_1650 : vector<16xf32>
            %add3A_1654 = arith.addf %mul3A_1652, %mul3A_1653 : vector<16xf32>
            %mul3A_1655 = arith.mulf %sub3A_1651, %sub3A_1651 : vector<16xf32>
            %add3A_1656 = arith.addf %add3A_1654, %mul3A_1655 : vector<16xf32>
            %lt3A_1657 = arith.constant 4.000000e-02 : f32
            %lt3A_1658 = vector.broadcast %lt3A_1657 : f32 to vector<16xf32>
            %lt3A_1659 = arith.cmpf olt, %add3A_1656, %lt3A_1658 : vector<16xf32>
            %add3A_1660 = arith.constant 208 : i32
            %add3A_1661 = arith.addi %mul3A_1409, %add3A_1660 : i32
            %get3A_1662 = arith.index_cast %add3A_1661 : i32 to index
            %get3A_1663 = tpu.vector_load %arg5[%get3A_1662] {strides = array<i32>} : memref<4112xf32, #tpu.memory_space<vmem>>, vector<16xf32>,
            %get3A_1664 = arith.index_cast %add3A_1661 : i32 to index
            %get3A_1665 = tpu.vector_load %arg6[%get3A_1664] {strides = array<i32>} : memref<4112xf32, #tpu.memory_space<vmem>>, vector<16xf32>,
            %get3A_1666 = arith.index_cast %add3A_1661 : i32 to index
            %get3A_1667 = tpu.vector_load %arg7[%get3A_1666] {strides = array<i32>} : memref<4112xf32, #tpu.memory_space<vmem>>, vector<16xf32>,
            %sub3A_1668 = arith.subf %get3A_1663, %broadcast_in_dim3A : vector<16xf32>
            %sub3A_1669 = arith.subf %get3A_1665, %broadcast_in_dim3A_73 : vector<16xf32>
            %sub3A_1670 = arith.subf %get3A_1667, %broadcast_in_dim3A_78 : vector<16xf32>
            %mul3A_1671 = arith.mulf %sub3A_1668, %sub3A_1668 : vector<16xf32>
            %mul3A_1672 = arith.mulf %sub3A_1669, %sub3A_1669 : vector<16xf32>
            %add3A_1673 = arith.addf %mul3A_1671, %mul3A_1672 : vector<16xf32>
            %mul3A_1674 = arith.mulf %sub3A_1670, %sub3A_1670 : vector<16xf32>
            %add3A_1675 = arith.addf %add3A_1673, %mul3A_1674 : vector<16xf32>
            %lt3A_1676 = arith.constant 4.000000e-02 : f32
            %lt3A_1677 = vector.broadcast %lt3A_1676 : f32 to vector<16xf32>
            %lt3A_1678 = arith.cmpf olt, %add3A_1675, %lt3A_1677 : vector<16xf32>
            %add3A_1679 = arith.constant 224 : i32
            %add3A_1680 = arith.addi %mul3A_1409, %add3A_1679 : i32
            %get3A_1681 = arith.index_cast %add3A_1680 : i32 to index
            %get3A_1682 = tpu.vector_load %arg5[%get3A_1681] {strides = array<i32>} : memref<4112xf32, #tpu.memory_space<vmem>>, vector<16xf32>,
            %get3A_1683 = arith.index_cast %add3A_1680 : i32 to index
            %get3A_1684 = tpu.vector_load %arg6[%get3A_1683] {strides = array<i32>} : memref<4112xf32, #tpu.memory_space<vmem>>, vector<16xf32>,
            %get3A_1685 = arith.index_cast %add3A_1680 : i32 to index
            %get3A_1686 = tpu.vector_load %arg7[%get3A_1685] {strides = array<i32>} : memref<4112xf32, #tpu.memory_space<vmem>>, vector<16xf32>,
            %sub3A_1687 = arith.subf %get3A_1682, %broadcast_in_dim3A : vector<16xf32>
            %sub3A_1688 = arith.subf %get3A_1684, %broadcast_in_dim3A_73 : vector<16xf32>
            %sub3A_1689 = arith.subf %get3A_1686, %broadcast_in_dim3A_78 : vector<16xf32>
            %mul3A_1690 = arith.mulf %sub3A_1687, %sub3A_1687 : vector<16xf32>
            %mul3A_1691 = arith.mulf %sub3A_1688, %sub3A_1688 : vector<16xf32>
            %add3A_1692 = arith.addf %mul3A_1690, %mul3A_1691 : vector<16xf32>
            %mul3A_1693 = arith.mulf %sub3A_1689, %sub3A_1689 : vector<16xf32>
            %add3A_1694 = arith.addf %add3A_1692, %mul3A_1693 : vector<16xf32>
            %lt3A_1695 = arith.constant 4.000000e-02 : f32
            %lt3A_1696 = vector.broadcast %lt3A_1695 : f32 to vector<16xf32>
            %lt3A_1697 = arith.cmpf olt, %add3A_1694, %lt3A_1696 : vector<16xf32>
            %add3A_1698 = arith.constant 240 : i32
            %add3A_1699 = arith.addi %mul3A_1409, %add3A_1698 : i32
            %get3A_1700 = arith.index_cast %add3A_1699 : i32 to index
            %get3A_1701 = tpu.vector_load %arg5[%get3A_1700] {strides = array<i32>} : memref<4112xf32, #tpu.memory_space<vmem>>, vector<16xf32>,
            %get3A_1702 = arith.index_cast %add3A_1699 : i32 to index
            %get3A_1703 = tpu.vector_load %arg6[%get3A_1702] {strides = array<i32>} : memref<4112xf32, #tpu.memory_space<vmem>>, vector<16xf32>,
            %get3A_1704 = arith.index_cast %add3A_1699 : i32 to index
            %get3A_1705 = tpu.vector_load %arg7[%get3A_1704] {strides = array<i32>} : memref<4112xf32, #tpu.memory_space<vmem>>, vector<16xf32>,
            %sub3A_1706 = arith.subf %get3A_1701, %broadcast_in_dim3A : vector<16xf32>
            %sub3A_1707 = arith.subf %get3A_1703, %broadcast_in_dim3A_73 : vector<16xf32>
            %sub3A_1708 = arith.subf %get3A_1705, %broadcast_in_dim3A_78 : vector<16xf32>
            %mul3A_1709 = arith.mulf %sub3A_1706, %sub3A_1706 : vector<16xf32>
            %mul3A_1710 = arith.mulf %sub3A_1707, %sub3A_1707 : vector<16xf32>
            %add3A_1711 = arith.addf %mul3A_1709, %mul3A_1710 : vector<16xf32>
            %mul3A_1712 = arith.mulf %sub3A_1708, %sub3A_1708 : vector<16xf32>
            %add3A_1713 = arith.addf %add3A_1711, %mul3A_1712 : vector<16xf32>
            %lt3A_1714 = arith.constant 4.000000e-02 : f32
            %lt3A_1715 = vector.broadcast %lt3A_1714 : f32 to vector<16xf32>
            %lt3A_1716 = arith.cmpf olt, %add3A_1713, %lt3A_1715 : vector<16xf32>
            %add3A_1717 = arith.constant 0 : i32
            %add3A_1718 = arith.addi %mul3A_1409, %add3A_1717 : i32
            %add3A_1719 = vector.broadcast %add3A_1718 : i32 to vector<16xi32>
            %add3A_1720 = arith.addi %add3A_1719, %iota3A : vector<16xi32>
            %swap3A_1721 = arith.index_cast %get3A_1412 : i32 to index
            %swap3A_1722 = tpu.vector_load %arg8[%swap3A_1721] masked %lt3A_1431 {strides = array<i32>} : memref<784xi32, #tpu.memory_space<vmem>>, vector<16xi32>, vector<16xi1>
            tpu.vector_store %arg8[%swap3A_1721], %add3A_1720 masked %lt3A_1431 {strides = array<i32>} : memref<784xi32, #tpu.memory_space<vmem>>, vector<16xi32>, vector<16xi1>
            %all_reduce_population_count3A_1723 = tpu.all_reduce %lt3A_1431 {dim = 0 : i64, kind = #tpu.reduction_kind<sum>} : vector<16xi1> -> vector<16xi32>
            %slice3A_1724 = vector.extract_strided_slice %all_reduce_population_count3A_1723 {offsets = [0], sizes = [1], strides = [1]} : vector<16xi32> to vector<1xi32>
            %squeeze3A_1725 = vector.extract %slice3A_1724[0] : i32 from vector<1xi32>
            %add3A_1726 = arith.addi %get3A_1412, %squeeze3A_1725 : i32
            %add3A_1727 = arith.constant 16 : i32
            %add3A_1728 = arith.addi %mul3A_1409, %add3A_1727 : i32
            %add3A_1729 = vector.broadcast %add3A_1728 : i32 to vector<16xi32>
            %add3A_1730 = arith.addi %add3A_1729, %iota3A : vector<16xi32>
            %swap3A_1731 = arith.index_cast %add3A_1726 : i32 to index
            %swap3A_1732 = tpu.vector_load %arg8[%swap3A_1731] masked %lt3A_1450 {strides = array<i32>} : memref<784xi32, #tpu.memory_space<vmem>>, vector<16xi32>, vector<16xi1>
            tpu.vector_store %arg8[%swap3A_1731], %add3A_1730 masked %lt3A_1450 {strides = array<i32>} : memref<784xi32, #tpu.memory_space<vmem>>, vector<16xi32>, vector<16xi1>
            %all_reduce_population_count3A_1733 = tpu.all_reduce %lt3A_1450 {dim = 0 : i64, kind = #tpu.reduction_kind<sum>} : vector<16xi1> -> vector<16xi32>
            %slice3A_1734 = vector.extract_strided_slice %all_reduce_population_count3A_1733 {offsets = [0], sizes = [1], strides = [1]} : vector<16xi32> to vector<1xi32>
            %squeeze3A_1735 = vector.extract %slice3A_1734[0] : i32 from vector<1xi32>
            %add3A_1736 = arith.addi %add3A_1726, %squeeze3A_1735 : i32
            %add3A_1737 = arith.constant 32 : i32
            %add3A_1738 = arith.addi %mul3A_1409, %add3A_1737 : i32
            %add3A_1739 = vector.broadcast %add3A_1738 : i32 to vector<16xi32>
            %add3A_1740 = arith.addi %add3A_1739, %iota3A : vector<16xi32>
            %swap3A_1741 = arith.index_cast %add3A_1736 : i32 to index
            %swap3A_1742 = tpu.vector_load %arg8[%swap3A_1741] masked %lt3A_1469 {strides = array<i32>} : memref<784xi32, #tpu.memory_space<vmem>>, vector<16xi32>, vector<16xi1>
            tpu.vector_store %arg8[%swap3A_1741], %add3A_1740 masked %lt3A_1469 {strides = array<i32>} : memref<784xi32, #tpu.memory_space<vmem>>, vector<16xi32>, vector<16xi1>
            %all_reduce_population_count3A_1743 = tpu.all_reduce %lt3A_1469 {dim = 0 : i64, kind = #tpu.reduction_kind<sum>} : vector<16xi1> -> vector<16xi32>
            %slice3A_1744 = vector.extract_strided_slice %all_reduce_population_count3A_1743 {offsets = [0], sizes = [1], strides = [1]} : vector<16xi32> to vector<1xi32>
            %squeeze3A_1745 = vector.extract %slice3A_1744[0] : i32 from vector<1xi32>
            %add3A_1746 = arith.addi %add3A_1736, %squeeze3A_1745 : i32
            %add3A_1747 = arith.constant 48 : i32
            %add3A_1748 = arith.addi %mul3A_1409, %add3A_1747 : i32
            %add3A_1749 = vector.broadcast %add3A_1748 : i32 to vector<16xi32>
            %add3A_1750 = arith.addi %add3A_1749, %iota3A : vector<16xi32>
            %swap3A_1751 = arith.index_cast %add3A_1746 : i32 to index
            %swap3A_1752 = tpu.vector_load %arg8[%swap3A_1751] masked %lt3A_1488 {strides = array<i32>} : memref<784xi32, #tpu.memory_space<vmem>>, vector<16xi32>, vector<16xi1>
            tpu.vector_store %arg8[%swap3A_1751], %add3A_1750 masked %lt3A_1488 {strides = array<i32>} : memref<784xi32, #tpu.memory_space<vmem>>, vector<16xi32>, vector<16xi1>
            %all_reduce_population_count3A_1753 = tpu.all_reduce %lt3A_1488 {dim = 0 : i64, kind = #tpu.reduction_kind<sum>} : vector<16xi1> -> vector<16xi32>
            %slice3A_1754 = vector.extract_strided_slice %all_reduce_population_count3A_1753 {offsets = [0], sizes = [1], strides = [1]} : vector<16xi32> to vector<1xi32>
            %squeeze3A_1755 = vector.extract %slice3A_1754[0] : i32 from vector<1xi32>
            %add3A_1756 = arith.addi %add3A_1746, %squeeze3A_1755 : i32
            %add3A_1757 = arith.constant 64 : i32
            %add3A_1758 = arith.addi %mul3A_1409, %add3A_1757 : i32
            %add3A_1759 = vector.broadcast %add3A_1758 : i32 to vector<16xi32>
            %add3A_1760 = arith.addi %add3A_1759, %iota3A : vector<16xi32>
            %swap3A_1761 = arith.index_cast %add3A_1756 : i32 to index
            %swap3A_1762 = tpu.vector_load %arg8[%swap3A_1761] masked %lt3A_1507 {strides = array<i32>} : memref<784xi32, #tpu.memory_space<vmem>>, vector<16xi32>, vector<16xi1>
            tpu.vector_store %arg8[%swap3A_1761], %add3A_1760 masked %lt3A_1507 {strides = array<i32>} : memref<784xi32, #tpu.memory_space<vmem>>, vector<16xi32>, vector<16xi1>
            %all_reduce_population_count3A_1763 = tpu.all_reduce %lt3A_1507 {dim = 0 : i64, kind = #tpu.reduction_kind<sum>} : vector<16xi1> -> vector<16xi32>
            %slice3A_1764 = vector.extract_strided_slice %all_reduce_population_count3A_1763 {offsets = [0], sizes = [1], strides = [1]} : vector<16xi32> to vector<1xi32>
            %squeeze3A_1765 = vector.extract %slice3A_1764[0] : i32 from vector<1xi32>
            %add3A_1766 = arith.addi %add3A_1756, %squeeze3A_1765 : i32
            %add3A_1767 = arith.constant 80 : i32
            %add3A_1768 = arith.addi %mul3A_1409, %add3A_1767 : i32
            %add3A_1769 = vector.broadcast %add3A_1768 : i32 to vector<16xi32>
            %add3A_1770 = arith.addi %add3A_1769, %iota3A : vector<16xi32>
            %swap3A_1771 = arith.index_cast %add3A_1766 : i32 to index
            %swap3A_1772 = tpu.vector_load %arg8[%swap3A_1771] masked %lt3A_1526 {strides = array<i32>} : memref<784xi32, #tpu.memory_space<vmem>>, vector<16xi32>, vector<16xi1>
            tpu.vector_store %arg8[%swap3A_1771], %add3A_1770 masked %lt3A_1526 {strides = array<i32>} : memref<784xi32, #tpu.memory_space<vmem>>, vector<16xi32>, vector<16xi1>
            %all_reduce_population_count3A_1773 = tpu.all_reduce %lt3A_1526 {dim = 0 : i64, kind = #tpu.reduction_kind<sum>} : vector<16xi1> -> vector<16xi32>
            %slice3A_1774 = vector.extract_strided_slice %all_reduce_population_count3A_1773 {offsets = [0], sizes = [1], strides = [1]} : vector<16xi32> to vector<1xi32>
            %squeeze3A_1775 = vector.extract %slice3A_1774[0] : i32 from vector<1xi32>
            %add3A_1776 = arith.addi %add3A_1766, %squeeze3A_1775 : i32
            %add3A_1777 = arith.constant 96 : i32
            %add3A_1778 = arith.addi %mul3A_1409, %add3A_1777 : i32
            %add3A_1779 = vector.broadcast %add3A_1778 : i32 to vector<16xi32>
            %add3A_1780 = arith.addi %add3A_1779, %iota3A : vector<16xi32>
            %swap3A_1781 = arith.index_cast %add3A_1776 : i32 to index
            %swap3A_1782 = tpu.vector_load %arg8[%swap3A_1781] masked %lt3A_1545 {strides = array<i32>} : memref<784xi32, #tpu.memory_space<vmem>>, vector<16xi32>, vector<16xi1>
            tpu.vector_store %arg8[%swap3A_1781], %add3A_1780 masked %lt3A_1545 {strides = array<i32>} : memref<784xi32, #tpu.memory_space<vmem>>, vector<16xi32>, vector<16xi1>
            %all_reduce_population_count3A_1783 = tpu.all_reduce %lt3A_1545 {dim = 0 : i64, kind = #tpu.reduction_kind<sum>} : vector<16xi1> -> vector<16xi32>
            %slice3A_1784 = vector.extract_strided_slice %all_reduce_population_count3A_1783 {offsets = [0], sizes = [1], strides = [1]} : vector<16xi32> to vector<1xi32>
            %squeeze3A_1785 = vector.extract %slice3A_1784[0] : i32 from vector<1xi32>
            %add3A_1786 = arith.addi %add3A_1776, %squeeze3A_1785 : i32
            %add3A_1787 = arith.constant 112 : i32
            %add3A_1788 = arith.addi %mul3A_1409, %add3A_1787 : i32
            %add3A_1789 = vector.broadcast %add3A_1788 : i32 to vector<16xi32>
            %add3A_1790 = arith.addi %add3A_1789, %iota3A : vector<16xi32>
            %swap3A_1791 = arith.index_cast %add3A_1786 : i32 to index
            %swap3A_1792 = tpu.vector_load %arg8[%swap3A_1791] masked %lt3A_1564 {strides = array<i32>} : memref<784xi32, #tpu.memory_space<vmem>>, vector<16xi32>, vector<16xi1>
            tpu.vector_store %arg8[%swap3A_1791], %add3A_1790 masked %lt3A_1564 {strides = array<i32>} : memref<784xi32, #tpu.memory_space<vmem>>, vector<16xi32>, vector<16xi1>
            %all_reduce_population_count3A_1793 = tpu.all_reduce %lt3A_1564 {dim = 0 : i64, kind = #tpu.reduction_kind<sum>} : vector<16xi1> -> vector<16xi32>
            %slice3A_1794 = vector.extract_strided_slice %all_reduce_population_count3A_1793 {offsets = [0], sizes = [1], strides = [1]} : vector<16xi32> to vector<1xi32>
            %squeeze3A_1795 = vector.extract %slice3A_1794[0] : i32 from vector<1xi32>
            %add3A_1796 = arith.addi %add3A_1786, %squeeze3A_1795 : i32
            %add3A_1797 = arith.constant 128 : i32
            %add3A_1798 = arith.addi %mul3A_1409, %add3A_1797 : i32
            %add3A_1799 = vector.broadcast %add3A_1798 : i32 to vector<16xi32>
            %add3A_1800 = arith.addi %add3A_1799, %iota3A : vector<16xi32>
            %swap3A_1801 = arith.index_cast %add3A_1796 : i32 to index
            %swap3A_1802 = tpu.vector_load %arg8[%swap3A_1801] masked %lt3A_1583 {strides = array<i32>} : memref<784xi32, #tpu.memory_space<vmem>>, vector<16xi32>, vector<16xi1>
            tpu.vector_store %arg8[%swap3A_1801], %add3A_1800 masked %lt3A_1583 {strides = array<i32>} : memref<784xi32, #tpu.memory_space<vmem>>, vector<16xi32>, vector<16xi1>
            %all_reduce_population_count3A_1803 = tpu.all_reduce %lt3A_1583 {dim = 0 : i64, kind = #tpu.reduction_kind<sum>} : vector<16xi1> -> vector<16xi32>
            %slice3A_1804 = vector.extract_strided_slice %all_reduce_population_count3A_1803 {offsets = [0], sizes = [1], strides = [1]} : vector<16xi32> to vector<1xi32>
            %squeeze3A_1805 = vector.extract %slice3A_1804[0] : i32 from vector<1xi32>
            %add3A_1806 = arith.addi %add3A_1796, %squeeze3A_1805 : i32
            %add3A_1807 = arith.constant 144 : i32
            %add3A_1808 = arith.addi %mul3A_1409, %add3A_1807 : i32
            %add3A_1809 = vector.broadcast %add3A_1808 : i32 to vector<16xi32>
            %add3A_1810 = arith.addi %add3A_1809, %iota3A : vector<16xi32>
            %swap3A_1811 = arith.index_cast %add3A_1806 : i32 to index
            %swap3A_1812 = tpu.vector_load %arg8[%swap3A_1811] masked %lt3A_1602 {strides = array<i32>} : memref<784xi32, #tpu.memory_space<vmem>>, vector<16xi32>, vector<16xi1>
            tpu.vector_store %arg8[%swap3A_1811], %add3A_1810 masked %lt3A_1602 {strides = array<i32>} : memref<784xi32, #tpu.memory_space<vmem>>, vector<16xi32>, vector<16xi1>
            %all_reduce_population_count3A_1813 = tpu.all_reduce %lt3A_1602 {dim = 0 : i64, kind = #tpu.reduction_kind<sum>} : vector<16xi1> -> vector<16xi32>
            %slice3A_1814 = vector.extract_strided_slice %all_reduce_population_count3A_1813 {offsets = [0], sizes = [1], strides = [1]} : vector<16xi32> to vector<1xi32>
            %squeeze3A_1815 = vector.extract %slice3A_1814[0] : i32 from vector<1xi32>
            %add3A_1816 = arith.addi %add3A_1806, %squeeze3A_1815 : i32
            %add3A_1817 = arith.constant 160 : i32
            %add3A_1818 = arith.addi %mul3A_1409, %add3A_1817 : i32
            %add3A_1819 = vector.broadcast %add3A_1818 : i32 to vector<16xi32>
            %add3A_1820 = arith.addi %add3A_1819, %iota3A : vector<16xi32>
            %swap3A_1821 = arith.index_cast %add3A_1816 : i32 to index
            %swap3A_1822 = tpu.vector_load %arg8[%swap3A_1821] masked %lt3A_1621 {strides = array<i32>} : memref<784xi32, #tpu.memory_space<vmem>>, vector<16xi32>, vector<16xi1>
            tpu.vector_store %arg8[%swap3A_1821], %add3A_1820 masked %lt3A_1621 {strides = array<i32>} : memref<784xi32, #tpu.memory_space<vmem>>, vector<16xi32>, vector<16xi1>
            %all_reduce_population_count3A_1823 = tpu.all_reduce %lt3A_1621 {dim = 0 : i64, kind = #tpu.reduction_kind<sum>} : vector<16xi1> -> vector<16xi32>
            %slice3A_1824 = vector.extract_strided_slice %all_reduce_population_count3A_1823 {offsets = [0], sizes = [1], strides = [1]} : vector<16xi32> to vector<1xi32>
            %squeeze3A_1825 = vector.extract %slice3A_1824[0] : i32 from vector<1xi32>
            %add3A_1826 = arith.addi %add3A_1816, %squeeze3A_1825 : i32
            %add3A_1827 = arith.constant 176 : i32
            %add3A_1828 = arith.addi %mul3A_1409, %add3A_1827 : i32
            %add3A_1829 = vector.broadcast %add3A_1828 : i32 to vector<16xi32>
            %add3A_1830 = arith.addi %add3A_1829, %iota3A : vector<16xi32>
            %swap3A_1831 = arith.index_cast %add3A_1826 : i32 to index
            %swap3A_1832 = tpu.vector_load %arg8[%swap3A_1831] masked %lt3A_1640 {strides = array<i32>} : memref<784xi32, #tpu.memory_space<vmem>>, vector<16xi32>, vector<16xi1>
            tpu.vector_store %arg8[%swap3A_1831], %add3A_1830 masked %lt3A_1640 {strides = array<i32>} : memref<784xi32, #tpu.memory_space<vmem>>, vector<16xi32>, vector<16xi1>
            %all_reduce_population_count3A_1833 = tpu.all_reduce %lt3A_1640 {dim = 0 : i64, kind = #tpu.reduction_kind<sum>} : vector<16xi1> -> vector<16xi32>
            %slice3A_1834 = vector.extract_strided_slice %all_reduce_population_count3A_1833 {offsets = [0], sizes = [1], strides = [1]} : vector<16xi32> to vector<1xi32>
            %squeeze3A_1835 = vector.extract %slice3A_1834[0] : i32 from vector<1xi32>
            %add3A_1836 = arith.addi %add3A_1826, %squeeze3A_1835 : i32
            %add3A_1837 = arith.constant 192 : i32
            %add3A_1838 = arith.addi %mul3A_1409, %add3A_1837 : i32
            %add3A_1839 = vector.broadcast %add3A_1838 : i32 to vector<16xi32>
            %add3A_1840 = arith.addi %add3A_1839, %iota3A : vector<16xi32>
            %swap3A_1841 = arith.index_cast %add3A_1836 : i32 to index
            %swap3A_1842 = tpu.vector_load %arg8[%swap3A_1841] masked %lt3A_1659 {strides = array<i32>} : memref<784xi32, #tpu.memory_space<vmem>>, vector<16xi32>, vector<16xi1>
            tpu.vector_store %arg8[%swap3A_1841], %add3A_1840 masked %lt3A_1659 {strides = array<i32>} : memref<784xi32, #tpu.memory_space<vmem>>, vector<16xi32>, vector<16xi1>
            %all_reduce_population_count3A_1843 = tpu.all_reduce %lt3A_1659 {dim = 0 : i64, kind = #tpu.reduction_kind<sum>} : vector<16xi1> -> vector<16xi32>
            %slice3A_1844 = vector.extract_strided_slice %all_reduce_population_count3A_1843 {offsets = [0], sizes = [1], strides = [1]} : vector<16xi32> to vector<1xi32>
            %squeeze3A_1845 = vector.extract %slice3A_1844[0] : i32 from vector<1xi32>
            %add3A_1846 = arith.addi %add3A_1836, %squeeze3A_1845 : i32
            %add3A_1847 = arith.constant 208 : i32
            %add3A_1848 = arith.addi %mul3A_1409, %add3A_1847 : i32
            %add3A_1849 = vector.broadcast %add3A_1848 : i32 to vector<16xi32>
            %add3A_1850 = arith.addi %add3A_1849, %iota3A : vector<16xi32>
            %swap3A_1851 = arith.index_cast %add3A_1846 : i32 to index
            %swap3A_1852 = tpu.vector_load %arg8[%swap3A_1851] masked %lt3A_1678 {strides = array<i32>} : memref<784xi32, #tpu.memory_space<vmem>>, vector<16xi32>, vector<16xi1>
            tpu.vector_store %arg8[%swap3A_1851], %add3A_1850 masked %lt3A_1678 {strides = array<i32>} : memref<784xi32, #tpu.memory_space<vmem>>, vector<16xi32>, vector<16xi1>
            %all_reduce_population_count3A_1853 = tpu.all_reduce %lt3A_1678 {dim = 0 : i64, kind = #tpu.reduction_kind<sum>} : vector<16xi1> -> vector<16xi32>
            %slice3A_1854 = vector.extract_strided_slice %all_reduce_population_count3A_1853 {offsets = [0], sizes = [1], strides = [1]} : vector<16xi32> to vector<1xi32>
            %squeeze3A_1855 = vector.extract %slice3A_1854[0] : i32 from vector<1xi32>
            %add3A_1856 = arith.addi %add3A_1846, %squeeze3A_1855 : i32
            %add3A_1857 = arith.constant 224 : i32
            %add3A_1858 = arith.addi %mul3A_1409, %add3A_1857 : i32
            %add3A_1859 = vector.broadcast %add3A_1858 : i32 to vector<16xi32>
            %add3A_1860 = arith.addi %add3A_1859, %iota3A : vector<16xi32>
            %swap3A_1861 = arith.index_cast %add3A_1856 : i32 to index
            %swap3A_1862 = tpu.vector_load %arg8[%swap3A_1861] masked %lt3A_1697 {strides = array<i32>} : memref<784xi32, #tpu.memory_space<vmem>>, vector<16xi32>, vector<16xi1>
            tpu.vector_store %arg8[%swap3A_1861], %add3A_1860 masked %lt3A_1697 {strides = array<i32>} : memref<784xi32, #tpu.memory_space<vmem>>, vector<16xi32>, vector<16xi1>
            %all_reduce_population_count3A_1863 = tpu.all_reduce %lt3A_1697 {dim = 0 : i64, kind = #tpu.reduction_kind<sum>} : vector<16xi1> -> vector<16xi32>
            %slice3A_1864 = vector.extract_strided_slice %all_reduce_population_count3A_1863 {offsets = [0], sizes = [1], strides = [1]} : vector<16xi32> to vector<1xi32>
            %squeeze3A_1865 = vector.extract %slice3A_1864[0] : i32 from vector<1xi32>
            %add3A_1866 = arith.addi %add3A_1856, %squeeze3A_1865 : i32
            %add3A_1867 = arith.constant 240 : i32
            %add3A_1868 = arith.addi %mul3A_1409, %add3A_1867 : i32
            %add3A_1869 = vector.broadcast %add3A_1868 : i32 to vector<16xi32>
            %add3A_1870 = arith.addi %add3A_1869, %iota3A : vector<16xi32>
            %swap3A_1871 = arith.index_cast %add3A_1866 : i32 to index
            %swap3A_1872 = tpu.vector_load %arg8[%swap3A_1871] masked %lt3A_1716 {strides = array<i32>} : memref<784xi32, #tpu.memory_space<vmem>>, vector<16xi32>, vector<16xi1>
            tpu.vector_store %arg8[%swap3A_1871], %add3A_1870 masked %lt3A_1716 {strides = array<i32>} : memref<784xi32, #tpu.memory_space<vmem>>, vector<16xi32>, vector<16xi1>
            %all_reduce_population_count3A_1873 = tpu.all_reduce %lt3A_1716 {dim = 0 : i64, kind = #tpu.reduction_kind<sum>} : vector<16xi1> -> vector<16xi32>
            %slice3A_1874 = vector.extract_strided_slice %all_reduce_population_count3A_1873 {offsets = [0], sizes = [1], strides = [1]} : vector<16xi32> to vector<1xi32>
            %squeeze3A_1875 = vector.extract %slice3A_1874[0] : i32 from vector<1xi32>
            %add3A_1876 = arith.addi %add3A_1866, %squeeze3A_1875 : i32
            %swap3A_1877 = arith.constant 0 : i32
            %swap3A_1878 = arith.index_cast %swap3A_1877 : i32 to index
            %swap3A_1879 = memref.load %arg11[%swap3A_1878] : memref<1xi32, #tpu.memory_space<smem>>
            memref.store %add3A_1876, %arg11[%swap3A_1878] : memref<1xi32, #tpu.memory_space<smem>>
          } else {
          }
          %scan3A_1407 = arith.constant 0 : i32
          scf.yield %scan3A_1407 : i32
        }
        %scan3A_1396 = arith.constant 10 : i32
      } else {
      }
      %get3A_1342 = arith.constant 0 : i32
      %get3A_1343 = arith.index_cast %get3A_1342 : i32 to index
      %get3A_1344 = memref.load %arg11[%get3A_1343] : memref<1xi32, #tpu.memory_space<smem>>
      %broadcast_in_dim3A_1345 = vector.broadcast %get3A_1344 : i32 to vector<16xi32>
      %get3A_1346 = arith.constant 0 : index
      %get3A_1347 = tpu.vector_load %arg8[%get3A_1346] {strides = array<i32>} : memref<784xi32, #tpu.memory_space<vmem>>, vector<16xi32>,
      %get3A_1348 = arith.constant 16 : index
      %get3A_1349 = tpu.vector_load %arg8[%get3A_1348] {strides = array<i32>} : memref<784xi32, #tpu.memory_space<vmem>>, vector<16xi32>,
      %slice3A_1350 = vector.extract_strided_slice %get3A_1347 {offsets = [0], sizes = [1], strides = [1]} : vector<16xi32> to vector<1xi32>
      %squeeze3A_1351 = vector.extract %slice3A_1350[0] : i32 from vector<1xi32>
      %broadcast_in_dim3A_1352 = vector.broadcast %squeeze3A_1351 : i32 to vector<16xi32>
      %sub3A_1353 = arith.subi %iota3A, %broadcast_in_dim3A_1345 : vector<16xi32>
      %shift_right_logical3A = arith.constant 31 : i32
      %shift_right_logical3A_1354 = vector.broadcast %shift_right_logical3A : i32 to vector<16xi32>
      %shift_right_logical3A_1355 = arith.shrui %sub3A_1353, %shift_right_logical3A_1354 : vector<16xi32>
      %add3A_1356 = arith.constant 16 : i32
      %add3A_1357 = vector.broadcast %add3A_1356 : i32 to vector<16xi32>
      %add3A_1358 = arith.addi %iota3A, %add3A_1357 : vector<16xi32>
      %sub3A_1359 = arith.subi %add3A_1358, %broadcast_in_dim3A_1345 : vector<16xi32>
      %shift_right_logical3A_1360 = arith.constant 31 : i32
      %shift_right_logical3A_1361 = vector.broadcast %shift_right_logical3A_1360 : i32 to vector<16xi32>
      %shift_right_logical3A_1362 = arith.shrui %sub3A_1359, %shift_right_logical3A_1361 : vector<16xi32>
      %mul3A_1363 = arith.constant 32 : i32
      %mul3A_1364 = arith.muli %scan3A_65, %mul3A_1363 : i32
      %mul3A_1365 = arith.muli %get3A_1347, %shift_right_logical3A_1355 : vector<16xi32>
      %sub3A_1366 = arith.constant 1 : i32
      %sub3A_1367 = vector.broadcast %sub3A_1366 : i32 to vector<16xi32>
      %sub3A_1368 = arith.subi %sub3A_1367, %shift_right_logical3A_1355 : vector<16xi32>
      %mul3A_1369 = arith.muli %broadcast_in_dim3A_1352, %sub3A_1368 : vector<16xi32>
      %add3A_1370 = arith.addi %mul3A_1365, %mul3A_1369 : vector<16xi32>
      %swap3A_1371 = arith.index_cast %mul3A_1364 : i32 to index
      %swap3A_1372 = tpu.vector_load %arg9[%swap3A_1371] {strides = array<i32>} : memref<16384xi32, #tpu.memory_space<vmem>>, vector<16xi32>,
      tpu.vector_store %arg9[%swap3A_1371], %add3A_1370 {strides = array<i32>} : memref<16384xi32, #tpu.memory_space<vmem>>, vector<16xi32>,
      %mul3A_1373 = arith.muli %get3A_1349, %shift_right_logical3A_1362 : vector<16xi32>
      %sub3A_1374 = arith.constant 1 : i32
      %sub3A_1375 = vector.broadcast %sub3A_1374 : i32 to vector<16xi32>
      %sub3A_1376 = arith.subi %sub3A_1375, %shift_right_logical3A_1362 : vector<16xi32>
      %mul3A_1377 = arith.muli %broadcast_in_dim3A_1352, %sub3A_1376 : vector<16xi32>
      %add3A_1378 = arith.addi %mul3A_1373, %mul3A_1377 : vector<16xi32>
      %add3A_1379 = arith.constant 16 : i32
      %add3A_1380 = arith.addi %mul3A_1364, %add3A_1379 : i32
      %swap3A_1381 = arith.index_cast %add3A_1380 : i32 to index
      %swap3A_1382 = tpu.vector_load %arg9[%swap3A_1381] {strides = array<i32>} : memref<16384xi32, #tpu.memory_space<vmem>>, vector<16xi32>,
      tpu.vector_store %arg9[%swap3A_1381], %add3A_1378 {strides = array<i32>} : memref<16384xi32, #tpu.memory_space<vmem>>, vector<16xi32>,
      %swap3A_1383 = arith.index_cast %mul3A_1364 : i32 to index
      %swap3A_1384 = tpu.vector_load %arg10[%swap3A_1383] {strides = array<i32>} : memref<16384xi32, #tpu.memory_space<vmem>>, vector<16xi32>,
      tpu.vector_store %arg10[%swap3A_1383], %shift_right_logical3A_1355 {strides = array<i32>} : memref<16384xi32, #tpu.memory_space<vmem>>, vector<16xi32>,
      %add3A_1385 = arith.constant 16 : i32
      %add3A_1386 = arith.addi %mul3A_1364, %add3A_1385 : i32
      %swap3A_1387 = arith.index_cast %add3A_1386 : i32 to index
      %swap3A_1388 = tpu.vector_load %arg10[%swap3A_1387] {strides = array<i32>} : memref<16384xi32, #tpu.memory_space<vmem>>, vector<16xi32>,
      tpu.vector_store %arg10[%swap3A_1387], %shift_right_logical3A_1362 {strides = array<i32>} : memref<16384xi32, #tpu.memory_space<vmem>>, vector<16xi32>,
      %scan3A_1389 = arith.constant 0 : i32
      scf.yield %scan3A_1389 : i32
    }
    %scan3A_56 = arith.constant 512 : i32
    %mul3A_57 = arith.constant 512 : i32
    %mul3A_58 = arith.muli %add3A, %mul3A_57 : i32
    %mul3A_59 = arith.constant 32 : i32
    %mul3A_60 = arith.muli %mul3A_58, %mul3A_59 : i32
    "tpu.region"() ({
      %run_scoped3A = tpu.sem_alloc : memref<!tpu.dma_semaphore, #tpu.memory_space<semaphore_mem>>
      %dma_start3A = tpu.memref_slice %arg3[%mul3A_60] : memref<524288xi32, #tpu.memory_space<hbm>> -> memref<16384xi32, #tpu.memory_space<hbm>>
      %dma_start3A_65 = tpu.memref_slice %arg3[%mul3A_60] : memref<524288xi32, #tpu.memory_space<hbm>> -> memref<16384xi32, #tpu.memory_space<hbm>>
      tpu.enqueue_dma source(%arg9 : memref<16384xi32, #tpu.memory_space<vmem>>) target(%dma_start3A_65 : memref<16384xi32, #tpu.memory_space<hbm>>) target_semaphore(%run_scoped3A : memref<!tpu.dma_semaphore, #tpu.memory_space<semaphore_mem>>)
      %dma_wait3A = tpu.memref_slice %arg3[%mul3A_60] : memref<524288xi32, #tpu.memory_space<hbm>> -> memref<16384xi32, #tpu.memory_space<hbm>>
      %dma_wait3A_66 = tpu.memref_slice %arg3[%mul3A_60] : memref<524288xi32, #tpu.memory_space<hbm>> -> memref<16384xi32, #tpu.memory_space<hbm>>
      tpu.wait_dma2 semaphore(%run_scoped3A : memref<!tpu.dma_semaphore, #tpu.memory_space<semaphore_mem>>) src(%arg9 : memref<16384xi32, #tpu.memory_space<vmem>>) dst(%dma_wait3A_66 : memref<16384xi32, #tpu.memory_space<hbm>>)
      tpu.yield
    }) : () -> ()
    %mul3A_61 = arith.constant 512 : i32
    %mul3A_62 = arith.muli %add3A, %mul3A_61 : i32
    %mul3A_63 = arith.constant 32 : i32
    %mul3A_64 = arith.muli %mul3A_62, %mul3A_63 : i32
    "tpu.region"() ({
      %run_scoped3A = tpu.sem_alloc : memref<!tpu.dma_semaphore, #tpu.memory_space<semaphore_mem>>
      %dma_start3A = tpu.memref_slice %arg4[%mul3A_64] : memref<524288xi32, #tpu.memory_space<hbm>> -> memref<16384xi32, #tpu.memory_space<hbm>>
      %dma_start3A_65 = tpu.memref_slice %arg4[%mul3A_64] : memref<524288xi32, #tpu.memory_space<hbm>> -> memref<16384xi32, #tpu.memory_space<hbm>>
      tpu.enqueue_dma source(%arg10 : memref<16384xi32, #tpu.memory_space<vmem>>) target(%dma_start3A_65 : memref<16384xi32, #tpu.memory_space<hbm>>) target_semaphore(%run_scoped3A : memref<!tpu.dma_semaphore, #tpu.memory_space<semaphore_mem>>)
      %dma_wait3A = tpu.memref_slice %arg4[%mul3A_64] : memref<524288xi32, #tpu.memory_space<hbm>> -> memref<16384xi32, #tpu.memory_space<hbm>>
      %dma_wait3A_66 = tpu.memref_slice %arg4[%mul3A_64] : memref<524288xi32, #tpu.memory_space<hbm>> -> memref<16384xi32, #tpu.memory_space<hbm>>
      tpu.wait_dma2 semaphore(%run_scoped3A : memref<!tpu.dma_semaphore, #tpu.memory_space<semaphore_mem>>) src(%arg10 : memref<16384xi32, #tpu.memory_space<vmem>>) dst(%dma_wait3A_66 : memref<16384xi32, #tpu.memory_space<hbm>>)
      tpu.yield
    }) : () -> ()
    return
  }
}

</mosaic_0001>

<sc_bundles>
// kernel: kernel.3.cloned.1.call-start
scs
__scs_entry_jumppad:
0x0: {  	(pc) =	sbr.rel $0x88, $3  }
0x1: {  	(tag) =	ssettag $0x0;
	lr =	simm.s32 $0x1  }
0x2: {  	[smem:$0x3FA0] =	sst lr;
	_ =	strace $0xD0000000  }
0x3: {  	_ = 	snop  }
0x4: {  	_ = 	snop  }
0x5: {  	_ = 	snop  }
0x6: {  	_ = 	snop  }
0x7: {  	_ = 	snop  }
__scs_overlays_trampoline_lowered:
0x8: {  	[smem:$0x3FAF] =	sst s0  }
0x9: {  	[smem:$0x3FB0] =	sst s1  }
0xa: {  	[smem:$0x3FB1] =	sst s2  }
0xb: {  	[smem:$0x3FB2] =	sst s3  }
0xc: {  	[smem:$0x3FB3] =	sst s4  }
0xd: {  	[smem:$0x3FB4] =	sst s5  }
0xe: {  	[smem:$0x3FB5] =	sst s6  }
0xf: {  	[smem:$0x3FB6] =	sst s7  }
0x10: {  	[smem:$0x3FB7] =	sst s8  }
0x11: {  	[smem:$0x3FB8] =	sst s9;
	s0 =	simm.s32 @!p0 $0x0  }
0x12: {  	s1 =	sld [smem:$0x3F9E];
	s0 =	simm.s32 @p0 $0x1  }
0x13: {  	[smem:$0x3FB9] =	sst s0;
	s0 =	simm.s32 @!p1 $0x0  }
0x14: {  	s2 =	sld [smem:$0x3F9D];
	s0 =	simm.s32 @p1 $0x1  }
0x15: {  	[smem:$0x3FBA] =	sst s0;
	s0 =	simm.s32 @!p2 $0x0  }
0x16: {  	s3 =	sld [smem:$0x3FDB];
	s0 =	simm.s32 @p2 $0x1  }
0x17: {  	s4 =	simm.s32 $0x1BF5;
	[smem:$0x3FBC] =	sst s0  }
0x18: {  	s0 =	sld [smem:$0x3F9F];
	_ =	swait.ge [sflag:s4], $0x0  }
0x19: {  	s7 =	sld [smem:$0x3FA0]  }
0x1a: {  	s8 =	sadd.s32 $0xFFFFE003, lr  }
0x1b: {  	s9 =	sadd.s32 $0xFFFFFEF7, lr;
	s5 =	simm.s32 $0xFFFFFFFF;
	p2 =	slt.u32 s8, $0xFFFFF086  }
0x1c: {  	p1 =	slt.u32 s9, $0xF7A;
	s5 =	simm.s32 @!p2 $0x0  }
0x1d: {  	s5 =	simm.s32 @p1 $0x1;
	p0 =	seq.s32 s7, s2  }
0x1e: {  	s7 =	smul.u32 @!p0 $0xF7A, s2;
	p2 =	seq.s32 @!p0 s5, $0x0  }
0x1f: {  	s9 =	smul.u32 $0xF7A, s1;
	s8 =	simm.s32 @!p0 $0x1BF5;
	p2 =	por !p2, p0  }
0x20: {  	[sflag:s8] =	ssyncset.s32 @!p0 $0xFFFFF086;
	s6 =	sadd.s32 @!p0 s3, s7;
	s7 =	simm.s32 @!p0 $0x108  }
0x21: {  	s3 =	sadd.s32 s3, s9;
	s6 =	sadd.s32 @!p0 $0x88, s6;
	s7 =	simm.s32 @p2 $0x1082  }
0x22: {  	[simem:s7], [sflag:s8] =	dma.local @!p0 [hbm:s6], $0xF7A  }
0x23: {  	s9 =	sor.u32 $0xD0000000, s2;
	s6 =	simm.s32 $0x108;
	_ =	swait.ge @!p0 [sflag:s8], $0x0  }
0x24: {  	s3 =	sadd.s32 $0x88, s3;
	s6 =	simm.s32 @!p1 $0x1082;
	[sflag:s4] =	ssyncset.s32 $0xFFFFF086  }
0x25: {  	[simem:s6], [sflag:s4] =	dma.local [hbm:s3], $0xF7A  }
0x26: {  	[smem:$0x3FA0] =	sst s1;
	(tag) =	ssettag s2;
	_ =	strace s9  }
0x27: {  	s1 =	sld [smem:$0x3FB0]  }
0x28: {  	s2 =	sld [smem:$0x3FB1]  }
0x29: {  	s4 =	sld [smem:$0x3FB3]  }
0x2a: {  	p0 =	seq.s32 s5, $0x0;
	s5 =	sld [smem:$0x3FB4]  }
0x2b: {  	s6 =	sld [smem:$0x3FB5]  }
0x2c: {  	s7 =	sld [smem:$0x3FB6]  }
0x2d: {  	s3 =	simm.s32 $0x108;
	s8 =	sld [smem:$0x3FB7]  }
0x2e: {  	s3 =	simm.s32 @!p0 $0x1082;
	s9 =	sld [smem:$0x3FB8]  }
0x2f: {  	lr =	sadd.s32 s0, s3;
	s0 =	sld [smem:$0x3FAF]  }
0x30: {  	s3 =	sld [smem:$0x3FB2]  }
0x31: {  	[smem:$0x3FBB] =	sst s10  }
0x32: {  	s10 =	sld [smem:$0x3FB9];
	_ =	sdelay $0x3  }
0x33: {  	p0 =	seq.s32 s10, $0x1;
	s10 =	sld [smem:$0x3FBB];
	_ =	sdelay $0x3  }
0x34: {  	[smem:$0x3FBB] =	sst s10  }
0x35: {  	s10 =	sld [smem:$0x3FBA];
	_ =	sdelay $0x3  }
0x36: {  	p1 =	seq.s32 s10, $0x1;
	s10 =	sld [smem:$0x3FBB];
	_ =	sdelay $0x3  }
0x37: {  	[smem:$0x3FBB] =	sst s10  }
0x38: {  	s10 =	sld [smem:$0x3FBC]  }
0x39: {  	_ = 	snop;
	(pc) =	sbr.ind lr, $3  }
0x3a: {  	_ = 	snop  }
0x3b: {  	_ = 	snop  }
0x3c: {  	p2 =	seq.s32 s10, $0x1;
	s10 =	sld [smem:$0x3FBB]  }
0x3d: {  	_ =	shalt  }
0x3e: {  	_ =	shalt  }
0x3f: {  	_ =	shalt  }
0x40: {  	_ =	shalt  }
0x41: {  	_ =	shalt  }
0x42: {  	_ =	shalt  }
0x43: {  	_ =	shalt  }
0x44: {  	_ =	shalt  }
0x45: {  	_ =	shalt  }
0x46: {  	_ =	shalt  }
0x47: {  	_ =	shalt  }
0x48: {  	_ =	shalt  }
0x49: {  	_ =	shalt  }
0x4a: {  	_ =	shalt  }
0x4b: {  	_ =	shalt  }
0x4c: {  	_ =	shalt  }
0x4d: {  	_ =	shalt  }
0x4e: {  	_ =	shalt  }
0x4f: {  	_ =	shalt  }
0x50: {  	_ =	shalt  }
0x51: {  	_ =	shalt  }
0x52: {  	_ =	shalt  }
0x53: {  	_ =	shalt  }
0x54: {  	_ =	shalt  }
0x55: {  	_ =	shalt  }
0x56: {  	_ =	shalt  }
0x57: {  	_ =	shalt  }
0x58: {  	_ =	shalt  }
0x59: {  	_ =	shalt  }
0x5a: {  	_ =	shalt  }
0x5b: {  	_ =	shalt  }
0x5c: {  	_ =	shalt  }
0x5d: {  	_ =	shalt  }
0x5e: {  	_ =	shalt  }
0x5f: {  	_ =	shalt  }
0x60: {  	_ =	shalt  }
0x61: {  	_ =	shalt  }
0x62: {  	_ =	shalt  }
0x63: {  	_ =	shalt  }
0x64: {  	_ =	shalt  }
0x65: {  	_ =	shalt  }
0x66: {  	_ =	shalt  }
0x67: {  	_ =	shalt  }
0x68: {  	_ =	shalt  }
0x69: {  	_ =	shalt  }
0x6a: {  	_ =	shalt  }
0x6b: {  	_ =	shalt  }
0x6c: {  	_ =	shalt  }
0x6d: {  	_ =	shalt  }
0x6e: {  	_ =	shalt  }
0x6f: {  	_ =	shalt  }
0x70: {  	_ =	shalt  }
0x71: {  	_ =	shalt  }
0x72: {  	_ =	shalt  }
0x73: {  	_ =	shalt  }
0x74: {  	_ =	shalt  }
0x75: {  	_ =	shalt  }
0x76: {  	_ =	shalt  }
0x77: {  	_ =	shalt  }
0x78: {  	_ =	shalt  }
0x79: {  	_ =	shalt  }
0x7a: {  	_ =	shalt  }
0x7b: {  	_ =	shalt  }
0x7c: {  	_ =	shalt  }
0x7d: {  	_ =	shalt  }
0x7e: {  	_ =	shalt  }
0x7f: {  	_ =	shalt  }
0x80: {  	_ =	shalt  }
0x81: {  	_ =	shalt  }
0x82: {  	_ =	shalt  }
0x83: {  	_ =	shalt  }
0x84: {  	_ =	shalt  }
0x85: {  	_ =	shalt  }
0x86: {  	_ =	shalt  }
0x87: {  	_ =	shalt  }
.Lfunc_end0:
.L_simem_size_0:
called_computation_lowered:
.L_overlay_start_0:
0x88: {  	s2 =	sld [smem:$0x3FD9]  }
0x89: {  	s3 =	sld [smem:$0x3FFE];
	_ =	sdelay $0x1  }
0x8a: {  	s1 =	srdreg.scid  }
0x8b: {  	s0 =	sand.u32 $0x1, s1  }
0x8c: {  	s14 =	sshll.u32 s0, $0xA;
	s2 =	sadd.s32 s3, s2  }
0x8d: {  	s2 =	sadd.s32 s2, s14  }
0x8e: {  	[smem:$0x3FC7] =	sst s2  }
0x8f: {  	_ = 	snop  }
0x90: {  	s2 =	sld [smem:$0x3FD0];
	_ =	sdelay $0x2  }
0x91: {  	s15 =	simm.s32 $0xA;
	s4 =	simm.s32 $0x10  }
0x92: {  	[smem:s4], [sflag:s15] =	dma.local [hbm:s2], $0x1  }
0x93: {  	_ =	swait.eq [sflag:s15], $0x1  }
0x94: {  	[sflag:s15] =	ssyncset.done $0x0  }
0x95: {  	s16 =	sld [smem:$0x10];
	[sflag:s15] =	ssyncadd.s32 $0xFFFFFFFF  }
0x96: {  	s17 =	sld [smem:$0x12];
	(tm) =	ssettm $0x1  }
0x97: {  	s18 =	sld [smem:$0x3FFB];
	_ =	sdelay $0x3  }
0x98: {  	_ =	strace s18  }
0x99: {  	s4 =	sld [smem:$0x3FFC];
	_ =	sdelay $0x3  }
0x9a: {  	_ =	strace s4  }
0x9b: {  	s4 =	sld [smem:$0x3FFD];
	_ =	sdelay $0x3  }
0x9c: {  	_ =	strace s4  }
0x9d: {  	_ =	strace $0x8FFFFFFF  }
0x9e: {  	s19 =	sld [smem:$0x3FDB];
	_ =	sdelay $0x1  }
0x9f: {  	s5 =	simm.s32 $_scs_section_size  }
0xa0: {  	s6 =	simm.s32 $_size__tile_overlayer_lowered;
	s7 =	simm.s32 $_tile_overlayer_lowered  }
0xa1: {  	s22 =	simm.s32 $0x1BFF;
	s21 =	sshll.u32 s7, $0x1;
	s4 =	sadd.s32 s5, s19  }
0xa2: {  	s8 =	simm.s32 $0x0;
	s20 =	sshll.u32 s6, $0x1;
	s6 =	sadd.s32 s21, s4  }
0xa3: {  	[timem:s8], [sflag:s22] =	dma.local [hbm:s6], s20  }
0xa4: {  	_ =	swait.ge [sflag:s22], s20  }
0xa5: {  	s5 =	ssub.s32 $0x0, s20;
	[sflag:s22] =	ssyncset.done $0x0  }
0xa6: {  	[sflag:s22] =	ssyncadd.s32 s5;
	_ =	sdelay $0x1  }
0xa7: {  	s23 =	simm.s32 $0x1B8B  }
0xa8: {  	_ =	swait.ge [sflag:s23], $0x1  }
0xa9: {  	[sflag:s23] =	ssyncset.done $0x0  }
0xaa: {  	s25 =	simm.s32 $0x1B8E;
	s24 =	sld [smem:$0x3FFE];
	[sflag:s23] =	ssyncadd.s32 $0xFFFFFFFF  }
0xab: {  	s26 =	simm.s32 $execute0_lowered;
	[smem:$0x3FD2] =	sst s25  }
0xac: {  	s6 =	sshll.u32 s26, $0x1;
	_ =	strace $0x80000046;
	[dreg:$0x1] =	wrdreg $0xFFFFFFFF  }
0xad: {  	s28 =	simm.s32 $_size_execute0_lowered;
	s4 =	sadd.s32 s4, s6;
	[dreg:$0x0] =	wrdreg $0x0  }
0xae: {  	s6 =	sshll.u32 s28, $0x1;
	[dreg:$0x2] =	wrdreg s4  }
0xaf: {  	[dreg:$0x3] =	wrdreg s6  }
0xb0: {  	[dreg:$0x4] =	wrdreg $0xC0  }
0xb1: {  	_ =	task [dreg:s8], $0x5FFFF  }
0xb2: {  	[dreg:$0x1] =	wrdreg $0xFFFFFFFF  }
0xb3: {  	[dreg:$0x0] =	wrdreg $0x60  }
0xb4: {  	[dreg:$0x2] =	wrdreg s17  }
0xb5: {  	[dreg:$0x3] =	wrdreg s16  }
0xb6: {  	[dreg:$0x4] =	wrdreg s24  }
0xb7: {  	[dreg:$0x5] =	wrdreg $0x9  }
0xb8: {  	_ =	task.clear_ibuf [dreg:s8], $0x6FFFF;
	_ =	strace $0x90000046  }
0xb9: {  	s29 =	simm.s32 $0x9;
	_ =	strace $0x80000048  }
0xba: {  	_ =	swait.ge [sflag:s29], $0x1  }
0xbb: {  	[sflag:s29] =	ssyncadd.s32 $0xFFFFFFFF  }
0xbc: {  	_ =	strace $0x90000048  }
0xbd: {  	_ =	sfence  }
0xbe: {  	s30 =	sld [smem:$0x0];
	_ =	sdelay $0x2  }
0xbf: {  	s31 =	sshll.u32 s1, $0xD;
	s1 =	sshrl.u32 s1, $0x2  }
0xc0: {  	s3 =	sand.u32 $0x4000, s31;
	s1 =	sadd.s32 s1, s30  }
0xc1: {  	s0 =	sor.u32 s3, s0;
	s1 =	sshll.u32 s1, $0x11  }
0xc2: {  	s0 =	sor.u32 s1, s0  }
0xc3: {  	s0 =	sadd.s32 $0x8F2B, s0  }
0xc4: {  	[sflag:s0] =	ssyncadd.remote.s32 $0x1  }
0xc5: {  	_ =	sfence.sel $0xFFFF  }
0xc6: {  	[dreg:$0x0] =	wrdreg $0xFFFFFFFF;
	(pc) =	sbr.abs _section_cstart, $3  }
0xc7: {  	[dreg:$0x1] =	wrdreg $0xFFFFFFFF  }
0xc8: {  	_ =	task.clear_ibuf [dreg:s8], $0x2FFFF;
	_ =	strace $0x9FFFFFFF  }
0xc9: {  	(tm) =	ssettm $0x7FFFFFFF  }
tec
execute0_lowered:
.L_overlay_start_1:
0x0: {  	(tag) =	ssettag $0x1  }
0x1: {  	v0 =	vlaneseq.u32  }
0x2: {  	v1 =	vor.u32 $0x10, v0;
	v2 =	vor.u32 $0x20, v0  }
0x3: {  	s5 =	rddreg [dreg:$0x0];
	v4 =	vor.u32 $0x40, v0;
	v5 =	vor.u32 $0x50, v0;
	v6 =	vor.u32 $0x60, v0  }
0x4: {  	s7 =	rddreg [dreg:$0x1];
	v7 =	vor.u32 $0x70, v0;
	v8 =	vor.u32 $0x80, v0;
	v9 =	vor.u32 $0x90, v0  }
0x5: {  	s3 =	rddreg [dreg:$0x2];
	v10 =	vor.u32 $0xA0, v0;
	v11 =	vor.u32 $0xB0, v0;
	v12 =	vor.u32 $0xC0, v0  }
0x6: {  	s0 =	rddreg [dreg:$0x3];
	s2 =	simm.s32 $0x0;
	v13 =	vor.u32 $0xD0, v0;
	v14 =	vor.u32 $0xE0, v0;
	v15 =	vor.u32 $0xF0, v0  }
0x7: {  	s4 =	srdreg.scid;
	s1 =	stileid.u32;
	s13 =	simm.s32 $0x3180;
	v16 =	vor.u32 $0x100, v0;
	v17 =	vor.u32 $0x110, v0;
	v18 =	vor.u32 $0x120, v0  }
0x8: {  	s14 =	simm.s32 $0x3500;
	s15 =	simm.s32 $0x7500;
	s16 =	simm.s32 $0x0;
	v19 =	vor.u32 $0x130, v0;
	v20 =	vor.u32 $0x140, v0;
	v21 =	vor.u32 $0x150, v0  }
0x9: {  	s4 =	sand.u32 $0x1, s4;
	s6 =	sshll.u32 s1, $0x1;
	s8 =	sshrl.u32 s1, $0x2;
	v22 =	vor.u32 $0x160, v0;
	v23 =	vor.u32 $0x170, v0;
	v24 =	vor.u32 $0x180, v0  }
0xa: {  	[smem:$0x7FF] =	sst s2;
	v25 =	vor.u32 $0x190, v0;
	v26 =	vor.u32 $0x1A0, v0;
	[tilespmem:$0x1FFE0] =	vst v2;
	v2 =	vor.u32 $0x30, v0;
	s6 =	sor.u32 s4, s6;
	s10 =	smul.u32 $0x3000, s8  }
0xb: {  	v27 =	vor.u32 $0x1B0, v0;
	v28 =	vor.u32 $0x1C0, v0;
	v29 =	vor.u32 $0x1D0, v0;
	s4 =	ssub.s32 $0x2, s4;
	s8 =	smul.u32 $0x600, s8;
	[tilespmem:$0x1FFF0] =	vst v2;
	s9 =	sshll.u32 s6, $0xB  }
0xc: {  	v30 =	vor.u32 $0x1E0, v0;
	v31 =	vor.u32 $0x1F0, v0;
	v32 =	vor.u32 $0x200, v0;
	s29 =	sshrl.u32 s4, $0x1;
	s30 =	sshll.u32 s6, $0x9;
	_ =	strace $0x80000047  }
.Ltmp0:
0xd: {  	v33 =	vor.u32 $0x210, v0;
	v34 =	vor.u32 $0x220, v0;
	v35 =	vor.u32 $0x230, v0;
	s11 =	sadd.s32 s9, s3;
	s12 =	ssub.s32 s4, s29;
	(pc) =	sbr.rel .LBB2_1-.Ltmp0, $4  }
0xe: {  	v36 =	vor.u32 $0x240, v0;
	v37 =	vor.u32 $0x250, v0;
	v38 =	vor.u32 $0x260, v0;
	s31 =	sshrl.u32 s10, $0x3;
	s3 =	sand.u32 $0xE00, s30;
	s4 =	sadd.s32 s5, s8  }
0xf: {  	v39 =	vor.u32 $0x270, v0;
	v40 =	vor.u32 $0x280, v0;
	v41 =	vor.u32 $0x290, v0;
	s7 =	sadd.s32 s7, s9;
	s10 =	simm.s32 $0x1;
	s6 =	sadd.s32 s5, s31  }
0x10: {  	v42 =	vor.u32 $0x2A0, v0;
	v43 =	vor.u32 $0x2B0, v0;
	v44 =	vor.u32 $0x2C0, v0;
	s8 =	sadd.s32 $0xC00, s11;
	s9 =	smax.u32 s12, $0x1;
	s11 =	simm.s32 $0x1080  }
0x11: {  	v45 =	vor.u32 $0x2D0, v0;
	v46 =	vor.u32 $0x2E0, v0;
	v47 =	vor.u32 $0x2F0, v0;
	s12 =	simm.s32 $0x2100;
	s5 =	sadd.s32 $0x200, s6;
	s6 =	sadd.s32 $0x400, s6  }
.LBB2_12:
0x12: {  	[hbm4b:s7+s2] =	stream.linear.scatter [tilespmem:s14], [sflag:$0x1], $0x4000, $0x38;
	[tilespmem:$0xB500] =	vst v63  }
0x13: {  	s16 =	sadd.s32 $0x1, s16;
	_ =	swait.ge [sflag:s10], $0x4000  }
0x14: {  	p0 =	sne.s32 s16, s9;
	[sflag:s10] =	ssyncset.done $0x0  }
.Ltmp1:
0x15: {  	[sflag:s10] =	ssyncadd.s32 $0xFFFFC000;
	(pc) =	sbr.rel @!p0 .LBB2_13-.Ltmp1, $4  }
0x16: {  	[hbm4b:s8+s2] =	stream.linear.scatter [tilespmem:s15], [sflag:$0x1], $0x4000, $0x38;
	[tilespmem:$0xB500] =	vst v63  }
0x17: {  	_ =	swait.ge [sflag:s10], $0x4000  }
0x18: {  	[sflag:s10] =	ssyncset.done $0x0  }
0x19: {  	[sflag:s10] =	ssyncadd.s32 $0xFFFFC000  }
.LBB2_1:
0x1a: {  	[tilespmem:s2], [sflag:$0x1] =	stream.linear.gather [hbm4b:s4+s2], $0x1000, $0x38;
	[tilespmem:$0xB500] =	vst v63  }
0x1b: {  	_ =	swait.ge [sflag:s10], $0x1000  }
0x1c: {  	[sflag:s10] =	ssyncset.done $0x0  }
0x1d: {  	[sflag:s10] =	ssyncadd.s32 $0xFFFFF000  }
0x1e: {  	[tilespmem:s11], [sflag:$0x1] =	stream.linear.gather [hbm4b:s5+s2], $0x1000, $0x38;
	[tilespmem:$0xB500] =	vst v63  }
0x1f: {  	_ =	swait.ge [sflag:s10], $0x1000  }
0x20: {  	[sflag:s10] =	ssyncset.done $0x0  }
.Ltmp2:
0x21: {  	[sflag:s10] =	ssyncadd.s32 $0xFFFFF000;
	(pc) =	sbr.rel .LBB2_2-.Ltmp2, $4  }
0x22: {  	[tilespmem:s12], [sflag:$0x1] =	stream.linear.gather [hbm4b:s6+s2], $0x1000, $0x38;
	[tilespmem:$0xB500] =	vst v63  }
0x23: {  	_ =	swait.ge [sflag:s10], $0x1000  }
0x24: {  	[sflag:s10] =	ssyncset.done $0x0  }
0x25: {  	s17 =	simm.s32 $0x0;
	[sflag:s10] =	ssyncadd.s32 $0xFFFFF000  }
.LBB2_11:
0x26: {  	v2 =	vld [tilespmem:$0x3180];
	_ =	sdelay $0x2  }
0x27: {  	v3 =	vmov s18  }
0x28: {  	v48 =	vld [tilespmem:$0x3190];
	v49 =	vsub.s32 v0, v3  }
0x29: {  	s31 =	sshll.u32 s17, $0x5;
	s17 =	sadd.s32 $0x1, s17;
	v3 =	vsub.s32 v1, v3;
	v51 =	vshrl.u32 v49, $0x1F;
	v50 =	vbroadcast v2, $0x0  }
0x2a: {  	p0 =	sne.s32 s17, $0x200;
	v52 =	vshrl.u32 v3, $0x1F;
	v53 =	vxor.u32 $0x1, v51  }
.Ltmp3:
0x2b: {  	v49 =	vshra.s32 v49, $0x1F;
	v54 =	vxor.u32 $0x1, v52;
	v53 =	vmul.u32 v50, v53;
	(pc) =	sbr.rel @!p0 .LBB2_12-.Ltmp3, $4  }
0x2c: {  	v3 =	vshra.s32 v3, $0x1F;
	[tilespmem:s31+$0x7500] =	vst v51;
	v2 =	vand.u32 v2, v49;
	v63 =	vmul.u32 v50, v54  }
0x2d: {  	[tilespmem:s31+$0x7510] =	vst v52;
	v3 =	vand.u32 v48, v3;
	v2 =	vadd.s32 v2, v53  }
0x2e: {  	[tilespmem:s31+$0x3500] =	vst v2;
	v2 =	vadd.s32 v3, v63  }
0x2f: {  	[tilespmem:s31+$0x3510] =	vst v2  }
.LBB2_2:
0x30: {  	v51 =	vld [tilespmem:$0x0]  }
0x31: {  	v52 =	vld [tilespmem:$0x1080]  }
0x32: {  	v53 =	vld [tilespmem:$0x10]  }
0x33: {  	v54 =	vld [tilespmem:$0x1090]  }
0x34: {  	v55 =	vld [tilespmem:$0x2100]  }
0x35: {  	s18 =	sor.u32 s3, s17;
	v56 =	vld [tilespmem:$0x2110]  }
0x36: {  	v48 =	vld.msk [tilespmem:s18+$0x0 ss:$0x0], $0xffff  }
0x37: {  	v49 =	vld.msk [tilespmem:s18+$0x1080 ss:$0x0], $0xffff  }
0x38: {  	v50 =	vld.msk [tilespmem:s18+$0x2100 ss:$0x0], $0xffff  }
0x39: {  	v57 =	vld [tilespmem:$0x20]  }
0x3a: {  	v58 =	vld [tilespmem:$0x10A0]  }
0x3b: {  	v60 =	vld [tilespmem:$0x30];
	v51 =	vsub.f32 v51, v48  }
0x3c: {  	v59 =	vld [tilespmem:$0x2120];
	v52 =	vsub.f32 v52, v49;
	v53 =	vsub.f32 v53, v48  }
0x3d: {  	v61 =	vld [tilespmem:$0x10B0];
	v54 =	vsub.f32 v54, v49;
	v55 =	vsub.f32 v55, v50  }
0x3e: {  	v62 =	vld [tilespmem:$0x10C0];
	v56 =	vsub.f32 v56, v50;
	v57 =	vsub.f32 v57, v48  }
0x3f: {  	v2 =	vld [tilespmem:$0x60];
	v58 =	vsub.f32 v58, v49;
	v51 =	vmul.f32 v51, v51;
	v52 =	vmul.f32 v52, v52  }
0x40: {  	v3 =	vld [tilespmem:$0x90];
	v60 =	vsub.f32 v60, v48;
	v53 =	vmul.f32 v53, v53;
	v54 =	vmul.f32 v54, v54  }
0x41: {  	v57 =	vmul.f32 v57, v57;
	v58 =	vmul.f32 v58, v58;
	v51 =	vadd.f32 v52, v51;
	v52 =	vld [tilespmem:$0x2130]  }
0x42: {  	v55 =	vmul.f32 v55, v55;
	v53 =	vadd.f32 v54, v53;
	v54 =	vmul.f32 v56, v56;
	v56 =	vld [tilespmem:$0x40]  }
0x43: {  	v61 =	vsub.f32 v61, v49;
	v57 =	vadd.f32 v58, v57;
	v58 =	vld [tilespmem:$0x2150]  }
0x44: {  	v63 =	vld [tilespmem:$0x10D0];
	v60 =	vmul.f32 v60, v60;
	v51 =	vadd.f32 v55, v51  }
0x45: {  	v61 =	vmul.f32 v61, v61;
	v53 =	vadd.f32 v54, v53;
	v54 =	vld [tilespmem:$0x2140];
	v55 =	vsub.f32 v59, v50  }
0x46: {  	v2 =	vsub.f32 v2, v48;
	v3 =	vsub.f32 v3, v48;
	v59 =	vld [tilespmem:$0x50]  }
0x47: {  	v60 =	vadd.f32 v61, v60;
	v61 =	vld [tilespmem:$0x2160];
	v55 =	vmul.f32 v55, v55;
	v52 =	vsub.f32 v52, v50  }
0x48: {  	vm0 =	vlt.f32 v51, $3.999999910e-02;
	v56 =	vsub.f32 v56, v48;
	v58 =	vsub.f32 v58, v50  }
0x49: {  	vm1 =	vlt.f32 v53, $3.999999910e-02;
	v51 =	vadd.f32 v55, v57;
	v55 =	vsub.f32 v62, v49;
	v57 =	vld [tilespmem:$0x10E0]  }
0x4a: {  	v62 =	vsub.f32 v63, v49;
	v63 =	vld [tilespmem:$0x70];
	v52 =	vmul.f32 v52, v52;
	v56 =	vmul.f32 v56, v56  }
0x4b: {  	v59 =	vsub.f32 v59, v48;
	v53 =	vsub.f32 v54, v50;
	v54 =	vld [tilespmem:$0x10F0];
	v55 =	vmul.f32 v55, v55  }
0x4c: {  	v2 =	vmul.f32 v2, v2;
	v61 =	vsub.f32 v61, v50;
	v52 =	vadd.f32 v52, v60  }
0x4d: {  	v60 =	vld [tilespmem:$0x2170];
	v55 =	vadd.f32 v55, v56;
	v56 =	vmul.f32 v59, v59;
	v59 =	vmul.f32 v62, v62  }
0x4e: {  	vm2 =	vlt.f32 v51, $3.999999910e-02;
	v53 =	vmul.f32 v53, v53;
	v62 =	vld [tilespmem:$0x2180];
	v51 =	vsub.f32 v57, v49  }
0x4f: {  	v58 =	vmul.f32 v58, v58;
	v63 =	vsub.f32 v63, v48;
	v56 =	vadd.f32 v59, v56;
	v59 =	vld [tilespmem:$0x1100]  }
0x50: {  	v54 =	vsub.f32 v54, v49;
	v53 =	vadd.f32 v53, v55;
	v55 =	vld [tilespmem:$0x1110];
	v51 =	vmul.f32 v51, v51  }
0x51: {  	v3 =	vmul.f32 v3, v3;
	v57 =	vld [tilespmem:$0x80];
	v56 =	vadd.f32 v58, v56;
	v58 =	vmul.f32 v63, v63  }
0x52: {  	v54 =	vmul.f32 v54, v54;
	v2 =	vadd.f32 v51, v2;
	v51 =	vmul.f32 v61, v61;
	v61 =	vld [tilespmem:$0x2190]  }
0x53: {  	vm6 =	vlt.f32 v52, $3.999999910e-02;
	vm4 =	vlt.f32 v53, $3.999999910e-02;
	v63 =	vsub.f32 v60, v50  }
0x54: {  	vm5 =	vlt.f32 v56, $3.999999910e-02;
	v53 =	vadd.f32 v54, v58;
	v54 =	vld [tilespmem:$0x1120];
	v2 =	vadd.f32 v51, v2  }
0x55: {  	v52 =	vmul.f32 v63, v63;
	v51 =	vld [tilespmem:$0xA0];
	v60 =	vsub.f32 v59, v49;
	v55 =	vsub.f32 v55, v49  }
0x56: {  	v58 =	vld [tilespmem:$0xB0];
	v59 =	vsub.f32 v62, v50;
	vm3 =	vlt.f32 v2, $3.999999910e-02;
	v2 =	vsub.f32 v57, v48  }
0x57: {  	v57 =	vld [tilespmem:$0x21A0];
	v56 =	vmul.f32 v60, v60;
	v55 =	vmul.f32 v55, v55;
	v61 =	vsub.f32 v61, v50  }
0x58: {  	v52 =	vadd.f32 v52, v53;
	v60 =	vld [tilespmem:$0x1130];
	v53 =	vmul.f32 v59, v59;
	v2 =	vmul.f32 v2, v2  }
0x59: {  	v62 =	vld [tilespmem:$0xC0];
	v3 =	vadd.f32 v55, v3;
	v59 =	vsub.f32 v54, v49;
	v63 =	vmul.f32 v61, v61  }
0x5a: {  	vm7 =	vlt.f32 v52, $3.999999910e-02;
	v55 =	vld [tilespmem:$0x21C0];
	v51 =	vsub.f32 v51, v48  }
0x5b: {  	v2 =	vadd.f32 v56, v2;
	v56 =	vld [tilespmem:$0x1140];
	v52 =	vmul.f32 v59, v59;
	v3 =	vadd.f32 v63, v3  }
0x5c: {  	v61 =	vsub.f32 v57, v50;
	v51 =	vmul.f32 v51, v51;
	v57 =	vsub.f32 v58, v48  }
0x5d: {  	v58 =	vsub.f32 v60, v49;
	v2 =	vadd.f32 v53, v2;
	v53 =	vld [tilespmem:$0x21B0]  }
0x5e: {  	v60 =	vsub.f32 v62, v48;
	v54 =	vmul.f32 v61, v61;
	v61 =	vld [tilespmem:$0x1150];
	v51 =	vadd.f32 v52, v51  }
0x5f: {  	v52 =	vmul.f32 v57, v57;
	v57 =	vmul.f32 v58, v58;
	vm11 =	vlt.f32 v3, $3.999999910e-02;
	v3 =	vld [tilespmem:$0xE0]  }
0x60: {  	v59 =	vld [tilespmem:$0xD0];
	v62 =	vmul.f32 v60, v60;
	v63 =	vsub.f32 v55, v50;
	v56 =	vsub.f32 v56, v49  }
0x61: {  	vm8 =	vlt.f32 v2, $3.999999910e-02;
	v2 =	vadd.f32 v54, v51;
	v52 =	vadd.f32 v57, v52  }
0x62: {  	v51 =	vmul.f32 v63, v63;
	v53 =	vsub.f32 v53, v50;
	v56 =	vmul.f32 v56, v56  }
0x63: {  	v57 =	vmpcnt.ones.xlane vm2;
	vm9 =	vlt.f32 v2, $3.999999910e-02;
	v63 =	vsub.f32 v61, v49  }
0x64: {  	v3 =	vsub.f32 v3, v48;
	v53 =	vmul.f32 v53, v53;
	v60 =	vadd.f32 v56, v62  }
0x65: {  	v54 =	vld [tilespmem:$0x21D0];
	v61 =	vmpcnt.ones.xlane vm0;
	v62 =	vsub.f32 v59, v48;
	v59 =	vmul.f32 v63, v63  }
0x66: {  	v3 =	vmul.f32 v3, v3;
	v2 =	vadd.f32 v53, v52;
	v51 =	vadd.f32 v51, v60;
	v60 =	vld [tilespmem:$0x1160]  }
0x67: {  	(v2sf) =	vpush v61, $0x0;
	v58 =	vmul.f32 v62, v62;
	v62 =	vmpcnt.ones.xlane vm1  }
0x68: {  	v63 =	vld [tilespmem:$0x21E0];
	v61 =	vmpcnt.ones.xlane vm3;
	vm12 =	vlt.f32 v2, $3.999999910e-02;
	vm10 =	vlt.f32 v51, $3.999999910e-02  }
0x69: {  	v51 =	vadd.f32 v59, v58;
	(v2sf) =	vpush v62, $0x0;
	v58 =	vmpcnt.ones.xlane vm6  }
0x6a: {  	v2 =	vsub.f32 v54, v50;
	v59 =	vmpcnt.ones.xlane vm4;
	(v2sf) =	vpush v57, $0x0  }
0x6b: {  	(v2sf) =	vpush v58, $0x0;
	v55 =	vsub.f32 v60, v49;
	v60 =	vmpcnt.ones.xlane vm5  }
0x6c: {  	v62 =	vmpcnt.ones.xlane vm7;
	v57 =	vmpcnt.ones.xlane vm11;
	(v2sf) =	vpush v59, $0x0  }
0x6d: {  	v53 =	vsub.f32 v63, v50;
	v55 =	vmul.f32 v55, v55;
	(v2sf) =	vpush v60, $0x0  }
0x6e: {  	v2 =	vmul.f32 v2, v2;
	v63 =	vmpcnt.ones.xlane vm8;
	(v2sf) =	vpush v61, $0x0  }
0x6f: {  	v53 =	vmul.f32 v53, v53;
	v3 =	vadd.f32 v55, v3;
	(v2sf) =	vpush v62, $0x0  }
0x70: {  	v58 =	vmpcnt.ones.xlane vm9;
	v2 =	vadd.f32 v2, v51;
	(v2sf) =	vpush v63, $0x0  }
0x71: {  	v59 =	vmpcnt.ones.xlane vm12;
	v3 =	vadd.f32 v53, v3;
	(v2sf) =	vpush v57, $0x0  }
0x72: {  	vm14 =	vlt.f32 v2, $3.999999910e-02;
	v2 =	vmpcnt.ones.xlane vm10;
	(v2sf) =	vpush v58, $0x0  }
0x73: {  	vm13 =	vlt.f32 v3, $3.999999910e-02;
	(v2sf) =	vpush v59, $0x0;
	v3 =	vmpcnt.ones.xlane vm14  }
0x74: {  	v60 =	vld [tilespmem:$0xF0];
	(v2sf) =	vpush v2, $0x0;
	v2 =	vmpcnt.ones.xlane vm13  }
0x75: {  	v61 =	vld [tilespmem:$0x1FFE0];
	(v2sf) =	vpush v3, $0x0  }
0x76: {  	v62 =	vld [tilespmem:$0x1FFF0];
	(v2sf) =	vpush v2, $0x0  }
0x77: {  	s24 =	spop (v2sf);
	v3 =	vld [tilespmem:$0x1170]  }
0x78: {  	v2 =	vld [tilespmem:$0x21F0];
	[tilespmem:s13+$0x0] =	vst.msk vm0, v0;
	s19 =	spop (v2sf)  }
0x79: {  	[tilespmem:s24+$0x3180] =	vst.msk vm1, v1;
	s18 =	sadd.s32 s24, s19;
	s25 =	spop (v2sf)  }
0x7a: {  	[tilespmem:s18+$0x3180] =	vst.msk vm2, v61;
	s18 =	sadd.s32 s18, s25;
	s26 =	spop (v2sf)  }
0x7b: {  	[tilespmem:s18+$0x3180] =	vst.msk vm6, v62;
	s18 =	sadd.s32 s18, s26;
	s28 =	spop (v2sf)  }
0x7c: {  	[tilespmem:s18+$0x3180] =	vst.msk vm4, v4;
	s18 =	sadd.s32 s18, s28;
	s29 =	spop (v2sf)  }
0x7d: {  	[tilespmem:s18+$0x3180] =	vst.msk vm5, v5;
	s18 =	sadd.s32 s18, s29;
	s30 =	spop (v2sf)  }
0x7e: {  	v51 =	vsub.f32 v60, v48;
	v3 =	vsub.f32 v3, v49;
	[tilespmem:s18+$0x3180] =	vst.msk vm3, v6;
	s18 =	sadd.s32 s18, s30;
	s31 =	spop (v2sf)  }
0x7f: {  	[tilespmem:s18+$0x3180] =	vst.msk vm7, v7;
	s18 =	sadd.s32 s18, s31;
	s20 =	spop (v2sf)  }
0x80: {  	v51 =	vmul.f32 v51, v51;
	v2 =	vsub.f32 v2, v50;
	v3 =	vmul.f32 v3, v3;
	[tilespmem:s18+$0x3180] =	vst.msk vm8, v8;
	s18 =	sadd.s32 s18, s20;
	s21 =	spop (v2sf)  }
0x81: {  	[tilespmem:s18+$0x3180] =	vst.msk vm11, v9;
	s18 =	sadd.s32 s18, s21;
	s22 =	spop (v2sf)  }
0x82: {  	v2 =	vmul.f32 v2, v2;
	v3 =	vadd.f32 v3, v51;
	[tilespmem:s18+$0x3180] =	vst.msk vm9, v10;
	s18 =	sadd.s32 s18, s22;
	s23 =	spop (v2sf)  }
0x83: {  	[tilespmem:s18+$0x3180] =	vst.msk vm12, v11;
	s18 =	sadd.s32 s18, s23;
	s24 =	spop (v2sf)  }
0x84: {  	v2 =	vadd.f32 v2, v3;
	[tilespmem:s18+$0x3180] =	vst.msk vm10, v12;
	s18 =	sadd.s32 s18, s24;
	s25 =	spop (v2sf)  }
0x85: {  	[tilespmem:s18+$0x3180] =	vst.msk vm14, v13;
	s18 =	sadd.s32 s18, s25;
	s26 =	spop (v2sf)  }
0x86: {  	vm14 =	vlt.f32 v2, $3.999999910e-02;
	[tilespmem:s18+$0x3180] =	vst.msk vm13, v14;
	s18 =	sadd.s32 s18, s26  }
0x87: {  	[tilespmem:s18+$0x3180] =	vst.msk vm14, v15  }
0x88: {  	v2 =	vld [tilespmem:$0x100]  }
0x89: {  	v3 =	vld [tilespmem:$0x1180]  }
0x8a: {  	v63 =	vld [tilespmem:$0x110]  }
0x8b: {  	v52 =	vld [tilespmem:$0x1190]  }
0x8c: {  	v60 =	vld [tilespmem:$0x2200]  }
0x8d: {  	v61 =	vld [tilespmem:$0x2210]  }
0x8e: {  	v57 =	vmpcnt.ones.xlane vm14;
	v55 =	vld [tilespmem:$0x120]  }
0x8f: {  	v56 =	vld [tilespmem:$0x11A0]  }
0x90: {  	v59 =	vld [tilespmem:$0x130];
	(v2sf) =	vpush v57, $0x0;
	v2 =	vsub.f32 v2, v48  }
0x91: {  	v57 =	vld [tilespmem:$0x11C0];
	v3 =	vsub.f32 v3, v49;
	v51 =	vsub.f32 v63, v48  }
0x92: {  	v52 =	vsub.f32 v52, v49;
	v53 =	vsub.f32 v60, v50  }
0x93: {  	v54 =	vsub.f32 v61, v50;
	v60 =	vld [tilespmem:$0x11B0];
	v55 =	vsub.f32 v55, v48;
	v2 =	vmul.f32 v2, v2  }
0x94: {  	v58 =	vld [tilespmem:$0x2220];
	v56 =	vsub.f32 v56, v49;
	v3 =	vmul.f32 v3, v3;
	v51 =	vmul.f32 v51, v51  }
0x95: {  	v59 =	vsub.f32 v59, v48;
	v61 =	vld [tilespmem:$0x11D0];
	v52 =	vmul.f32 v52, v52;
	v62 =	vmul.f32 v54, v54  }
0x96: {  	v63 =	vsub.f32 v57, v49;
	v54 =	vld [tilespmem:$0x140];
	v55 =	vmul.f32 v55, v55;
	v56 =	vmul.f32 v56, v56  }
0x97: {  	v53 =	vmul.f32 v53, v53;
	v2 =	vadd.f32 v3, v2;
	v3 =	vld [tilespmem:$0x2230];
	v51 =	vadd.f32 v52, v51  }
0x98: {  	v52 =	vld [tilespmem:$0x2240];
	v55 =	vadd.f32 v56, v55;
	v60 =	vsub.f32 v60, v49  }
0x99: {  	v56 =	vld [tilespmem:$0x2250];
	v2 =	vadd.f32 v53, v2;
	v53 =	vsub.f32 v58, v50  }
0x9a: {  	v59 =	vmul.f32 v59, v59;
	v51 =	vadd.f32 v62, v51;
	v58 =	vld [tilespmem:$0x150];
	v60 =	vmul.f32 v60, v60  }
0x9b: {  	v62 =	vld [tilespmem:$0x160];
	v54 =	vsub.f32 v54, v48;
	v53 =	vmul.f32 v53, v53;
	vm0 =	vlt.f32 v2, $3.999999910e-02  }
0x9c: {  	vm1 =	vlt.f32 v51, $3.999999910e-02;
	v3 =	vsub.f32 v3, v50;
	v57 =	vadd.f32 v60, v59;
	v59 =	vld [tilespmem:$0x2260]  }
0x9d: {  	v54 =	vmul.f32 v54, v54;
	v51 =	vsub.f32 v52, v50;
	v2 =	vadd.f32 v53, v55;
	v55 =	vld [tilespmem:$0x11E0]  }
0x9e: {  	v60 =	vsub.f32 v61, v49;
	v52 =	vld [tilespmem:$0x11F0];
	v56 =	vsub.f32 v56, v50;
	v53 =	vmul.f32 v63, v63  }
0x9f: {  	v61 =	vld [tilespmem:$0x170];
	v3 =	vmul.f32 v3, v3;
	v58 =	vsub.f32 v58, v48;
	v51 =	vmul.f32 v51, v51  }
0xa0: {  	v53 =	vadd.f32 v53, v54;
	vm2 =	vlt.f32 v2, $3.999999910e-02;
	v2 =	vsub.f32 v62, v48  }
0xa1: {  	v3 =	vadd.f32 v3, v57;
	v54 =	vmul.f32 v58, v58;
	v57 =	vmul.f32 v60, v60;
	v58 =	vld [tilespmem:$0x2270]  }
0xa2: {  	v63 =	vld [tilespmem:$0x190];
	v56 =	vmul.f32 v56, v56;
	v59 =	vsub.f32 v59, v50;
	v55 =	vsub.f32 v55, v49  }
0xa3: {  	v62 =	vld [tilespmem:$0x2280];
	v2 =	vmul.f32 v2, v2;
	v52 =	vsub.f32 v52, v49;
	v54 =	vadd.f32 v57, v54  }
0xa4: {  	v61 =	vsub.f32 v61, v48;
	v51 =	vadd.f32 v51, v53;
	v57 =	vld [tilespmem:$0x1200];
	v55 =	vmul.f32 v55, v55  }
0xa5: {  	v60 =	vld [tilespmem:$0x180];
	v53 =	vmul.f32 v59, v59;
	v52 =	vmul.f32 v52, v52;
	v54 =	vadd.f32 v56, v54  }
0xa6: {  	v56 =	vmul.f32 v61, v61;
	v61 =	vsub.f32 v58, v50;
	v2 =	vadd.f32 v55, v2;
	v55 =	vld [tilespmem:$0x1210]  }
0xa7: {  	vm6 =	vlt.f32 v3, $3.999999910e-02;
	v3 =	vld [tilespmem:$0x1A0];
	vm4 =	vlt.f32 v51, $3.999999910e-02  }
0xa8: {  	v59 =	vld [tilespmem:$0x2290];
	v52 =	vadd.f32 v52, v56;
	v51 =	vmul.f32 v61, v61;
	v2 =	vadd.f32 v53, v2  }
0xa9: {  	v58 =	vld [tilespmem:$0x1B0];
	vm5 =	vlt.f32 v54, $3.999999910e-02;
	v54 =	vsub.f32 v57, v49  }
0xaa: {  	v51 =	vadd.f32 v51, v52;
	v52 =	vld [tilespmem:$0x22B0];
	vm3 =	vlt.f32 v2, $3.999999910e-02;
	v2 =	vsub.f32 v60, v48  }
0xab: {  	v57 =	vsub.f32 v63, v48;
	v61 =	vld [tilespmem:$0x1230];
	v55 =	vsub.f32 v55, v49  }
0xac: {  	v3 =	vsub.f32 v3, v48;
	v53 =	vld [tilespmem:$0x1220];
	v54 =	vmul.f32 v54, v54;
	v2 =	vmul.f32 v2, v2  }
0xad: {  	v56 =	vld [tilespmem:$0x22A0];
	v57 =	vmul.f32 v57, v57;
	v60 =	vsub.f32 v62, v50;
	v55 =	vmul.f32 v55, v55  }
0xae: {  	v59 =	vsub.f32 v59, v50;
	v2 =	vadd.f32 v54, v2  }
0xaf: {  	v62 =	vld [tilespmem:$0x1C0];
	v63 =	vmul.f32 v60, v60;
	v52 =	vsub.f32 v52, v50;
	v55 =	vadd.f32 v55, v57  }
0xb0: {  	v60 =	vmul.f32 v59, v59;
	v54 =	vld [tilespmem:$0x1240];
	v57 =	vsub.f32 v58, v48;
	v58 =	vsub.f32 v61, v49  }
0xb1: {  	v3 =	vmul.f32 v3, v3;
	v59 =	vld [tilespmem:$0x1D0];
	v2 =	vadd.f32 v63, v2;
	v63 =	vsub.f32 v53, v49  }
0xb2: {  	v61 =	vld [tilespmem:$0x1250];
	v52 =	vmul.f32 v52, v52;
	v53 =	vadd.f32 v60, v55;
	v60 =	vsub.f32 v56, v50  }
0xb3: {  	vm7 =	vlt.f32 v51, $3.999999910e-02;
	v56 =	vld [tilespmem:$0x22C0];
	v51 =	vmul.f32 v63, v63;
	v63 =	vmul.f32 v58, v58  }
0xb4: {  	v55 =	vmul.f32 v60, v60;
	v60 =	vsub.f32 v62, v48;
	v62 =	vmul.f32 v57, v57  }
0xb5: {  	vm8 =	vlt.f32 v2, $3.999999910e-02;
	v54 =	vsub.f32 v54, v49;
	v57 =	vmpcnt.ones.xlane vm1  }
0xb6: {  	v58 =	vld [tilespmem:$0x22E0];
	v3 =	vadd.f32 v51, v3;
	v60 =	vmul.f32 v60, v60;
	v51 =	vadd.f32 v63, v62  }
0xb7: {  	v54 =	vmul.f32 v54, v54;
	v62 =	vsub.f32 v59, v48;
	v63 =	vsub.f32 v61, v49  }
0xb8: {  	v59 =	vmpcnt.ones.xlane vm2;
	v2 =	vadd.f32 v55, v3;
	v3 =	vsub.f32 v56, v50  }
0xb9: {  	v54 =	vadd.f32 v54, v60;
	v60 =	vmul.f32 v62, v62;
	v61 =	vmul.f32 v63, v63  }
0xba: {  	vm11 =	vlt.f32 v53, $3.999999910e-02;
	v62 =	vld [tilespmem:$0x1260];
	v63 =	vmpcnt.ones.xlane vm0;
	v3 =	vmul.f32 v3, v3  }
0xbb: {  	v53 =	vsub.f32 v58, v50;
	vm9 =	vlt.f32 v2, $3.999999910e-02;
	v2 =	vadd.f32 v52, v51;
	v51 =	vld [tilespmem:$0x1E0]  }
0xbc: {  	v55 =	vld [tilespmem:$0x22D0];
	v58 =	vmpcnt.ones.xlane vm8;
	(v2sf) =	vpush v63, $0x0;
	v3 =	vadd.f32 v3, v54  }
0xbd: {  	v63 =	vmpcnt.ones.xlane vm3;
	vm12 =	vlt.f32 v2, $3.999999910e-02;
	(v2sf) =	vpush v57, $0x0  }
0xbe: {  	vm10 =	vlt.f32 v3, $3.999999910e-02;
	v3 =	vadd.f32 v61, v60;
	v60 =	vmpcnt.ones.xlane vm6  }
0xbf: {  	(v2sf) =	vpush v59, $0x0;
	v54 =	vsub.f32 v62, v49;
	v61 =	vmpcnt.ones.xlane vm4  }
0xc0: {  	v62 =	vmpcnt.ones.xlane vm5;
	v51 =	vsub.f32 v51, v48;
	(v2sf) =	vpush v60, $0x0  }
0xc1: {  	v57 =	vmpcnt.ones.xlane vm7;
	v2 =	vsub.f32 v55, v50;
	(v2sf) =	vpush v61, $0x0  }
0xc2: {  	v54 =	vmul.f32 v54, v54;
	v51 =	vmul.f32 v51, v51;
	(v2sf) =	vpush v62, $0x0  }
0xc3: {  	v53 =	vmul.f32 v53, v53;
	v2 =	vmul.f32 v2, v2;
	(v2sf) =	vpush v63, $0x0  }
0xc4: {  	v59 =	vmpcnt.ones.xlane vm11;
	v51 =	vadd.f32 v54, v51;
	(v2sf) =	vpush v57, $0x0  }
0xc5: {  	v2 =	vadd.f32 v2, v3;
	v3 =	vmpcnt.ones.xlane vm9;
	(v2sf) =	vpush v58, $0x0  }
0xc6: {  	v60 =	vmpcnt.ones.xlane vm12;
	v51 =	vadd.f32 v53, v51;
	(v2sf) =	vpush v59, $0x0  }
0xc7: {  	vm14 =	vlt.f32 v2, $3.999999910e-02;
	v2 =	vmpcnt.ones.xlane vm10;
	(v2sf) =	vpush v3, $0x0  }
0xc8: {  	vm13 =	vlt.f32 v51, $3.999999910e-02;
	v3 =	vmpcnt.ones.xlane vm14;
	(v2sf) =	vpush v60, $0x0  }
0xc9: {  	(v2sf) =	vpush v2, $0x0;
	v2 =	vmpcnt.ones.xlane vm13  }
0xca: {  	(v2sf) =	vpush v3, $0x0  }
0xcb: {  	s28 =	spop (v2sf);
	v61 =	vld [tilespmem:$0x1F0];
	(v2sf) =	vpush v2, $0x0  }
0xcc: {  	s18 =	sadd.s32 s18, s28;
	v3 =	vld [tilespmem:$0x1270];
	s29 =	spop (v2sf)  }
0xcd: {  	v2 =	vld [tilespmem:$0x22F0];
	[tilespmem:s18+$0x3180] =	vst.msk vm0, v16;
	s18 =	sadd.s32 s18, s29;
	s30 =	spop (v2sf)  }
0xce: {  	[tilespmem:s18+$0x3180] =	vst.msk vm1, v17;
	s18 =	sadd.s32 s18, s30;
	s31 =	spop (v2sf)  }
0xcf: {  	[tilespmem:s18+$0x3180] =	vst.msk vm2, v18;
	s18 =	sadd.s32 s18, s31;
	s20 =	spop (v2sf)  }
0xd0: {  	[tilespmem:s18+$0x3180] =	vst.msk vm6, v19;
	s18 =	sadd.s32 s18, s20;
	s21 =	spop (v2sf)  }
0xd1: {  	[tilespmem:s18+$0x3180] =	vst.msk vm4, v20;
	s18 =	sadd.s32 s18, s21;
	s22 =	spop (v2sf)  }
0xd2: {  	[tilespmem:s18+$0x3180] =	vst.msk vm5, v21;
	s18 =	sadd.s32 s18, s22;
	s23 =	spop (v2sf)  }
0xd3: {  	v51 =	vsub.f32 v61, v48;
	v3 =	vsub.f32 v3, v49;
	[tilespmem:s18+$0x3180] =	vst.msk vm3, v22;
	s18 =	sadd.s32 s18, s23;
	s24 =	spop (v2sf)  }
0xd4: {  	[tilespmem:s18+$0x3180] =	vst.msk vm7, v23;
	s18 =	sadd.s32 s18, s24;
	s25 =	spop (v2sf)  }
0xd5: {  	v51 =	vmul.f32 v51, v51;
	v2 =	vsub.f32 v2, v50;
	v3 =	vmul.f32 v3, v3;
	[tilespmem:s18+$0x3180] =	vst.msk vm8, v24;
	s18 =	sadd.s32 s18, s25;
	s26 =	spop (v2sf)  }
0xd6: {  	[tilespmem:s18+$0x3180] =	vst.msk vm11, v25;
	s18 =	sadd.s32 s18, s26;
	s28 =	spop (v2sf)  }
0xd7: {  	v2 =	vmul.f32 v2, v2;
	v3 =	vadd.f32 v3, v51;
	[tilespmem:s18+$0x3180] =	vst.msk vm9, v26;
	s18 =	sadd.s32 s18, s28;
	s29 =	spop (v2sf)  }
0xd8: {  	[tilespmem:s18+$0x3180] =	vst.msk vm12, v27;
	s18 =	sadd.s32 s18, s29;
	s30 =	spop (v2sf)  }
0xd9: {  	v2 =	vadd.f32 v2, v3;
	[tilespmem:s18+$0x3180] =	vst.msk vm10, v28;
	s18 =	sadd.s32 s18, s30;
	s31 =	spop (v2sf)  }
0xda: {  	[tilespmem:s18+$0x3180] =	vst.msk vm14, v29;
	s18 =	sadd.s32 s18, s31;
	s20 =	spop (v2sf)  }
0xdb: {  	vm15 =	vlt.f32 v2, $3.999999910e-02;
	[tilespmem:s18+$0x3180] =	vst.msk vm13, v30;
	s18 =	sadd.s32 s18, s20  }
0xdc: {  	[tilespmem:s18+$0x3180] =	vst.msk vm15, v31  }
0xdd: {  	v2 =	vld [tilespmem:$0x200]  }
0xde: {  	v3 =	vld [tilespmem:$0x1280]  }
0xdf: {  	v51 =	vld [tilespmem:$0x210]  }
0xe0: {  	v52 =	vld [tilespmem:$0x1290]  }
0xe1: {  	v53 =	vld [tilespmem:$0x2300]  }
0xe2: {  	v62 =	vld [tilespmem:$0x2310]  }
0xe3: {  	v61 =	vmpcnt.ones.xlane vm15;
	v59 =	vld [tilespmem:$0x12B0]  }
0xe4: {  	v60 =	vld [tilespmem:$0x12A0]  }
0xe5: {  	(v2sf) =	vpush v61, $0x0;
	v63 =	vld [tilespmem:$0x220]  }
0xe6: {  	v58 =	vld [tilespmem:$0x230];
	v2 =	vsub.f32 v2, v48;
	v3 =	vsub.f32 v3, v49  }
0xe7: {  	v57 =	vld [tilespmem:$0x2320];
	v51 =	vsub.f32 v51, v48;
	v52 =	vsub.f32 v52, v49  }
0xe8: {  	v61 =	vld [tilespmem:$0x250];
	v53 =	vsub.f32 v53, v50;
	v59 =	vsub.f32 v59, v49;
	v2 =	vmul.f32 v2, v2  }
0xe9: {  	v56 =	vsub.f32 v60, v49;
	v60 =	vld [tilespmem:$0x12C0];
	v3 =	vmul.f32 v3, v3;
	v51 =	vmul.f32 v51, v51  }
0xea: {  	v55 =	vsub.f32 v63, v48;
	v52 =	vmul.f32 v52, v52;
	v63 =	vmul.f32 v59, v59;
	v59 =	vld [tilespmem:$0x2340]  }
0xeb: {  	v54 =	vsub.f32 v62, v50;
	v2 =	vadd.f32 v3, v2;
	v3 =	vld [tilespmem:$0x2330]  }
0xec: {  	v58 =	vsub.f32 v58, v48;
	v53 =	vmul.f32 v53, v53;
	v51 =	vadd.f32 v52, v51;
	v52 =	vld [tilespmem:$0x240]  }
0xed: {  	v57 =	vsub.f32 v57, v50;
	v61 =	vsub.f32 v61, v48;
	v54 =	vmul.f32 v54, v54  }
0xee: {  	v2 =	vadd.f32 v53, v2;
	v53 =	vmul.f32 v55, v55;
	v55 =	vmul.f32 v56, v56;
	v56 =	vld [tilespmem:$0x12D0]  }
0xef: {  	v62 =	vmul.f32 v58, v58;
	v58 =	vld [tilespmem:$0x260];
	v60 =	vsub.f32 v60, v49;
	v51 =	vadd.f32 v54, v51  }
0xf0: {  	v57 =	vmul.f32 v57, v57;
	v53 =	vadd.f32 v55, v53;
	v55 =	vld [tilespmem:$0x2350];
	v3 =	vsub.f32 v3, v50  }
0xf1: {  	vm0 =	vlt.f32 v2, $3.999999910e-02;
	v2 =	vsub.f32 v59, v50;
	v59 =	vld [tilespmem:$0x1300];
	v52 =	vsub.f32 v52, v48  }
0xf2: {  	v54 =	vadd.f32 v63, v62;
	v62 =	vld [tilespmem:$0x12E0];
	v53 =	vadd.f32 v57, v53;
	v3 =	vmul.f32 v3, v3  }
0xf3: {  	v63 =	vld [tilespmem:$0x270];
	v57 =	vmul.f32 v60, v60;
	v56 =	vsub.f32 v56, v49;
	v52 =	vmul.f32 v52, v52  }
0xf4: {  	v60 =	vld [tilespmem:$0x12F0];
	v3 =	vadd.f32 v3, v54  }
0xf5: {  	v54 =	vmul.f32 v61, v61;
	v56 =	vmul.f32 v56, v56;
	v52 =	vadd.f32 v57, v52  }
0xf6: {  	vm1 =	vlt.f32 v51, $3.999999910e-02;
	v61 =	vld [tilespmem:$0x2360];
	v51 =	vsub.f32 v55, v50;
	v59 =	vsub.f32 v59, v49  }
0xf7: {  	v2 =	vmul.f32 v2, v2;
	v57 =	vld [tilespmem:$0x2370];
	v54 =	vadd.f32 v56, v54;
	v56 =	vsub.f32 v58, v48  }
0xf8: {  	vm2 =	vlt.f32 v53, $3.999999910e-02;
	v55 =	vld [tilespmem:$0x280];
	v58 =	vsub.f32 v62, v49;
	v62 =	vsub.f32 v63, v48  }
0xf9: {  	v51 =	vmul.f32 v51, v51;
	v60 =	vsub.f32 v60, v49;
	v63 =	vld [tilespmem:$0x290];
	v2 =	vadd.f32 v2, v52  }
0xfa: {  	vm3 =	vlt.f32 v3, $3.999999910e-02;
	v52 =	vmul.f32 v56, v56;
	v56 =	vmul.f32 v58, v58;
	v58 =	vld [tilespmem:$0x1310]  }
0xfb: {  	v51 =	vadd.f32 v51, v54;
	v54 =	vmul.f32 v62, v62;
	v62 =	vld [tilespmem:$0x2380];
	v61 =	vsub.f32 v61, v50  }
0xfc: {  	v60 =	vmul.f32 v60, v60;
	vm4 =	vlt.f32 v2, $3.999999910e-02;
	v3 =	vsub.f32 v57, v50;
	v57 =	vld [tilespmem:$0x2A0]  }
0xfd: {  	v55 =	vsub.f32 v55, v48;
	v52 =	vadd.f32 v56, v52;
	v56 =	vld [tilespmem:$0x2390];
	v53 =	vmul.f32 v61, v61  }
0xfe: {  	v54 =	vadd.f32 v60, v54;
	v3 =	vmul.f32 v3, v3;
	v61 =	vsub.f32 v63, v48;
	v63 =	vld [tilespmem:$0x2B0]  }
0xff: {  	v60 =	vld [tilespmem:$0x1320];
	vm5 =	vlt.f32 v51, $3.999999910e-02;
	v58 =	vsub.f32 v58, v49;
	v52 =	vadd.f32 v53, v52  }
0x100: {  	v53 =	vmul.f32 v55, v55;
	v55 =	vmul.f32 v59, v59;
	v59 =	vld [tilespmem:$0x1330];
	v3 =	vadd.f32 v3, v54  }
0x101: {  	v54 =	vmul.f32 v61, v61;
	v61 =	vld [tilespmem:$0x23A0];
	v2 =	vsub.f32 v62, v50;
	v57 =	vsub.f32 v57, v48  }
0x102: {  	v58 =	vmul.f32 v58, v58;
	v53 =	vadd.f32 v55, v53;
	v55 =	vld [tilespmem:$0x23B0];
	v51 =	vsub.f32 v56, v50  }
0x103: {  	v56 =	vld [tilespmem:$0x2C0];
	v2 =	vmul.f32 v2, v2;
	vm6 =	vlt.f32 v52, $3.999999910e-02;
	v62 =	vsub.f32 v63, v48  }
0x104: {  	vm7 =	vlt.f32 v3, $3.999999910e-02;
	v63 =	vld [tilespmem:$0x2D0];
	v54 =	vadd.f32 v58, v54;
	v58 =	vsub.f32 v60, v49  }
0x105: {  	v60 =	vld [tilespmem:$0x1340];
	v51 =	vmul.f32 v51, v51;
	v2 =	vadd.f32 v2, v53;
	v53 =	vmul.f32 v57, v57  }
0x106: {  	v59 =	vsub.f32 v59, v49;
	v52 =	vsub.f32 v61, v50;
	v57 =	vmul.f32 v58, v58;
	v58 =	vld [tilespmem:$0x1350]  }
0x107: {  	v51 =	vadd.f32 v51, v54;
	v54 =	vmul.f32 v62, v62;
	v62 =	vld [tilespmem:$0x23C0];
	vm8 =	vlt.f32 v2, $3.999999910e-02  }
0x108: {  	v59 =	vmul.f32 v59, v59;
	v3 =	vsub.f32 v55, v50;
	v53 =	vadd.f32 v57, v53;
	v57 =	vld [tilespmem:$0x23D0]  }
0x109: {  	v2 =	vsub.f32 v56, v48;
	v52 =	vmul.f32 v52, v52;
	v56 =	vsub.f32 v63, v48  }
0x10a: {  	vm10 =	vlt.f32 v51, $3.999999910e-02;
	v54 =	vadd.f32 v59, v54;
	v61 =	vsub.f32 v60, v49;
	v60 =	vld [tilespmem:$0x2E0]  }
0x10b: {  	v2 =	vmul.f32 v2, v2;
	v3 =	vmul.f32 v3, v3;
	v58 =	vsub.f32 v58, v49  }
0x10c: {  	v56 =	vmul.f32 v56, v56;
	v59 =	vsub.f32 v62, v50;
	v55 =	vmul.f32 v61, v61  }
0x10d: {  	v52 =	vadd.f32 v52, v53;
	v61 =	vld [tilespmem:$0x1360];
	v57 =	vsub.f32 v57, v50;
	v58 =	vmul.f32 v58, v58  }
0x10e: {  	v63 =	vld [tilespmem:$0x2F0];
	v3 =	vadd.f32 v3, v54;
	v2 =	vadd.f32 v55, v2;
	v55 =	vmul.f32 v59, v59  }
0x10f: {  	v60 =	vsub.f32 v60, v48;
	v53 =	vadd.f32 v58, v56;
	v62 =	vmul.f32 v57, v57  }
0x110: {  	vm12 =	vlt.f32 v52, $3.999999910e-02;
	vm13 =	vlt.f32 v3, $3.999999910e-02;
	v2 =	vadd.f32 v55, v2;
	v58 =	vld [tilespmem:$0x1370]  }
0x111: {  	v57 =	vmpcnt.ones.xlane vm4;
	v3 =	vmul.f32 v60, v60;
	v59 =	vadd.f32 v62, v53  }
0x112: {  	vm11 =	vlt.f32 v2, $3.999999910e-02;
	v2 =	vsub.f32 v61, v49;
	v62 =	vmpcnt.ones.xlane vm0  }
0x113: {  	v60 =	vld [tilespmem:$0x23E0];
	v53 =	vsub.f32 v63, v48;
	v63 =	vmpcnt.ones.xlane vm1;
	v61 =	vmpcnt.ones.xlane vm2  }
0x114: {  	vm9 =	vlt.f32 v59, $3.999999910e-02;
	v2 =	vmul.f32 v2, v2;
	(v2sf) =	vpush v62, $0x0  }
0x115: {  	v62 =	vld [tilespmem:$0x23F0];
	v51 =	vsub.f32 v58, v49;
	(v2sf) =	vpush v63, $0x0;
	v63 =	vmpcnt.ones.xlane vm3  }
0x116: {  	v53 =	vmul.f32 v53, v53;
	(v2sf) =	vpush v61, $0x0;
	v2 =	vadd.f32 v2, v3  }
0x117: {  	v3 =	vmpcnt.ones.xlane vm5;
	v51 =	vmul.f32 v51, v51;
	(v2sf) =	vpush v63, $0x0  }
0x118: {  	v58 =	vmpcnt.ones.xlane vm6;
	v59 =	vsub.f32 v60, v50;
	(v2sf) =	vpush v57, $0x0  }
0x119: {  	v51 =	vadd.f32 v51, v53;
	(v2sf) =	vpush v3, $0x0;
	v3 =	vmpcnt.ones.xlane vm7  }
0x11a: {  	v61 =	vmpcnt.ones.xlane vm8;
	v60 =	vsub.f32 v62, v50;
	(v2sf) =	vpush v58, $0x0  }
0x11b: {  	v53 =	vmul.f32 v59, v59;
	(v2sf) =	vpush v3, $0x0;
	v3 =	vmpcnt.ones.xlane vm10  }
0x11c: {  	v62 =	vmpcnt.ones.xlane vm12;
	v54 =	vmul.f32 v60, v60;
	(v2sf) =	vpush v61, $0x0  }
0x11d: {  	v2 =	vadd.f32 v53, v2;
	(v2sf) =	vpush v3, $0x0;
	v3 =	vmpcnt.ones.xlane vm13  }
0x11e: {  	v63 =	vmpcnt.ones.xlane vm11;
	v51 =	vadd.f32 v54, v51;
	(v2sf) =	vpush v62, $0x0  }
0x11f: {  	vm14 =	vlt.f32 v2, $3.999999910e-02;
	v2 =	vmpcnt.ones.xlane vm9;
	(v2sf) =	vpush v3, $0x0  }
0x120: {  	vm15 =	vlt.f32 v51, $3.999999910e-02;
	v3 =	vmpcnt.ones.xlane vm14;
	(v2sf) =	vpush v63, $0x0  }
0x121: {  	(v2sf) =	vpush v2, $0x0;
	v2 =	vmpcnt.ones.xlane vm15  }
0x122: {  	s21 =	spop (v2sf);
	(v2sf) =	vpush v3, $0x0  }
0x123: {  	s18 =	sadd.s32 s18, s21;
	s22 =	spop (v2sf);
	(v2sf) =	vpush v2, $0x0  }
0x124: {  	s20 =	spop (v2sf);
	s19 =	sadd.s32 s18, s22  }
0x125: {  	[tilespmem:s18+$0x3180] =	vst.msk vm0, v32;
	s21 =	spop (v2sf);
	s20 =	sadd.s32 s19, s20  }
0x126: {  	[tilespmem:s19+$0x3180] =	vst.msk vm1, v33;
	s22 =	spop (v2sf);
	s23 =	sadd.s32 s20, s21  }
0x127: {  	[tilespmem:s20+$0x3180] =	vst.msk vm2, v34;
	s24 =	spop (v2sf);
	s25 =	sadd.s32 s23, s22  }
0x128: {  	[tilespmem:s23+$0x3180] =	vst.msk vm3, v35;
	s26 =	spop (v2sf);
	s28 =	sadd.s32 s25, s24  }
0x129: {  	[tilespmem:s25+$0x3180] =	vst.msk vm4, v36;
	s29 =	spop (v2sf);
	s30 =	sadd.s32 s28, s26  }
0x12a: {  	[tilespmem:s28+$0x3180] =	vst.msk vm5, v37;
	s31 =	spop (v2sf);
	s23 =	sadd.s32 s30, s29  }
0x12b: {  	[tilespmem:s30+$0x3180] =	vst.msk vm6, v38;
	s24 =	spop (v2sf);
	s25 =	sadd.s32 s23, s31  }
0x12c: {  	[tilespmem:s23+$0x3180] =	vst.msk vm7, v39;
	s26 =	spop (v2sf);
	s28 =	sadd.s32 s25, s24  }
0x12d: {  	[tilespmem:s25+$0x3180] =	vst.msk vm8, v40;
	s29 =	spop (v2sf);
	s30 =	sadd.s32 s28, s26  }
0x12e: {  	[tilespmem:s28+$0x3180] =	vst.msk vm10, v41;
	s31 =	spop (v2sf);
	s23 =	sadd.s32 s30, s29  }
0x12f: {  	[tilespmem:s30+$0x3180] =	vst.msk vm12, v42;
	s24 =	spop (v2sf);
	s25 =	sadd.s32 s23, s31  }
.Ltmp4:
0x130: {  	[tilespmem:s23+$0x3180] =	vst.msk vm13, v43;
	s26 =	spop (v2sf);
	s28 =	sadd.s32 s25, s24;
	(pc) =	sbr.rel .LBB2_3-.Ltmp4, $4  }
0x131: {  	[tilespmem:s25+$0x3180] =	vst.msk vm11, v44;
	s29 =	spop (v2sf);
	s30 =	sadd.s32 s28, s26  }
0x132: {  	[tilespmem:s28+$0x3180] =	vst.msk vm9, v45;
	s21 =	sadd.s32 s30, s29;
	s31 =	spop (v2sf)  }
0x133: {  	s19 =	simm.s32 $0x3F0;
	s20 =	simm.s32 $0x1470;
	[tilespmem:s30+$0x3180] =	vst.msk vm14, v46;
	s18 =	sadd.s32 s21, s31  }
0x134: {  	s22 =	simm.s32 $0x3F0;
	[tilespmem:s21+$0x3180] =	vst.msk vm15, v47;
	s21 =	simm.s32 $0x24F0;
	[smem:$0x0] =	sst s18  }
.LBB2_5:
0x135: {  	s22 =	sadd.s32 $0x100, s22  }
0x136: {  	p0 =	sne.s32 s22, $0x6F0  }
.Ltmp5:
0x137: {  	_ = 	snop;
	(pc) =	sbr.rel @!p0 .LBB2_6-.Ltmp5, $2  }
0x138: {  	_ =	sdelay $0x2  }
0x139: {  	s20 =	sadd.s32 $0x100, s20;
	s21 =	sadd.s32 $0x100, s21;
	s19 =	sadd.s32 $0x100, s19  }
.LBB2_3:
0x13a: {  	p0 =	sgt.s32 s18, $0x1F  }
.Ltmp6:
0x13b: {  	_ = 	snop;
	(pc) =	sbr.rel @p0 .LBB2_5-.Ltmp6, $1  }
0x13c: {  	_ =	sdelay $0x3  }
0x13d: {  	v2 =	vld [tilespmem:s19+$0xFFFFFF10]  }
0x13e: {  	v3 =	vld [tilespmem:s20+$0xFFFFFF10]  }
0x13f: {  	v51 =	vld [tilespmem:s19+$0xFFFFFF20]  }
0x140: {  	v52 =	vld [tilespmem:s20+$0xFFFFFF20]  }
0x141: {  	v53 =	vld [tilespmem:s21+$0xFFFFFF10]  }
0x142: {  	v54 =	vld [tilespmem:s21+$0xFFFFFF20]  }
0x143: {  	v55 =	vld [tilespmem:s19+$0xFFFFFF30]  }
0x144: {  	v58 =	vld [tilespmem:s20+$0xFFFFFF40]  }
0x145: {  	v56 =	vld [tilespmem:s20+$0xFFFFFF30]  }
0x146: {  	v57 =	vld [tilespmem:s19+$0xFFFFFF40];
	v2 =	vsub.f32 v2, v48;
	v3 =	vsub.f32 v3, v49  }
0x147: {  	v59 =	vld [tilespmem:s21+$0xFFFFFF30];
	v51 =	vsub.f32 v51, v48;
	v52 =	vsub.f32 v52, v49  }
0x148: {  	v53 =	vsub.f32 v53, v50;
	v54 =	vsub.f32 v54, v50  }
0x149: {  	v60 =	vld [tilespmem:s20+$0xFFFFFF50];
	v55 =	vsub.f32 v55, v48;
	v58 =	vsub.f32 v58, v49;
	v2 =	vmul.f32 v2, v2  }
0x14a: {  	v61 =	vld [tilespmem:s19+$0xFFFFFF60];
	v56 =	vsub.f32 v56, v49;
	v3 =	vmul.f32 v3, v3;
	v51 =	vmul.f32 v51, v51  }
0x14b: {  	v57 =	vsub.f32 v57, v48;
	v52 =	vmul.f32 v52, v52;
	v63 =	vmul.f32 v58, v58;
	v58 =	vld [tilespmem:s21+$0xFFFFFF50]  }
0x14c: {  	v59 =	vsub.f32 v59, v50;
	v53 =	vmul.f32 v53, v53;
	v2 =	vadd.f32 v3, v2;
	v3 =	vld [tilespmem:s21+$0xFFFFFF40]  }
0x14d: {  	v54 =	vmul.f32 v54, v54;
	v62 =	vmul.f32 v57, v57;
	v51 =	vadd.f32 v52, v51;
	v52 =	vld [tilespmem:s19+$0xFFFFFF50]  }
0x14e: {  	v2 =	vadd.f32 v53, v2;
	v53 =	vmul.f32 v55, v55;
	v55 =	vmul.f32 v56, v56;
	v56 =	vld [tilespmem:s20+$0xFFFFFF60]  }
0x14f: {  	v60 =	vsub.f32 v60, v49;
	v61 =	vsub.f32 v61, v48  }
0x150: {  	v57 =	vld [tilespmem:s19+$0xFFFFFF70];
	v51 =	vadd.f32 v54, v51;
	v54 =	vadd.f32 v63, v62  }
0x151: {  	v59 =	vmul.f32 v59, v59;
	v53 =	vadd.f32 v55, v53;
	v55 =	vld [tilespmem:s21+$0xFFFFFF60];
	v3 =	vsub.f32 v3, v50  }
0x152: {  	v62 =	vld [tilespmem:s20+$0xFFFFFF70];
	vm1 =	vlt.f32 v2, $3.999999910e-02;
	v2 =	vsub.f32 v58, v50;
	v52 =	vsub.f32 v52, v48  }
0x153: {  	v63 =	vld [tilespmem:s19+$0xFFFFFF80];
	vm0 =	vlt.f32 v51, $3.999999910e-02;
	v3 =	vmul.f32 v3, v3;
	v56 =	vsub.f32 v56, v49  }
0x154: {  	v53 =	vadd.f32 v59, v53;
	v59 =	vmul.f32 v60, v60;
	v60 =	vld [tilespmem:s20+$0xFFFFFF80];
	v52 =	vmul.f32 v52, v52  }
0x155: {  	v58 =	vld [tilespmem:s21+$0xFFFFFF80];
	v3 =	vadd.f32 v3, v54;
	v54 =	vmul.f32 v61, v61;
	v56 =	vmul.f32 v56, v56  }
0x156: {  	v2 =	vmul.f32 v2, v2;
	v61 =	vld [tilespmem:s21+$0xFFFFFF70];
	v52 =	vadd.f32 v59, v52;
	v51 =	vsub.f32 v55, v50  }
0x157: {  	vm3 =	vlt.f32 v53, $3.999999910e-02;
	v55 =	vld [tilespmem:s19+$0xFFFFFF90];
	v54 =	vadd.f32 v56, v54;
	v56 =	vsub.f32 v57, v48  }
0x158: {  	v59 =	vld [tilespmem:s20+$0xFFFFFF90];
	v57 =	vsub.f32 v62, v49;
	v51 =	vmul.f32 v51, v51;
	v62 =	vsub.f32 v63, v48  }
0x159: {  	v60 =	vsub.f32 v60, v49;
	v63 =	vld [tilespmem:s19+$0xFFFFFFA0];
	v2 =	vadd.f32 v2, v52;
	vm2 =	vlt.f32 v3, $3.999999910e-02  }
0x15a: {  	v3 =	vsub.f32 v58, v50;
	v52 =	vmul.f32 v56, v56;
	v56 =	vmul.f32 v57, v57;
	v57 =	vld [tilespmem:s20+$0xFFFFFFA0]  }
0x15b: {  	v58 =	vld [tilespmem:s19+$0xFFFFFFB0];
	v51 =	vadd.f32 v51, v54;
	v54 =	vmul.f32 v62, v62;
	v60 =	vmul.f32 v60, v60  }
0x15c: {  	v62 =	vld [tilespmem:s21+$0xFFFFFF90];
	v3 =	vmul.f32 v3, v3;
	v61 =	vsub.f32 v61, v50;
	v55 =	vsub.f32 v55, v48  }
0x15d: {  	vm5 =	vlt.f32 v2, $3.999999910e-02;
	v52 =	vadd.f32 v56, v52;
	v56 =	vld [tilespmem:s21+$0xFFFFFFA0];
	v54 =	vadd.f32 v60, v54  }
0x15e: {  	v59 =	vsub.f32 v59, v49;
	v53 =	vmul.f32 v61, v61;
	v61 =	vsub.f32 v63, v48;
	v63 =	vld [tilespmem:s19+$0xFFFFFFC0]  }
0x15f: {  	v60 =	vld [tilespmem:s20+$0xFFFFFFB0];
	vm4 =	vlt.f32 v51, $3.999999910e-02;
	v3 =	vadd.f32 v3, v54;
	v57 =	vsub.f32 v57, v49  }
0x160: {  	v52 =	vadd.f32 v53, v52;
	v53 =	vmul.f32 v55, v55;
	v55 =	vmul.f32 v59, v59;
	v59 =	vld [tilespmem:s20+$0xFFFFFFC0]  }
0x161: {  	v54 =	vmul.f32 v61, v61;
	v61 =	vld [tilespmem:s21+$0xFFFFFFB0];
	v2 =	vsub.f32 v62, v50;
	v57 =	vmul.f32 v57, v57  }
0x162: {  	vm7 =	vlt.f32 v3, $3.999999910e-02;
	v53 =	vadd.f32 v55, v53;
	v55 =	vld [tilespmem:s21+$0xFFFFFFC0];
	v51 =	vsub.f32 v56, v50  }
0x163: {  	v56 =	vld [tilespmem:s19+$0xFFFFFFD0];
	v2 =	vmul.f32 v2, v2;
	v62 =	vsub.f32 v63, v48;
	v54 =	vadd.f32 v57, v54  }
0x164: {  	vm8 =	vlt.f32 v52, $3.999999910e-02;
	v63 =	vld [tilespmem:s19+$0xFFFFFFE0];
	v57 =	vsub.f32 v58, v48;
	v58 =	vsub.f32 v60, v49  }
0x165: {  	v60 =	vld [tilespmem:s20+$0xFFFFFFD0];
	v51 =	vmul.f32 v51, v51;
	v2 =	vadd.f32 v2, v53;
	v59 =	vsub.f32 v59, v49  }
0x166: {  	v52 =	vsub.f32 v61, v50;
	v53 =	vmul.f32 v57, v57;
	v57 =	vmul.f32 v58, v58;
	v58 =	vld [tilespmem:s20+$0xFFFFFFE0]  }
0x167: {  	v51 =	vadd.f32 v51, v54;
	v54 =	vmul.f32 v62, v62;
	v62 =	vld [tilespmem:s21+$0xFFFFFFD0];
	vm6 =	vlt.f32 v2, $3.999999910e-02  }
0x168: {  	v59 =	vmul.f32 v59, v59;
	v3 =	vsub.f32 v55, v50;
	v53 =	vadd.f32 v57, v53;
	v57 =	vld [tilespmem:s21+$0xFFFFFFE0]  }
0x169: {  	v2 =	vsub.f32 v56, v48;
	v52 =	vmul.f32 v52, v52;
	v56 =	vsub.f32 v63, v48  }
0x16a: {  	vm13 =	vlt.f32 v51, $3.999999910e-02;
	v54 =	vadd.f32 v59, v54;
	v61 =	vsub.f32 v60, v49;
	v60 =	vld [tilespmem:s19+$0xFFFFFFF0]  }
0x16b: {  	v2 =	vmul.f32 v2, v2;
	v3 =	vmul.f32 v3, v3;
	v58 =	vsub.f32 v58, v49  }
0x16c: {  	v56 =	vmul.f32 v56, v56;
	v59 =	vsub.f32 v62, v50;
	v55 =	vmul.f32 v61, v61  }
0x16d: {  	v52 =	vadd.f32 v52, v53;
	v61 =	vld [tilespmem:s20+$0xFFFFFFF0];
	v57 =	vsub.f32 v57, v50;
	v58 =	vmul.f32 v58, v58  }
0x16e: {  	v63 =	vld [tilespmem:s19+$0x0];
	v3 =	vadd.f32 v3, v54;
	v2 =	vadd.f32 v55, v2;
	v55 =	vmul.f32 v59, v59  }
0x16f: {  	v60 =	vsub.f32 v60, v48;
	v53 =	vadd.f32 v58, v56;
	v62 =	vmul.f32 v57, v57  }
0x170: {  	vm12 =	vlt.f32 v52, $3.999999910e-02;
	vm11 =	vlt.f32 v3, $3.999999910e-02;
	v2 =	vadd.f32 v55, v2;
	v58 =	vld [tilespmem:s20+$0x0]  }
0x171: {  	v57 =	vmpcnt.ones.xlane vm5;
	v3 =	vmul.f32 v60, v60;
	v59 =	vadd.f32 v62, v53  }
0x172: {  	vm10 =	vlt.f32 v2, $3.999999910e-02;
	v2 =	vsub.f32 v61, v49;
	v62 =	vmpcnt.ones.xlane vm1  }
0x173: {  	v60 =	vld [tilespmem:s21+$0xFFFFFFF0];
	v53 =	vsub.f32 v63, v48;
	v63 =	vmpcnt.ones.xlane vm0;
	v61 =	vmpcnt.ones.xlane vm3  }
0x174: {  	vm9 =	vlt.f32 v59, $3.999999910e-02;
	v2 =	vmul.f32 v2, v2;
	(v2sf) =	vpush v62, $0x0  }
0x175: {  	v62 =	vld [tilespmem:s21+$0x0];
	v51 =	vsub.f32 v58, v49;
	(v2sf) =	vpush v63, $0x0;
	v63 =	vmpcnt.ones.xlane vm2  }
0x176: {  	v53 =	vmul.f32 v53, v53;
	(v2sf) =	vpush v61, $0x0;
	v2 =	vadd.f32 v2, v3  }
0x177: {  	v3 =	vmpcnt.ones.xlane vm4;
	v51 =	vmul.f32 v51, v51;
	(v2sf) =	vpush v63, $0x0  }
0x178: {  	v58 =	vmpcnt.ones.xlane vm8;
	v59 =	vsub.f32 v60, v50;
	(v2sf) =	vpush v57, $0x0  }
0x179: {  	v51 =	vadd.f32 v51, v53;
	(v2sf) =	vpush v3, $0x0;
	v3 =	vmpcnt.ones.xlane vm7  }
0x17a: {  	v61 =	vmpcnt.ones.xlane vm6;
	v60 =	vsub.f32 v62, v50;
	(v2sf) =	vpush v58, $0x0  }
0x17b: {  	v53 =	vmul.f32 v59, v59;
	(v2sf) =	vpush v3, $0x0;
	v3 =	vmpcnt.ones.xlane vm13  }
0x17c: {  	v62 =	vmpcnt.ones.xlane vm12;
	v54 =	vmul.f32 v60, v60;
	(v2sf) =	vpush v61, $0x0  }
0x17d: {  	v2 =	vadd.f32 v53, v2;
	(v2sf) =	vpush v3, $0x0;
	v3 =	vmpcnt.ones.xlane vm11  }
0x17e: {  	v63 =	vmpcnt.ones.xlane vm10;
	v51 =	vadd.f32 v54, v51;
	(v2sf) =	vpush v62, $0x0  }
0x17f: {  	vm14 =	vlt.f32 v2, $3.999999910e-02;
	v2 =	vmpcnt.ones.xlane vm9;
	(v2sf) =	vpush v3, $0x0  }
0x180: {  	vm15 =	vlt.f32 v51, $3.999999910e-02;
	v3 =	vmpcnt.ones.xlane vm14;
	(v2sf) =	vpush v63, $0x0  }
0x181: {  	(v2sf) =	vpush v2, $0x0;
	v2 =	vmpcnt.ones.xlane vm15  }
0x182: {  	(v2sf) =	vpush v3, $0x0  }
0x183: {  	s23 =	sadd.s32 $0xFFFFFF10, s22;
	s26 =	sadd.s32 $0xFFFFFF20, s22;
	s24 =	spop (v2sf);
	(v2sf) =	vpush v2, $0x0  }
0x184: {  	s28 =	sadd.s32 $0xFFFFFF30, s22;
	v2 =	vor.u32 s23, v0;
	s25 =	spop (v2sf);
	s30 =	sadd.s32 s18, s24  }
0x185: {  	s29 =	sadd.s32 $0xFFFFFF40, s22;
	[tilespmem:s18+$0x3180] =	vst.msk vm1, v2;
	v2 =	vor.u32 s26, v0;
	s31 =	spop (v2sf);
	s26 =	sadd.s32 s30, s25  }
0x186: {  	[tilespmem:s30+$0x3180] =	vst.msk vm0, v2;
	v2 =	vor.u32 s28, v0;
	s25 =	spop (v2sf);
	s24 =	sadd.s32 s26, s31;
	s31 =	sadd.s32 $0xFFFFFF50, s22  }
0x187: {  	[tilespmem:s26+$0x3180] =	vst.msk vm3, v2;
	v2 =	vor.u32 s29, v0;
	s29 =	sadd.s32 $0xFFFFFF60, s22;
	s30 =	spop (v2sf);
	s26 =	sadd.s32 s24, s25  }
0x188: {  	[tilespmem:s24+$0x3180] =	vst.msk vm2, v2;
	v2 =	vor.u32 s31, v0;
	s31 =	sadd.s32 $0xFFFFFF70, s22;
	s25 =	spop (v2sf);
	s24 =	sadd.s32 s26, s30  }
0x189: {  	[tilespmem:s26+$0x3180] =	vst.msk vm5, v2;
	v2 =	vor.u32 s29, v0;
	s29 =	sadd.s32 $0xFFFFFF80, s22;
	s30 =	spop (v2sf);
	s26 =	sadd.s32 s24, s25  }
0x18a: {  	[tilespmem:s24+$0x3180] =	vst.msk vm4, v2;
	v2 =	vor.u32 s31, v0;
	s31 =	sadd.s32 $0xFFFFFF90, s22;
	s25 =	spop (v2sf);
	s24 =	sadd.s32 s26, s30  }
0x18b: {  	[tilespmem:s26+$0x3180] =	vst.msk vm8, v2;
	v2 =	vor.u32 s29, v0;
	s29 =	sadd.s32 $0xFFFFFFA0, s22;
	s30 =	spop (v2sf);
	s26 =	sadd.s32 s24, s25  }
0x18c: {  	[tilespmem:s24+$0x3180] =	vst.msk vm7, v2;
	v2 =	vor.u32 s31, v0;
	s31 =	sadd.s32 $0xFFFFFFB0, s22;
	s25 =	spop (v2sf);
	s24 =	sadd.s32 s26, s30  }
0x18d: {  	[tilespmem:s26+$0x3180] =	vst.msk vm6, v2;
	v2 =	vor.u32 s29, v0;
	s29 =	sadd.s32 $0xFFFFFFC0, s22;
	s30 =	spop (v2sf);
	s26 =	sadd.s32 s24, s25  }
0x18e: {  	[tilespmem:s24+$0x3180] =	vst.msk vm13, v2;
	v2 =	vor.u32 s31, v0;
	s31 =	sadd.s32 $0xFFFFFFD0, s22;
	s25 =	spop (v2sf);
	s24 =	sadd.s32 s26, s30  }
0x18f: {  	[tilespmem:s26+$0x3180] =	vst.msk vm12, v2;
	v2 =	vor.u32 s29, v0;
	s29 =	sadd.s32 $0xFFFFFFE0, s22;
	s30 =	spop (v2sf);
	s26 =	sadd.s32 s24, s25  }
.Ltmp7:
0x190: {  	[tilespmem:s24+$0x3180] =	vst.msk vm11, v2;
	v2 =	vor.u32 s31, v0;
	s25 =	spop (v2sf);
	s24 =	sadd.s32 s26, s30;
	(pc) =	sbr.rel .LBB2_5-.Ltmp7, $4  }
0x191: {  	s31 =	sadd.s32 $0xFFFFFFF0, s22;
	[tilespmem:s26+$0x3180] =	vst.msk vm10, v2;
	v2 =	vor.u32 s29, v0;
	s30 =	spop (v2sf);
	s29 =	sadd.s32 s24, s25  }
0x192: {  	[tilespmem:s24+$0x3180] =	vst.msk vm9, v2;
	v2 =	vor.u32 s31, v0;
	s30 =	sadd.s32 s29, s30;
	s31 =	spop (v2sf)  }
0x193: {  	[tilespmem:s29+$0x3180] =	vst.msk vm14, v2;
	v2 =	vor.u32 s22, v0;
	s18 =	sadd.s32 s30, s31  }
0x194: {  	[tilespmem:s30+$0x3180] =	vst.msk vm15, v2;
	[smem:$0x0] =	sst s18  }
.LBB2_6:
0x195: {  	p0 =	sgt.s32 s18, $0x1F  }
.Ltmp8:
0x196: {  	_ = 	snop;
	(pc) =	sbr.rel @p0 .LBB2_11-.Ltmp8, $1  }
0x197: {  	_ =	sdelay $0x3  }
.Ltmp9:
0x198: {  	(pc) =	sbr.rel .LBB2_8-.Ltmp9, $3  }
0x199: {  	_ =	sdelay $0x1  }
0x19a: {  	s19 =	simm.s32 $0x6F0  }
0x19b: {  	s20 =	simm.s32 $0x1770;
	s21 =	simm.s32 $0x27F0;
	s22 =	simm.s32 $0x6F0  }
.LBB2_10:
0x19c: {  	s22 =	sadd.s32 $0x100, s22  }
0x19d: {  	p0 =	sne.s32 s22, $0x10F0  }
.Ltmp10:
0x19e: {  	_ = 	snop;
	(pc) =	sbr.rel @!p0 .LBB2_11-.Ltmp10, $2  }
0x19f: {  	_ =	sdelay $0x2  }
0x1a0: {  	s20 =	sadd.s32 $0x100, s20;
	s21 =	sadd.s32 $0x100, s21;
	s19 =	sadd.s32 $0x100, s19  }
.LBB2_8:
0x1a1: {  	p0 =	sgt.s32 s18, $0x1F  }
.Ltmp11:
0x1a2: {  	_ = 	snop;
	(pc) =	sbr.rel @p0 .LBB2_10-.Ltmp11, $1  }
0x1a3: {  	_ =	sdelay $0x3  }
0x1a4: {  	v2 =	vld [tilespmem:s19+$0xFFFFFF10]  }
0x1a5: {  	v3 =	vld [tilespmem:s20+$0xFFFFFF10]  }
0x1a6: {  	v51 =	vld [tilespmem:s19+$0xFFFFFF20]  }
0x1a7: {  	v52 =	vld [tilespmem:s20+$0xFFFFFF20]  }
0x1a8: {  	v53 =	vld [tilespmem:s21+$0xFFFFFF10]  }
0x1a9: {  	v54 =	vld [tilespmem:s21+$0xFFFFFF20]  }
0x1aa: {  	v55 =	vld [tilespmem:s19+$0xFFFFFF30]  }
0x1ab: {  	v58 =	vld [tilespmem:s20+$0xFFFFFF40]  }
0x1ac: {  	v56 =	vld [tilespmem:s20+$0xFFFFFF30]  }
0x1ad: {  	v57 =	vld [tilespmem:s19+$0xFFFFFF40];
	v2 =	vsub.f32 v2, v48;
	v3 =	vsub.f32 v3, v49  }
0x1ae: {  	v59 =	vld [tilespmem:s21+$0xFFFFFF30];
	v51 =	vsub.f32 v51, v48;
	v52 =	vsub.f32 v52, v49  }
0x1af: {  	v53 =	vsub.f32 v53, v50;
	v54 =	vsub.f32 v54, v50  }
0x1b0: {  	v60 =	vld [tilespmem:s20+$0xFFFFFF50];
	v55 =	vsub.f32 v55, v48;
	v58 =	vsub.f32 v58, v49;
	v2 =	vmul.f32 v2, v2  }
0x1b1: {  	v61 =	vld [tilespmem:s19+$0xFFFFFF60];
	v56 =	vsub.f32 v56, v49;
	v3 =	vmul.f32 v3, v3;
	v51 =	vmul.f32 v51, v51  }
0x1b2: {  	v57 =	vsub.f32 v57, v48;
	v52 =	vmul.f32 v52, v52;
	v63 =	vmul.f32 v58, v58;
	v58 =	vld [tilespmem:s21+$0xFFFFFF50]  }
0x1b3: {  	v59 =	vsub.f32 v59, v50;
	v53 =	vmul.f32 v53, v53;
	v2 =	vadd.f32 v3, v2;
	v3 =	vld [tilespmem:s21+$0xFFFFFF40]  }
0x1b4: {  	v54 =	vmul.f32 v54, v54;
	v62 =	vmul.f32 v57, v57;
	v51 =	vadd.f32 v52, v51;
	v52 =	vld [tilespmem:s19+$0xFFFFFF50]  }
0x1b5: {  	v2 =	vadd.f32 v53, v2;
	v53 =	vmul.f32 v55, v55;
	v55 =	vmul.f32 v56, v56;
	v56 =	vld [tilespmem:s20+$0xFFFFFF60]  }
0x1b6: {  	v60 =	vsub.f32 v60, v49;
	v61 =	vsub.f32 v61, v48  }
0x1b7: {  	v57 =	vld [tilespmem:s19+$0xFFFFFF70];
	v51 =	vadd.f32 v54, v51;
	v54 =	vadd.f32 v63, v62  }
0x1b8: {  	v59 =	vmul.f32 v59, v59;
	v53 =	vadd.f32 v55, v53;
	v55 =	vld [tilespmem:s21+$0xFFFFFF60];
	v3 =	vsub.f32 v3, v50  }
0x1b9: {  	v62 =	vld [tilespmem:s20+$0xFFFFFF70];
	vm1 =	vlt.f32 v2, $3.999999910e-02;
	v2 =	vsub.f32 v58, v50;
	v52 =	vsub.f32 v52, v48  }
0x1ba: {  	v63 =	vld [tilespmem:s19+$0xFFFFFF80];
	vm0 =	vlt.f32 v51, $3.999999910e-02;
	v3 =	vmul.f32 v3, v3;
	v56 =	vsub.f32 v56, v49  }
0x1bb: {  	v53 =	vadd.f32 v59, v53;
	v59 =	vmul.f32 v60, v60;
	v60 =	vld [tilespmem:s20+$0xFFFFFF80];
	v52 =	vmul.f32 v52, v52  }
0x1bc: {  	v58 =	vld [tilespmem:s21+$0xFFFFFF80];
	v3 =	vadd.f32 v3, v54;
	v54 =	vmul.f32 v61, v61;
	v56 =	vmul.f32 v56, v56  }
0x1bd: {  	v2 =	vmul.f32 v2, v2;
	v61 =	vld [tilespmem:s21+$0xFFFFFF70];
	v52 =	vadd.f32 v59, v52;
	v51 =	vsub.f32 v55, v50  }
0x1be: {  	vm3 =	vlt.f32 v53, $3.999999910e-02;
	v55 =	vld [tilespmem:s19+$0xFFFFFF90];
	v54 =	vadd.f32 v56, v54;
	v56 =	vsub.f32 v57, v48  }
0x1bf: {  	v59 =	vld [tilespmem:s20+$0xFFFFFF90];
	v57 =	vsub.f32 v62, v49;
	v51 =	vmul.f32 v51, v51;
	v62 =	vsub.f32 v63, v48  }
0x1c0: {  	v60 =	vsub.f32 v60, v49;
	v63 =	vld [tilespmem:s19+$0xFFFFFFA0];
	v2 =	vadd.f32 v2, v52;
	vm2 =	vlt.f32 v3, $3.999999910e-02  }
0x1c1: {  	v3 =	vsub.f32 v58, v50;
	v52 =	vmul.f32 v56, v56;
	v56 =	vmul.f32 v57, v57;
	v57 =	vld [tilespmem:s20+$0xFFFFFFA0]  }
0x1c2: {  	v58 =	vld [tilespmem:s19+$0xFFFFFFB0];
	v51 =	vadd.f32 v51, v54;
	v54 =	vmul.f32 v62, v62;
	v60 =	vmul.f32 v60, v60  }
0x1c3: {  	v62 =	vld [tilespmem:s21+$0xFFFFFF90];
	v3 =	vmul.f32 v3, v3;
	v61 =	vsub.f32 v61, v50;
	v55 =	vsub.f32 v55, v48  }
0x1c4: {  	vm5 =	vlt.f32 v2, $3.999999910e-02;
	v52 =	vadd.f32 v56, v52;
	v56 =	vld [tilespmem:s21+$0xFFFFFFA0];
	v54 =	vadd.f32 v60, v54  }
0x1c5: {  	v59 =	vsub.f32 v59, v49;
	v53 =	vmul.f32 v61, v61;
	v61 =	vsub.f32 v63, v48;
	v63 =	vld [tilespmem:s19+$0xFFFFFFC0]  }
0x1c6: {  	v60 =	vld [tilespmem:s20+$0xFFFFFFB0];
	vm4 =	vlt.f32 v51, $3.999999910e-02;
	v3 =	vadd.f32 v3, v54;
	v57 =	vsub.f32 v57, v49  }
0x1c7: {  	v52 =	vadd.f32 v53, v52;
	v53 =	vmul.f32 v55, v55;
	v55 =	vmul.f32 v59, v59;
	v59 =	vld [tilespmem:s20+$0xFFFFFFC0]  }
0x1c8: {  	v54 =	vmul.f32 v61, v61;
	v61 =	vld [tilespmem:s21+$0xFFFFFFB0];
	v2 =	vsub.f32 v62, v50;
	v57 =	vmul.f32 v57, v57  }
0x1c9: {  	vm7 =	vlt.f32 v3, $3.999999910e-02;
	v53 =	vadd.f32 v55, v53;
	v55 =	vld [tilespmem:s21+$0xFFFFFFC0];
	v51 =	vsub.f32 v56, v50  }
0x1ca: {  	v56 =	vld [tilespmem:s19+$0xFFFFFFD0];
	v2 =	vmul.f32 v2, v2;
	v62 =	vsub.f32 v63, v48;
	v54 =	vadd.f32 v57, v54  }
0x1cb: {  	vm8 =	vlt.f32 v52, $3.999999910e-02;
	v63 =	vld [tilespmem:s19+$0xFFFFFFE0];
	v57 =	vsub.f32 v58, v48;
	v58 =	vsub.f32 v60, v49  }
0x1cc: {  	v60 =	vld [tilespmem:s20+$0xFFFFFFD0];
	v51 =	vmul.f32 v51, v51;
	v2 =	vadd.f32 v2, v53;
	v59 =	vsub.f32 v59, v49  }
0x1cd: {  	v52 =	vsub.f32 v61, v50;
	v53 =	vmul.f32 v57, v57;
	v57 =	vmul.f32 v58, v58;
	v58 =	vld [tilespmem:s20+$0xFFFFFFE0]  }
0x1ce: {  	v51 =	vadd.f32 v51, v54;
	v54 =	vmul.f32 v62, v62;
	v62 =	vld [tilespmem:s21+$0xFFFFFFD0];
	vm6 =	vlt.f32 v2, $3.999999910e-02  }
0x1cf: {  	v59 =	vmul.f32 v59, v59;
	v3 =	vsub.f32 v55, v50;
	v53 =	vadd.f32 v57, v53;
	v57 =	vld [tilespmem:s21+$0xFFFFFFE0]  }
0x1d0: {  	v2 =	vsub.f32 v56, v48;
	v52 =	vmul.f32 v52, v52;
	v56 =	vsub.f32 v63, v48  }
0x1d1: {  	vm13 =	vlt.f32 v51, $3.999999910e-02;
	v54 =	vadd.f32 v59, v54;
	v61 =	vsub.f32 v60, v49;
	v60 =	vld [tilespmem:s19+$0xFFFFFFF0]  }
0x1d2: {  	v2 =	vmul.f32 v2, v2;
	v3 =	vmul.f32 v3, v3;
	v58 =	vsub.f32 v58, v49  }
0x1d3: {  	v56 =	vmul.f32 v56, v56;
	v59 =	vsub.f32 v62, v50;
	v55 =	vmul.f32 v61, v61  }
0x1d4: {  	v52 =	vadd.f32 v52, v53;
	v61 =	vld [tilespmem:s20+$0xFFFFFFF0];
	v57 =	vsub.f32 v57, v50;
	v58 =	vmul.f32 v58, v58  }
0x1d5: {  	v63 =	vld [tilespmem:s19+$0x0];
	v3 =	vadd.f32 v3, v54;
	v2 =	vadd.f32 v55, v2;
	v55 =	vmul.f32 v59, v59  }
0x1d6: {  	v60 =	vsub.f32 v60, v48;
	v53 =	vadd.f32 v58, v56;
	v62 =	vmul.f32 v57, v57  }
0x1d7: {  	vm12 =	vlt.f32 v52, $3.999999910e-02;
	vm11 =	vlt.f32 v3, $3.999999910e-02;
	v2 =	vadd.f32 v55, v2;
	v58 =	vld [tilespmem:s20+$0x0]  }
0x1d8: {  	v57 =	vmpcnt.ones.xlane vm5;
	v3 =	vmul.f32 v60, v60;
	v59 =	vadd.f32 v62, v53  }
0x1d9: {  	vm10 =	vlt.f32 v2, $3.999999910e-02;
	v2 =	vsub.f32 v61, v49;
	v62 =	vmpcnt.ones.xlane vm1  }
0x1da: {  	v60 =	vld [tilespmem:s21+$0xFFFFFFF0];
	v53 =	vsub.f32 v63, v48;
	v63 =	vmpcnt.ones.xlane vm0;
	v61 =	vmpcnt.ones.xlane vm3  }
0x1db: {  	vm9 =	vlt.f32 v59, $3.999999910e-02;
	v2 =	vmul.f32 v2, v2;
	(v2sf) =	vpush v62, $0x0  }
0x1dc: {  	v62 =	vld [tilespmem:s21+$0x0];
	v51 =	vsub.f32 v58, v49;
	(v2sf) =	vpush v63, $0x0;
	v63 =	vmpcnt.ones.xlane vm2  }
0x1dd: {  	v53 =	vmul.f32 v53, v53;
	(v2sf) =	vpush v61, $0x0;
	v2 =	vadd.f32 v2, v3  }
0x1de: {  	v3 =	vmpcnt.ones.xlane vm4;
	v51 =	vmul.f32 v51, v51;
	(v2sf) =	vpush v63, $0x0  }
0x1df: {  	v58 =	vmpcnt.ones.xlane vm8;
	v59 =	vsub.f32 v60, v50;
	(v2sf) =	vpush v57, $0x0  }
0x1e0: {  	v51 =	vadd.f32 v51, v53;
	(v2sf) =	vpush v3, $0x0;
	v3 =	vmpcnt.ones.xlane vm7  }
0x1e1: {  	v61 =	vmpcnt.ones.xlane vm6;
	v60 =	vsub.f32 v62, v50;
	(v2sf) =	vpush v58, $0x0  }
0x1e2: {  	v53 =	vmul.f32 v59, v59;
	(v2sf) =	vpush v3, $0x0;
	v3 =	vmpcnt.ones.xlane vm13  }
0x1e3: {  	v62 =	vmpcnt.ones.xlane vm12;
	v54 =	vmul.f32 v60, v60;
	(v2sf) =	vpush v61, $0x0  }
0x1e4: {  	v2 =	vadd.f32 v53, v2;
	(v2sf) =	vpush v3, $0x0;
	v3 =	vmpcnt.ones.xlane vm11  }
0x1e5: {  	v63 =	vmpcnt.ones.xlane vm10;
	v51 =	vadd.f32 v54, v51;
	(v2sf) =	vpush v62, $0x0  }
0x1e6: {  	vm14 =	vlt.f32 v2, $3.999999910e-02;
	v2 =	vmpcnt.ones.xlane vm9;
	(v2sf) =	vpush v3, $0x0  }
0x1e7: {  	vm15 =	vlt.f32 v51, $3.999999910e-02;
	v3 =	vmpcnt.ones.xlane vm14;
	(v2sf) =	vpush v63, $0x0  }
0x1e8: {  	(v2sf) =	vpush v2, $0x0;
	v2 =	vmpcnt.ones.xlane vm15  }
0x1e9: {  	(v2sf) =	vpush v3, $0x0  }
0x1ea: {  	s23 =	sadd.s32 $0xFFFFFF10, s22;
	s26 =	sadd.s32 $0xFFFFFF20, s22;
	s24 =	spop (v2sf);
	(v2sf) =	vpush v2, $0x0  }
0x1eb: {  	s28 =	sadd.s32 $0xFFFFFF30, s22;
	v2 =	vor.u32 s23, v0;
	s25 =	spop (v2sf);
	s30 =	sadd.s32 s18, s24  }
0x1ec: {  	s29 =	sadd.s32 $0xFFFFFF40, s22;
	[tilespmem:s18+$0x3180] =	vst.msk vm1, v2;
	v2 =	vor.u32 s26, v0;
	s31 =	spop (v2sf);
	s26 =	sadd.s32 s30, s25  }
0x1ed: {  	[tilespmem:s30+$0x3180] =	vst.msk vm0, v2;
	v2 =	vor.u32 s28, v0;
	s25 =	spop (v2sf);
	s24 =	sadd.s32 s26, s31;
	s31 =	sadd.s32 $0xFFFFFF50, s22  }
0x1ee: {  	[tilespmem:s26+$0x3180] =	vst.msk vm3, v2;
	v2 =	vor.u32 s29, v0;
	s29 =	sadd.s32 $0xFFFFFF60, s22;
	s30 =	spop (v2sf);
	s26 =	sadd.s32 s24, s25  }
0x1ef: {  	[tilespmem:s24+$0x3180] =	vst.msk vm2, v2;
	v2 =	vor.u32 s31, v0;
	s31 =	sadd.s32 $0xFFFFFF70, s22;
	s25 =	spop (v2sf);
	s24 =	sadd.s32 s26, s30  }
0x1f0: {  	[tilespmem:s26+$0x3180] =	vst.msk vm5, v2;
	v2 =	vor.u32 s29, v0;
	s29 =	sadd.s32 $0xFFFFFF80, s22;
	s30 =	spop (v2sf);
	s26 =	sadd.s32 s24, s25  }
0x1f1: {  	[tilespmem:s24+$0x3180] =	vst.msk vm4, v2;
	v2 =	vor.u32 s31, v0;
	s31 =	sadd.s32 $0xFFFFFF90, s22;
	s25 =	spop (v2sf);
	s24 =	sadd.s32 s26, s30  }
0x1f2: {  	[tilespmem:s26+$0x3180] =	vst.msk vm8, v2;
	v2 =	vor.u32 s29, v0;
	s29 =	sadd.s32 $0xFFFFFFA0, s22;
	s30 =	spop (v2sf);
	s26 =	sadd.s32 s24, s25  }
0x1f3: {  	[tilespmem:s24+$0x3180] =	vst.msk vm7, v2;
	v2 =	vor.u32 s31, v0;
	s31 =	sadd.s32 $0xFFFFFFB0, s22;
	s25 =	spop (v2sf);
	s24 =	sadd.s32 s26, s30  }
0x1f4: {  	[tilespmem:s26+$0x3180] =	vst.msk vm6, v2;
	v2 =	vor.u32 s29, v0;
	s29 =	sadd.s32 $0xFFFFFFC0, s22;
	s30 =	spop (v2sf);
	s26 =	sadd.s32 s24, s25  }
0x1f5: {  	[tilespmem:s24+$0x3180] =	vst.msk vm13, v2;
	v2 =	vor.u32 s31, v0;
	s31 =	sadd.s32 $0xFFFFFFD0, s22;
	s25 =	spop (v2sf);
	s24 =	sadd.s32 s26, s30  }
0x1f6: {  	[tilespmem:s26+$0x3180] =	vst.msk vm12, v2;
	v2 =	vor.u32 s29, v0;
	s29 =	sadd.s32 $0xFFFFFFE0, s22;
	s30 =	spop (v2sf);
	s26 =	sadd.s32 s24, s25  }
.Ltmp12:
0x1f7: {  	[tilespmem:s24+$0x3180] =	vst.msk vm11, v2;
	v2 =	vor.u32 s31, v0;
	s25 =	spop (v2sf);
	s24 =	sadd.s32 s26, s30;
	(pc) =	sbr.rel .LBB2_10-.Ltmp12, $4  }
0x1f8: {  	s31 =	sadd.s32 $0xFFFFFFF0, s22;
	[tilespmem:s26+$0x3180] =	vst.msk vm10, v2;
	v2 =	vor.u32 s29, v0;
	s30 =	spop (v2sf);
	s29 =	sadd.s32 s24, s25  }
0x1f9: {  	[tilespmem:s24+$0x3180] =	vst.msk vm9, v2;
	v2 =	vor.u32 s31, v0;
	s30 =	sadd.s32 s29, s30;
	s31 =	spop (v2sf)  }
0x1fa: {  	[tilespmem:s29+$0x3180] =	vst.msk vm14, v2;
	v2 =	vor.u32 s22, v0;
	s18 =	sadd.s32 s30, s31  }
0x1fb: {  	[tilespmem:s30+$0x3180] =	vst.msk vm15, v2;
	[smem:$0x0] =	sst s18  }
.LBB2_13:
0x1fc: {  	_ =	sfence.sel $0x180000  }
0x1fd: {  	[bflag:$0x0] =	sbarrier.arrive $0xFFFF  }
0x1fe: {  	p0 =	sne.s32 s1, $0x0;
	_ =	strace $0x90000047  }
0x1ff: {  	s0 =	sadd.s32 @!p0 $0x100000, s0;
	[bflag:$0x2] =	sbarrier.arrive $0xFFFF  }
0x200: {  	[sflag:s0] =	ssyncadd.tile.s32 @!p0 $0x1;
	_ =	shalt  }
.Lfunc_end2:
_tile_overlayer_lowered:
.L_overlay_start_2:
0x201: {  	(tag) =	ssettag $0x2  }
0x202: {  	s0 =	rddreg [dreg:$0x0];
	s2 =	stileid.u32  }
0x203: {  	s1 =	rddreg [dreg:$0x1];
	p0 =	sne.s32 s2, $0x0  }
0x204: {  	s3 =	rddreg [dreg:$0x2];
	[bflag:$0x3] =	sbarrier.arrive $0xFFFF;
	s2 =	simm.s32 @!p0 $0x1C01  }
0x205: {  	[timem:s3], [sflag:s2] =	dma.local @!p0 [hbm:s0], s1  }
0x206: {  	s0 =	simm.s32 @!p0 $0x1  }
0x207: {  	_ =	swait.ge @!p0 [sflag:s0], s1  }
0x208: {  	s1 =	ssub.s32 @!p0 $0x0, s1;
	[sflag:s0] =	ssyncset.done @!p0 $0x0  }
0x209: {  	[sflag:s0] =	ssyncadd.s32 @!p0 s1  }
0x20a: {  	[bflag:$0x3] =	sbarrier.arrive $0xFFFF  }
0x20b: {  	_ =	shalt  }

</sc_bundles>
